<compile_context>
chip_gen: v7x
topology: tpu7x:2x2x1
jax: 0.10.2.dev20260603
libtpu: 0.0.44.dev20260713+nightly
codegen_flags: <defaults>
</compile_context>

<pallas_src>
import functools

import numpy as np
import jax
import jax.numpy as jnp
from jax import lax
from jax.experimental import pallas as pl
from jax.experimental.pallas import tpu as pltpu
from jax.experimental.pallas import tpu_sc as plsc

D_MODEL = 256
N_LEVELS = 4
N_HEADS = 8
N_POINTS = 4
HEAD_DIM = D_MODEL // N_HEADS
B = 2
SPATIAL = np.array([[64, 64], [32, 32], [16, 16], [8, 8]], dtype=np.int64)
LSI = np.concatenate([[0], np.cumsum(SPATIAL[:, 0] * SPATIAL[:, 1])[:-1]])
TOTAL = int((SPATIAL[:, 0] * SPATIAL[:, 1]).sum())
BN = B * TOTAL
HLP = N_HEADS * N_LEVELS * N_POINTS
QB = 544
NBLK = BN // QB
NCORES = 2
NSUBCORES = 16
RPW = TOTAL // NSUBCORES
HTOT2 = TOTAL // 2
PARITY_OFF = N_HEADS * HTOT2
TROWS = 2 * N_HEADS * HTOT2

_lv = (np.arange(HLP) // N_POINTS) % N_LEVELS
_hv = (np.arange(HLP) // (N_LEVELS * N_POINTS)).astype(np.int32)
_Wl = SPATIAL[_lv, 1].astype(np.float32)
_Hl = SPATIAL[_lv, 0].astype(np.float32)
_lsiv = LSI[_lv].astype(np.int32)
_m = np.arange(D_MODEL)
_UNPACK_PERM = ((_m // HEAD_DIM) * HEAD_DIM
                + np.where(_m % HEAD_DIM < 16, 2 * (_m % HEAD_DIM),
                           2 * (_m % HEAD_DIM - 16) + 1))
_SUM16 = (np.arange(HLP)[:, None] // (N_LEVELS * N_POINTS)
          == np.arange(N_HEADS)[None, :]).astype(np.float32)
_EVEN = np.zeros((D_MODEL, D_MODEL // 2), np.float32)
_ODD = np.zeros((D_MODEL, D_MODEL // 2), np.float32)
_EVEN[2 * np.arange(D_MODEL // 2), np.arange(D_MODEL // 2)] = 1.0
_ODD[2 * np.arange(D_MODEL // 2) + 1, np.arange(D_MODEL // 2)] = 1.0


def _pack_body(x_ref, e_ref, o_ref, t_ref):
    x = x_ref[...]
    xe = jnp.dot(x, e_ref[...], preferred_element_type=jnp.float32)
    xo = jnp.dot(x, o_ref[...], preferred_element_type=jnp.float32)
    be = jax.lax.bitcast_convert_type(
        xe.astype(jnp.bfloat16).astype(jnp.float32), jnp.uint32)
    bo = jax.lax.bitcast_convert_type(
        xo.astype(jnp.bfloat16).astype(jnp.float32), jnp.uint32)
    t_ref[...] = jax.lax.bitcast_convert_type(bo | (be >> 16), jnp.int32)


def _pack_table(xf):
    return pl.pallas_call(
        _pack_body,
        grid=(NBLK,),
        in_specs=[
            pl.BlockSpec((QB, D_MODEL), lambda i: (i, 0)),
            pl.BlockSpec((D_MODEL, D_MODEL // 2), lambda i: (0, 0)),
            pl.BlockSpec((D_MODEL, D_MODEL // 2), lambda i: (0, 0)),
        ],
        out_specs=pl.BlockSpec((QB, D_MODEL // 2), lambda i: (i, 0)),
        out_shape=jax.ShapeDtypeStruct((BN, D_MODEL // 2), jnp.int32),
    )(xf, jnp.asarray(_EVEN), jnp.asarray(_ODD))


def _stage_a_body(q_ref, rpx_ref, rpy_ref, wx_ref, wy_ref, bx_ref, by_ref,
                  wa_ref, ba_ref, sum16_ref, sum16t_ref, cst_ref,
                  idx_ref, wgt_ref):
    q = q_ref[...]
    offx = jnp.dot(q, wx_ref[...], preferred_element_type=jnp.float32) + bx_ref[...]
    offy = jnp.dot(q, wy_ref[...], preferred_element_type=jnp.float32) + by_ref[...]
    a = jnp.dot(q, wa_ref[...], preferred_element_type=jnp.float32) + ba_ref[...]
    e = jnp.exp(a)
    ssum = jnp.dot(e, sum16_ref[...], preferred_element_type=jnp.float32)
    sb = jnp.dot(ssum, sum16t_ref[...], preferred_element_type=jnp.float32)
    wattn = e / sb

    wl = cst_ref[0:1, :]
    hl = cst_ref[1:2, :]
    x = rpx_ref[...] * wl + offx - 0.5
    y = rpy_ref[...] * hl + offy - 0.5
    x0 = jnp.floor(x)
    y0 = jnp.floor(y)
    fx = x - x0
    fy = y - y0

    lsiv = cst_ref[2:3, :].astype(jnp.int32)
    hv = cst_ref[3:4, :].astype(jnp.int32)
    wli = wl.astype(jnp.int32)

    xb = jnp.clip(x0, 0.0, wl - 2.0)
    cx0 = jnp.clip(x0, 0.0, wl - 1.0)
    cx1 = jnp.clip(x0 + 1.0, 0.0, wl - 1.0)
    vx0 = ((x0 >= 0.0) & (x0 <= wl - 1.0)).astype(jnp.float32)
    vx1 = ((x0 + 1.0 >= 0.0) & (x0 + 1.0 <= wl - 1.0)).astype(jnp.float32)
    eq00 = (cx0 == xb).astype(jnp.float32)
    eq01 = (cx0 == xb + 1.0).astype(jnp.float32)
    eq10 = (cx1 == xb).astype(jnp.float32)
    eq11 = (cx1 == xb + 1.0).astype(jnp.float32)
    xbi = xb.astype(jnp.int32)

    rows = []
    wgts = []
    for dy in (0, 1):
        yc = y0 + dy
        vy = ((yc >= 0.0) & (yc <= hl - 1.0)).astype(jnp.float32)
        yi = jnp.clip(yc, 0.0, hl - 1.0).astype(jnp.int32)
        wy_ = wattn * (fy if dy else 1.0 - fy)
        w_x0 = wy_ * (1.0 - fx) * vx0 * vy
        w_x1 = wy_ * fx * vx1 * vy
        ws0 = w_x0 * eq00 + w_x1 * eq10
        ws1 = w_x0 * eq01 + w_x1 * eq11
        pos = lsiv + yi * wli + xbi
        row = ((pos & 1) * PARITY_OFF + hv * HTOT2
               + jax.lax.shift_right_logical(pos, 1))
        rows.append(row)
        wgts.append(ws0)
        wgts.append(ws1)
    idx_ref[...] = jnp.concatenate(rows, axis=1)

    def packw(a, b):
        ba_ = jax.lax.bitcast_convert_type(
            a.astype(jnp.bfloat16).astype(jnp.float32), jnp.uint32)
        bb_ = jax.lax.bitcast_convert_type(
            b.astype(jnp.bfloat16).astype(jnp.float32), jnp.uint32)
        return jax.lax.bitcast_convert_type(
            (ba_ >> 16) | (bb_ & jnp.uint32(0xFFFF0000)), jnp.int32)

    wgt_ref[...] = jnp.concatenate(
        [packw(wgts[0], wgts[1]), packw(wgts[2], wgts[3])], axis=1)


def _stage_a(qf, rpx, rpy, wx, wy, bx, by, wa, ba):
    return pl.pallas_call(
        _stage_a_body,
        grid=(NBLK,),
        in_specs=[
            pl.BlockSpec((QB, D_MODEL), lambda i: (i, 0)),
            pl.BlockSpec((QB, 1), lambda i: (i, 0)),
            pl.BlockSpec((QB, 1), lambda i: (i, 0)),
            pl.BlockSpec((D_MODEL, HLP), lambda i: (0, 0)),
            pl.BlockSpec((D_MODEL, HLP), lambda i: (0, 0)),
            pl.BlockSpec((1, HLP), lambda i: (0, 0)),
            pl.BlockSpec((1, HLP), lambda i: (0, 0)),
            pl.BlockSpec((D_MODEL, HLP), lambda i: (0, 0)),
            pl.BlockSpec((1, HLP), lambda i: (0, 0)),
            pl.BlockSpec((HLP, N_HEADS), lambda i: (0, 0)),
            pl.BlockSpec((N_HEADS, HLP), lambda i: (0, 0)),
            pl.BlockSpec((4, HLP), lambda i: (0, 0)),
        ],
        out_specs=[
            pl.BlockSpec((QB, 2 * HLP), lambda i: (i, 0)),
            pl.BlockSpec((QB, 2 * HLP), lambda i: (i, 0)),
        ],
        out_shape=[
            jax.ShapeDtypeStruct((BN, 2 * HLP), jnp.int32),
            jax.ShapeDtypeStruct((BN, 2 * HLP), jnp.int32),
        ],
    )(qf, rpx, rpy, wx, wy, bx, by, wa, ba,
      jnp.asarray(_SUM16), jnp.asarray(_SUM16.T),
      jnp.asarray(np.stack([_Wl, _Hl, _lsiv.astype(np.float32),
                            _hv.astype(np.float32)])))


def _sc_stage(table, idx3, wgt3):
    mesh = plsc.VectorSubcoreMesh(core_axis_name="c", subcore_axis_name="s")

    @functools.partial(
        pl.kernel,
        mesh=mesh,
        compiler_params=pltpu.CompilerParams(use_tc_tiling_on_sc=False),
        out_type=jax.ShapeDtypeStruct((BN, D_MODEL), jnp.float32),
        scratch_types=[
            pltpu.VMEM((4, 2, HLP), jnp.int32),
            pltpu.VMEM((4, 2 * HLP), jnp.int32),
            pltpu.VMEM((3, 2, HLP, 2, 16), jnp.int32),
            pltpu.VMEM((2, D_MODEL), jnp.float32),
            pltpu.VMEM_SHARED((TROWS, 2, 16), jnp.int32),
            pltpu.SemaphoreType.DMA,
            pltpu.SemaphoreType.DMA,
            pltpu.SemaphoreType.DMA,
        ],
    )
    def body(table_hbm, idx_hbm, wgt_hbm, out_hbm, idx_v, wgt_v,
             rows_v, acc_v, tbl_sp, sem_i, sem_g, sem_o):
        cid = lax.axis_index("c")
        sid = lax.axis_index("s")
        base = cid * TOTAL + sid * RPW
        hh = lax.rem(sid, N_HEADS)

        @pl.when(sid < N_HEADS)
        def _():
            pltpu.sync_copy(table_hbm.at[cid, :, :, hh, :],
                            tbl_sp.at[pl.ds(hh * HTOT2, HTOT2)])

        @pl.when(sid >= N_HEADS)
        def _():
            off = 2 * PARITY_OFF // 2 + hh * HTOT2
            pltpu.sync_copy(
                table_hbm.at[cid, pl.ds(0, HTOT2 - 1), 1, hh, :],
                tbl_sp.at[pl.ds(off, HTOT2 - 1), 0, :])
            pltpu.sync_copy(
                table_hbm.at[cid, pl.ds(1, HTOT2 - 1), 0, hh, :],
                tbl_sp.at[pl.ds(off, HTOT2 - 1), 1, :])

        plsc.subcore_barrier()
        tbl32 = tbl_sp

        def start_in(slot, r):
            pltpu.async_copy(idx_hbm.at[r], idx_v.at[slot], sem_i)
            pltpu.async_copy(wgt_hbm.at[r], wgt_v.at[slot], sem_i)

        def wait_in(slot, r):
            pltpu.make_async_copy(idx_hbm.at[r], idx_v.at[slot], sem_i).wait()
            pltpu.make_async_copy(wgt_hbm.at[r], wgt_v.at[slot],
                                  sem_i).wait()

        def fire_gathers(islot, slot):
            for c in range(2):
                pltpu.async_copy(tbl32.at[idx_v.at[islot, c]],
                                 rows_v.at[slot, c], sem_g)

        def wait_gathers(slot):
            for c in range(2):
                pltpu.make_async_copy(tbl32.at[idx_v.at[0, c]],
                                      rows_v.at[slot, c], sem_g).wait()

        start_in(0, base)
        wait_in(0, base)
        fire_gathers(0, 0)
        start_in(1, base + 1)
        wait_in(1, base + 1)
        fire_gathers(1, 1)
        start_in(2, base + 2)

        def one_query(i, carry):
            r = base + i
            s0 = lax.rem(i, 3)
            g2 = lax.rem(i + 2, 3)
            w0 = lax.rem(i, 4)
            w2 = lax.rem(i + 2, 4)
            w3 = lax.rem(i + 3, 4)
            a0 = lax.rem(i, 2)
            a1 = lax.rem(i + 1, 2)

            @pl.when(i + 2 < RPW)
            def _():
                wait_in(w2, r + 2)
                fire_gathers(w2, g2)

            @pl.when(i + 3 < RPW)
            def _():
                start_in(w3, r + 3)

            wait_gathers(s0)

            def per_head(h, carry2):
                hb = h * 16
                wvs = []
                for cp in range(2):
                    pw = wgt_v[w0, pl.ds(cp * HLP + hb, 16)]
                    wvs.append(lax.bitcast_convert_type(
                        pw << 16, jnp.float32))
                    wvs.append(lax.bitcast_convert_type(
                        pw & jnp.int32(-65536), jnp.float32))
                v0 = jnp.zeros((16,), jnp.float32)
                v1 = jnp.zeros((16,), jnp.float32)
                for k in range(16):
                    ei = hb + k
                    for dy in range(2):
                        for sl in range(2):
                            w = wvs[dy * 2 + sl][k]
                            pv = rows_v[s0, dy, ei, sl, :]
                            u0 = lax.bitcast_convert_type(
                                pv << 16, jnp.float32)
                            u1 = lax.bitcast_convert_type(
                                pv & jnp.int32(-65536), jnp.float32)
                            v0 = v0 + w * u0
                            v1 = v1 + w * u1
                acc_v[a0, pl.ds(h * HEAD_DIM, 16)] = v0
                acc_v[a0, pl.ds(h * HEAD_DIM + 16, 16)] = v1
                return carry2

            lax.fori_loop(0, N_HEADS, per_head, 0)

            @pl.when(i > 0)
            def _():
                pltpu.make_async_copy(acc_v.at[a1], out_hbm.at[r - 1],
                                      sem_o).wait()

            pltpu.async_copy(acc_v.at[a0], out_hbm.at[r], sem_o)
            return carry

        lax.fori_loop(0, RPW, one_query, 0)
        last = lax.rem(RPW - 1, 2)
        pltpu.make_async_copy(acc_v.at[last], out_hbm.at[base + RPW - 1],
                              sem_o).wait()

    return body(table, idx3, wgt3)


def _stage_c_body(a_ref, w_ref, b_ref, o_ref):
    o_ref[...] = (jnp.dot(a_ref[...], w_ref[...],
                          preferred_element_type=jnp.float32) + b_ref[...])


def _stage_c(acc, wo, bo):
    return pl.pallas_call(
        _stage_c_body,
        grid=(NBLK,),
        in_specs=[
            pl.BlockSpec((QB, D_MODEL), lambda i: (i, 0)),
            pl.BlockSpec((D_MODEL, D_MODEL), lambda i: (0, 0)),
            pl.BlockSpec((1, D_MODEL), lambda i: (0, 0)),
        ],
        out_specs=pl.BlockSpec((QB, D_MODEL), lambda i: (i, 0)),
        out_shape=jax.ShapeDtypeStruct((BN, D_MODEL), jnp.float32),
    )(acc, wo, bo)


def kernel(query, reference_points, input_flatten, spatial_shapes,
           level_start_index, W_off, b_off, W_attn, b_attn, W_out, b_out):
    qf = query.reshape(BN, D_MODEL)
    rp = reference_points.reshape(BN, 2)
    rpx = rp[:, 0:1]
    rpy = rp[:, 1:2]
    wo3 = W_off.reshape(D_MODEL, HLP, 2)
    wx = wo3[:, :, 0]
    wy = wo3[:, :, 1]
    bo3 = b_off.reshape(HLP, 2)
    bx = bo3[:, 0].reshape(1, HLP)
    by = bo3[:, 1].reshape(1, HLP)

    packed = _pack_table(input_flatten.reshape(BN, D_MODEL))
    table = packed.reshape(B, HTOT2, 2, N_HEADS, 16)

    idx2, wgt2 = _stage_a(qf, rpx, rpy, wx, wy, bx, by, W_attn,
                          b_attn.reshape(1, HLP))
    acc = _sc_stage(table, idx2.reshape(BN, 2, HLP), wgt2)
    out = _stage_c(acc, W_out[_UNPACK_PERM, :], b_out.reshape(1, D_MODEL))
    return out.reshape(B, TOTAL, D_MODEL)

# --- scband reference (transcript-rebuilt; emitter-appended) ---
"""Pipeline reference for scband-deformable-attention-43482248905333 (READ-ONLY COPY).

The authoritative reference and input builder live on the scoring server;
editing this copy changes nothing except your own understanding.
"""

import jax, jax.numpy as jnp
import numpy as np

D_MODEL = 256
N_LEVELS = 4
N_HEADS = 8
N_POINTS = 4
HEAD_DIM = D_MODEL // N_HEADS
B = 2
SPATIAL = np.array([[64, 64], [32, 32], [16, 16], [8, 8]], dtype=np.int64)
TOTAL = int((SPATIAL[:, 0] * SPATIAL[:, 1]).sum())


def grid_sample_bilinear(feat, grid):
    # feat: [N, C, H, W]; grid: [N, Q, P, 2] in [-1, 1]; align_corners=False, zero padding
    N, C, H, W = feat.shape
    x = (grid[..., 0] + 1.0) * W / 2.0 - 0.5
    y = (grid[..., 1] + 1.0) * H / 2.0 - 0.5
    x0 = jnp.floor(x)
    y0 = jnp.floor(y)
    x1 = x0 + 1.0
    y1 = y0 + 1.0
    wx1 = x - x0
    wx0 = 1.0 - wx1
    wy1 = y - y0
    wy0 = 1.0 - wy1
    feat_flat = feat.reshape(N, C, H * W)

    def gather(ix, iy):
        valid = (ix >= 0) & (ix <= W - 1) & (iy >= 0) & (iy <= H - 1)
        ixc = jnp.clip(ix, 0, W - 1).astype(jnp.int32)
        iyc = jnp.clip(iy, 0, H - 1).astype(jnp.int32)
        idx = (iyc * W + ixc).reshape(N, -1)
        g = jnp.take_along_axis(feat_flat, idx[:, None, :], axis=2)
        g = g.reshape(N, C, ix.shape[1], ix.shape[2])
        return g * valid[:, None, :, :].astype(feat.dtype)

    v00 = gather(x0, y0)
    v01 = gather(x1, y0)
    v10 = gather(x0, y1)
    v11 = gather(x1, y1)
    out = (v00 * (wx0 * wy0)[:, None, :, :]
           + v01 * (wx1 * wy0)[:, None, :, :]
           + v10 * (wx0 * wy1)[:, None, :, :]
           + v11 * (wx1 * wy1)[:, None, :, :])
    return out  # [N, C, Q, P]


def setup_inputs(seed: int = 0):
    key = jax.random.key(seed)
    ks = jax.random.split(key, 8)
    s = 0.02
    query = jax.random.normal(ks[0], (B, TOTAL, D_MODEL), dtype=jnp.float32)
    reference_points = jax.random.uniform(ks[1], (B, TOTAL, 2), dtype=jnp.float32)
    input_flatten = jax.random.normal(ks[2], (B, TOTAL, D_MODEL), dtype=jnp.float32)
    spatial_shapes = jnp.asarray(SPATIAL)
    lsi = np.concatenate([[0], np.cumsum(SPATIAL[:, 0] * SPATIAL[:, 1])[:-1]]).astype(np.int64)
    level_start_index = jnp.asarray(lsi)
    W_off = jax.random.normal(ks[3], (D_MODEL, N_HEADS * N_LEVELS * N_POINTS * 2), dtype=jnp.float32) * s
    b_off = jnp.zeros((N_HEADS * N_LEVELS * N_POINTS * 2,), dtype=jnp.float32)
    W_attn = jax.random.normal(ks[4], (D_MODEL, N_HEADS * N_LEVELS * N_POINTS), dtype=jnp.float32) * s
    b_attn = jnp.zeros((N_HEADS * N_LEVELS * N_POINTS,), dtype=jnp.float32)
    W_out = jax.random.normal(ks[5], (D_MODEL, D_MODEL), dtype=jnp.float32) * s
    b_out = jnp.zeros((D_MODEL,), dtype=jnp.float32)
    return {"query": query, "reference_points": reference_points, "input_flatten": input_flatten,
            "spatial_shapes": spatial_shapes, "level_start_index": level_start_index,
            "W_off": W_off, "b_off": b_off, "W_attn": W_attn, "b_attn": b_attn,
            "W_out": W_out, "b_out": b_out}


def reference(query, reference_points, input_flatten, spatial_shapes, level_start_index,
              W_off, b_off, W_attn, b_attn, W_out, b_out):
    Bq, Nq, C = query.shape
    sampling_offsets = (query @ W_off + b_off).reshape(Bq, Nq, N_HEADS, N_LEVELS, N_POINTS, 2)
    aw = (query @ W_attn + b_attn).reshape(Bq, Nq, N_HEADS, N_LEVELS * N_POINTS)
    aw = jax.nn.softmax(aw, axis=-1).reshape(Bq, Nq, N_HEADS, N_LEVELS, N_POINTS)
    normalizer = jnp.stack([spatial_shapes[:, 1], spatial_shapes[:, 0]], axis=-1).astype(query.dtype)
    loc = reference_points[:, :, None, None, None, :] + sampling_offsets / normalizer[None, None, None, :, None, :]
    sizes = [int(h * w) for h, w in SPATIAL]
    output = 0.0
    for lvl in range(len(sizes)):
        H, W = int(SPATIAL[lvl, 0]), int(SPATIAL[lvl, 1])
        start = level_start_index[lvl]
        feat = jax.lax.dynamic_slice(input_flatten, (jnp.int64(0), start, jnp.int64(0)), (Bq, sizes[lvl], C))
        feat = jnp.transpose(feat, (0, 2, 1)).reshape(Bq, N_HEADS, HEAD_DIM, H, W).reshape(Bq * N_HEADS, HEAD_DIM, H, W)
        grid = 2.0 * loc[:, :, :, lvl, :, :] - 1.0
        grid = jnp.transpose(grid, (0, 2, 1, 3, 4)).reshape(Bq * N_HEADS, Nq, N_POINTS, 2)
        sampled = grid_sample_bilinear(feat, grid)
        sampled = sampled.reshape(Bq, N_HEADS, HEAD_DIM, Nq, N_POINTS)
        sampled = jnp.transpose(sampled, (0, 3, 1, 4, 2))
        w = aw[:, :, :, lvl, :][..., None]
        output = output + (sampled * w).sum(axis=3)
    output = output.reshape(Bq, Nq, C)
    return output @ W_out + b_out

if __name__ == "__main__":
    import jax
    _d = setup_inputs()
    print(jax.jit(kernel)(*tuple(_d.values())))

</pallas_src>

<mosaic_0001>
#map = affine_map<(d0, d1) -> (0, 0, 0, 0, 0)>
#map1 = affine_map<(d0, d1) -> (0, 0, 0)>
#map2 = affine_map<(d0, d1) -> (0, 0)>
module attributes {stable_mosaic.version = 14 : i64} {
  func.func @body(%arg0: i32, %arg1: i32, %arg2: memref<2x2720x2x8x16xi32, #tpu.memory_space<hbm>>, %arg3: memref<10880x2x128xi32, #tpu.memory_space<hbm>>, %arg4: memref<10880x256xi32, #tpu.memory_space<hbm>>, %arg5: memref<10880x256xf32, #tpu.memory_space<hbm>>, %arg6: memref<4x2x128xi32, #tpu.memory_space<vmem>>, %arg7: memref<4x256xi32, #tpu.memory_space<vmem>>, %arg8: memref<3x2x128x2x16xi32, #tpu.memory_space<vmem>>, %arg9: memref<2x256xf32, #tpu.memory_space<vmem>>, %arg10: memref<43520x2x16xi32, #tpu.memory_space<vmem_shared>>, %arg11: memref<!tpu.dma_semaphore, #tpu.memory_space<semaphore_mem>>, %arg12: memref<!tpu.dma_semaphore, #tpu.memory_space<semaphore_mem>>, %arg13: memref<!tpu.dma_semaphore, #tpu.memory_space<semaphore_mem>>) attributes {dimension_semantics = [#tpu.dimension_semantics<core_parallel>, #tpu.dimension_semantics<subcore_parallel>], iteration_bounds = array<i64: 2, 16>, scalar_prefetch = 0 : i64, scratch_operands = 8 : i64, tpu.core_type = #tpu.core_type<sc_vector_subcore>, window_params = [{transform_indices = #map}, {transform_indices = #map1}, {transform_indices = #map2}, {transform_indices = #map2}]} {
    %mul3A = arith.constant 5440 : i32
    %mul3A_0 = arith.muli %arg0, %mul3A : i32
    %mul3A_1 = arith.constant 340 : i32
    %mul3A_2 = arith.muli %arg1, %mul3A_1 : i32
    %add3A = arith.addi %mul3A_0, %mul3A_2 : i32
    %rem3A = arith.constant 8 : i32
    %rem3A_3 = arith.remsi %arg1, %rem3A : i32
    %lt3A = arith.constant 8 : i32
    %lt3A_4 = arith.cmpi slt, %arg1, %lt3A : i32
    %convert_element_type3A = arith.extui %lt3A_4 : i1 to i32
    %cond3A = arith.constant 0 : i32
    %cond3A_5 = arith.cmpi ne, %convert_element_type3A, %cond3A : i32
    scf.if %cond3A_5 {
      %mul3A_251 = arith.constant 2720 : i32
      %mul3A_252 = arith.muli %rem3A_3, %mul3A_251 : i32
      "tpu.region"() ({
        %run_scoped3A = tpu.sem_alloc : memref<!tpu.dma_semaphore, #tpu.memory_space<semaphore_mem>>
        %dma_start3A_253 = arith.constant 0 : i32
        %dma_start3A_254 = arith.constant 0 : i32
        %dma_start3A_255 = tpu.memref_slice %arg10[%mul3A_252, %dma_start3A_253, %dma_start3A_254] : memref<43520x2x16xi32, #tpu.memory_space<vmem_shared>> -> memref<2720x2x16xi32, #tpu.memory_space<vmem_shared>>
        %dma_start3A_256 = arith.constant 0 : i32
        %dma_start3A_257 = arith.constant 0 : i32
        %dma_start3A_258 = arith.constant 0 : i32
        %dma_start3A_259 = tpu.memref_slice %arg2[%arg0, %dma_start3A_256, %dma_start3A_257, %rem3A_3, %dma_start3A_258] : memref<2x2720x2x8x16xi32, #tpu.memory_space<hbm>> -> memref<1x2720x2x1x16xi32, #tpu.memory_space<hbm>>
        %dma_start3A_260 = tpu.memref_squeeze %dma_start3A_259 : memref<1x2720x2x1x16xi32, #tpu.memory_space<hbm>> -> memref<2720x2x16xi32, #tpu.memory_space<hbm>>
        tpu.enqueue_dma source(%dma_start3A_260 : memref<2720x2x16xi32, #tpu.memory_space<hbm>>) target(%dma_start3A_255 : memref<2720x2x16xi32, #tpu.memory_space<vmem_shared>>) target_semaphore(%run_scoped3A : memref<!tpu.dma_semaphore, #tpu.memory_space<semaphore_mem>>)
        %dma_wait3A_261 = arith.constant 0 : i32
        %dma_wait3A_262 = arith.constant 0 : i32
        %dma_wait3A_263 = tpu.memref_slice %arg10[%mul3A_252, %dma_wait3A_261, %dma_wait3A_262] : memref<43520x2x16xi32, #tpu.memory_space<vmem_shared>> -> memref<2720x2x16xi32, #tpu.memory_space<vmem_shared>>
        %dma_wait3A_264 = arith.constant 0 : i32
        %dma_wait3A_265 = arith.constant 0 : i32
        %dma_wait3A_266 = arith.constant 0 : i32
        %dma_wait3A_267 = tpu.memref_slice %arg2[%arg0, %dma_wait3A_264, %dma_wait3A_265, %rem3A_3, %dma_wait3A_266] : memref<2x2720x2x8x16xi32, #tpu.memory_space<hbm>> -> memref<1x2720x2x1x16xi32, #tpu.memory_space<hbm>>
        %dma_wait3A_268 = tpu.memref_squeeze %dma_wait3A_267 : memref<1x2720x2x1x16xi32, #tpu.memory_space<hbm>> -> memref<2720x2x16xi32, #tpu.memory_space<hbm>>
        tpu.wait_dma2 semaphore(%run_scoped3A : memref<!tpu.dma_semaphore, #tpu.memory_space<semaphore_mem>>) src(%dma_wait3A_268 : memref<2720x2x16xi32, #tpu.memory_space<hbm>>) dst(%dma_wait3A_263 : memref<2720x2x16xi32, #tpu.memory_space<vmem_shared>>)
        tpu.yield
      }) : () -> ()
    } else {
    }
    %ge3A = arith.constant 8 : i32
    %ge3A_6 = arith.cmpi sge, %arg1, %ge3A : i32
    %convert_element_type3A_7 = arith.extui %ge3A_6 : i1 to i32
    %cond3A_8 = arith.constant 0 : i32
    %cond3A_9 = arith.cmpi ne, %convert_element_type3A_7, %cond3A_8 : i32
    scf.if %cond3A_9 {
      %mul3A_251 = arith.constant 2720 : i32
      %mul3A_252 = arith.muli %rem3A_3, %mul3A_251 : i32
      %add3A_253 = arith.constant 21760 : i32
      %add3A_254 = arith.addi %add3A_253, %mul3A_252 : i32
      %run_scoped3A = arith.constant 1 : i32
      %run_scoped3A_255 = arith.constant 0 : i32
      "tpu.region"() ({
        %run_scoped3A_258 = tpu.sem_alloc : memref<!tpu.dma_semaphore, #tpu.memory_space<semaphore_mem>>
        %dma_start3A_259 = arith.constant 0 : i32
        %dma_start3A_260 = tpu.memref_slice %arg10[%add3A_254, %run_scoped3A_255, %dma_start3A_259] : memref<43520x2x16xi32, #tpu.memory_space<vmem_shared>> -> memref<2719x1x16xi32, #tpu.memory_space<vmem_shared>>
        %dma_start3A_261 = tpu.memref_squeeze %dma_start3A_260 : memref<2719x1x16xi32, #tpu.memory_space<vmem_shared>> -> memref<2719x16xi32, #tpu.memory_space<vmem_shared>>
        %dma_start3A_262 = arith.constant 0 : i32
        %dma_start3A_263 = arith.constant 0 : i32
        %dma_start3A_264 = tpu.memref_slice %arg2[%arg0, %dma_start3A_262, %run_scoped3A, %rem3A_3, %dma_start3A_263] : memref<2x2720x2x8x16xi32, #tpu.memory_space<hbm>> -> memref<1x2719x1x1x16xi32, #tpu.memory_space<hbm>>
        %dma_start3A_265 = tpu.memref_squeeze %dma_start3A_264 : memref<1x2719x1x1x16xi32, #tpu.memory_space<hbm>> -> memref<2719x16xi32, #tpu.memory_space<hbm>>
        tpu.enqueue_dma source(%dma_start3A_265 : memref<2719x16xi32, #tpu.memory_space<hbm>>) target(%dma_start3A_261 : memref<2719x16xi32, #tpu.memory_space<vmem_shared>>) target_semaphore(%run_scoped3A_258 : memref<!tpu.dma_semaphore, #tpu.memory_space<semaphore_mem>>)
        %dma_wait3A_266 = arith.constant 0 : i32
        %dma_wait3A_267 = tpu.memref_slice %arg10[%add3A_254, %run_scoped3A_255, %dma_wait3A_266] : memref<43520x2x16xi32, #tpu.memory_space<vmem_shared>> -> memref<2719x1x16xi32, #tpu.memory_space<vmem_shared>>
        %dma_wait3A_268 = tpu.memref_squeeze %dma_wait3A_267 : memref<2719x1x16xi32, #tpu.memory_space<vmem_shared>> -> memref<2719x16xi32, #tpu.memory_space<vmem_shared>>
        %dma_wait3A_269 = arith.constant 0 : i32
        %dma_wait3A_270 = arith.constant 0 : i32
        %dma_wait3A_271 = tpu.memref_slice %arg2[%arg0, %dma_wait3A_269, %run_scoped3A, %rem3A_3, %dma_wait3A_270] : memref<2x2720x2x8x16xi32, #tpu.memory_space<hbm>> -> memref<1x2719x1x1x16xi32, #tpu.memory_space<hbm>>
        %dma_wait3A_272 = tpu.memref_squeeze %dma_wait3A_271 : memref<1x2719x1x1x16xi32, #tpu.memory_space<hbm>> -> memref<2719x16xi32, #tpu.memory_space<hbm>>
        tpu.wait_dma2 semaphore(%run_scoped3A_258 : memref<!tpu.dma_semaphore, #tpu.memory_space<semaphore_mem>>) src(%dma_wait3A_272 : memref<2719x16xi32, #tpu.memory_space<hbm>>) dst(%dma_wait3A_268 : memref<2719x16xi32, #tpu.memory_space<vmem_shared>>)
        tpu.yield
      }) : () -> ()
      %run_scoped3A_256 = arith.constant 0 : i32
      %run_scoped3A_257 = arith.constant 1 : i32
      "tpu.region"() ({
        %run_scoped3A_258 = tpu.sem_alloc : memref<!tpu.dma_semaphore, #tpu.memory_space<semaphore_mem>>
        %dma_start3A_259 = arith.constant 0 : i32
        %dma_start3A_260 = tpu.memref_slice %arg10[%add3A_254, %run_scoped3A_257, %dma_start3A_259] : memref<43520x2x16xi32, #tpu.memory_space<vmem_shared>> -> memref<2719x1x16xi32, #tpu.memory_space<vmem_shared>>
        %dma_start3A_261 = tpu.memref_squeeze %dma_start3A_260 : memref<2719x1x16xi32, #tpu.memory_space<vmem_shared>> -> memref<2719x16xi32, #tpu.memory_space<vmem_shared>>
        %dma_start3A_262 = arith.constant 1 : i32
        %dma_start3A_263 = arith.constant 0 : i32
        %dma_start3A_264 = tpu.memref_slice %arg2[%arg0, %dma_start3A_262, %run_scoped3A_256, %rem3A_3, %dma_start3A_263] : memref<2x2720x2x8x16xi32, #tpu.memory_space<hbm>> -> memref<1x2719x1x1x16xi32, #tpu.memory_space<hbm>>
        %dma_start3A_265 = tpu.memref_squeeze %dma_start3A_264 : memref<1x2719x1x1x16xi32, #tpu.memory_space<hbm>> -> memref<2719x16xi32, #tpu.memory_space<hbm>>
        tpu.enqueue_dma source(%dma_start3A_265 : memref<2719x16xi32, #tpu.memory_space<hbm>>) target(%dma_start3A_261 : memref<2719x16xi32, #tpu.memory_space<vmem_shared>>) target_semaphore(%run_scoped3A_258 : memref<!tpu.dma_semaphore, #tpu.memory_space<semaphore_mem>>)
        %dma_wait3A_266 = arith.constant 0 : i32
        %dma_wait3A_267 = tpu.memref_slice %arg10[%add3A_254, %run_scoped3A_257, %dma_wait3A_266] : memref<43520x2x16xi32, #tpu.memory_space<vmem_shared>> -> memref<2719x1x16xi32, #tpu.memory_space<vmem_shared>>
        %dma_wait3A_268 = tpu.memref_squeeze %dma_wait3A_267 : memref<2719x1x16xi32, #tpu.memory_space<vmem_shared>> -> memref<2719x16xi32, #tpu.memory_space<vmem_shared>>
        %dma_wait3A_269 = arith.constant 1 : i32
        %dma_wait3A_270 = arith.constant 0 : i32
        %dma_wait3A_271 = tpu.memref_slice %arg2[%arg0, %dma_wait3A_269, %run_scoped3A_256, %rem3A_3, %dma_wait3A_270] : memref<2x2720x2x8x16xi32, #tpu.memory_space<hbm>> -> memref<1x2719x1x1x16xi32, #tpu.memory_space<hbm>>
        %dma_wait3A_272 = tpu.memref_squeeze %dma_wait3A_271 : memref<1x2719x1x1x16xi32, #tpu.memory_space<hbm>> -> memref<2719x16xi32, #tpu.memory_space<hbm>>
        tpu.wait_dma2 semaphore(%run_scoped3A_258 : memref<!tpu.dma_semaphore, #tpu.memory_space<semaphore_mem>>) src(%dma_wait3A_272 : memref<2719x16xi32, #tpu.memory_space<hbm>>) dst(%dma_wait3A_268 : memref<2719x16xi32, #tpu.memory_space<vmem_shared>>)
        tpu.yield
      }) : () -> ()
    } else {
    }
    %barrier3A = arith.constant 0 : index
    tpu.barrier barrier_id(%barrier3A)
    %dma_start3A = arith.constant 0 : i32
    %dma_start3A_10 = arith.constant 0 : i32
    %dma_start3A_11 = arith.constant 0 : i32
    %dma_start3A_12 = tpu.memref_slice %arg6[%dma_start3A, %dma_start3A_10, %dma_start3A_11] : memref<4x2x128xi32, #tpu.memory_space<vmem>> -> memref<1x2x128xi32, #tpu.memory_space<vmem>>
    %dma_start3A_13 = tpu.memref_squeeze %dma_start3A_12 : memref<1x2x128xi32, #tpu.memory_space<vmem>> -> memref<2x128xi32, #tpu.memory_space<vmem>>
    %dma_start3A_14 = arith.constant 0 : i32
    %dma_start3A_15 = arith.constant 0 : i32
    %dma_start3A_16 = tpu.memref_slice %arg3[%add3A, %dma_start3A_14, %dma_start3A_15] : memref<10880x2x128xi32, #tpu.memory_space<hbm>> -> memref<1x2x128xi32, #tpu.memory_space<hbm>>
    %dma_start3A_17 = tpu.memref_squeeze %dma_start3A_16 : memref<1x2x128xi32, #tpu.memory_space<hbm>> -> memref<2x128xi32, #tpu.memory_space<hbm>>
    %dma_start3A_18 = arith.constant 0 : i32
    %dma_start3A_19 = arith.constant 0 : i32
    %dma_start3A_20 = tpu.memref_slice %arg6[%dma_start3A, %dma_start3A_18, %dma_start3A_19] : memref<4x2x128xi32, #tpu.memory_space<vmem>> -> memref<1x2x128xi32, #tpu.memory_space<vmem>>
    %dma_start3A_21 = tpu.memref_squeeze %dma_start3A_20 : memref<1x2x128xi32, #tpu.memory_space<vmem>> -> memref<2x128xi32, #tpu.memory_space<vmem>>
    %dma_start3A_22 = arith.constant 0 : i32
    %dma_start3A_23 = arith.constant 0 : i32
    %dma_start3A_24 = tpu.memref_slice %arg3[%add3A, %dma_start3A_22, %dma_start3A_23] : memref<10880x2x128xi32, #tpu.memory_space<hbm>> -> memref<1x2x128xi32, #tpu.memory_space<hbm>>
    %dma_start3A_25 = tpu.memref_squeeze %dma_start3A_24 : memref<1x2x128xi32, #tpu.memory_space<hbm>> -> memref<2x128xi32, #tpu.memory_space<hbm>>
    tpu.enqueue_dma source(%dma_start3A_25 : memref<2x128xi32, #tpu.memory_space<hbm>>) target(%dma_start3A_21 : memref<2x128xi32, #tpu.memory_space<vmem>>) target_semaphore(%arg11 : memref<!tpu.dma_semaphore, #tpu.memory_space<semaphore_mem>>)
    %dma_start3A_26 = arith.constant 0 : i32
    %dma_start3A_27 = arith.constant 0 : i32
    %dma_start3A_28 = tpu.memref_slice %arg7[%dma_start3A_26, %dma_start3A_27] : memref<4x256xi32, #tpu.memory_space<vmem>> -> memref<1x256xi32, #tpu.memory_space<vmem>>
    %dma_start3A_29 = tpu.memref_squeeze %dma_start3A_28 : memref<1x256xi32, #tpu.memory_space<vmem>> -> memref<256xi32, #tpu.memory_space<vmem>>
    %dma_start3A_30 = arith.constant 0 : i32
    %dma_start3A_31 = tpu.memref_slice %arg4[%add3A, %dma_start3A_30] : memref<10880x256xi32, #tpu.memory_space<hbm>> -> memref<1x256xi32, #tpu.memory_space<hbm>>
    %dma_start3A_32 = tpu.memref_squeeze %dma_start3A_31 : memref<1x256xi32, #tpu.memory_space<hbm>> -> memref<256xi32, #tpu.memory_space<hbm>>
    %dma_start3A_33 = arith.constant 0 : i32
    %dma_start3A_34 = tpu.memref_slice %arg7[%dma_start3A_26, %dma_start3A_33] : memref<4x256xi32, #tpu.memory_space<vmem>> -> memref<1x256xi32, #tpu.memory_space<vmem>>
    %dma_start3A_35 = tpu.memref_squeeze %dma_start3A_34 : memref<1x256xi32, #tpu.memory_space<vmem>> -> memref<256xi32, #tpu.memory_space<vmem>>
    %dma_start3A_36 = arith.constant 0 : i32
    %dma_start3A_37 = tpu.memref_slice %arg4[%add3A, %dma_start3A_36] : memref<10880x256xi32, #tpu.memory_space<hbm>> -> memref<1x256xi32, #tpu.memory_space<hbm>>
    %dma_start3A_38 = tpu.memref_squeeze %dma_start3A_37 : memref<1x256xi32, #tpu.memory_space<hbm>> -> memref<256xi32, #tpu.memory_space<hbm>>
    tpu.enqueue_dma source(%dma_start3A_38 : memref<256xi32, #tpu.memory_space<hbm>>) target(%dma_start3A_35 : memref<256xi32, #tpu.memory_space<vmem>>) target_semaphore(%arg11 : memref<!tpu.dma_semaphore, #tpu.memory_space<semaphore_mem>>)
    %dma_wait3A = arith.constant 0 : i32
    %dma_wait3A_39 = arith.constant 0 : i32
    %dma_wait3A_40 = arith.constant 0 : i32
    %dma_wait3A_41 = tpu.memref_slice %arg6[%dma_wait3A, %dma_wait3A_39, %dma_wait3A_40] : memref<4x2x128xi32, #tpu.memory_space<vmem>> -> memref<1x2x128xi32, #tpu.memory_space<vmem>>
    %dma_wait3A_42 = tpu.memref_squeeze %dma_wait3A_41 : memref<1x2x128xi32, #tpu.memory_space<vmem>> -> memref<2x128xi32, #tpu.memory_space<vmem>>
    %dma_wait3A_43 = arith.constant 0 : i32
    %dma_wait3A_44 = arith.constant 0 : i32
    %dma_wait3A_45 = tpu.memref_slice %arg3[%add3A, %dma_wait3A_43, %dma_wait3A_44] : memref<10880x2x128xi32, #tpu.memory_space<hbm>> -> memref<1x2x128xi32, #tpu.memory_space<hbm>>
    %dma_wait3A_46 = tpu.memref_squeeze %dma_wait3A_45 : memref<1x2x128xi32, #tpu.memory_space<hbm>> -> memref<2x128xi32, #tpu.memory_space<hbm>>
    %dma_wait3A_47 = arith.constant 0 : i32
    %dma_wait3A_48 = arith.constant 0 : i32
    %dma_wait3A_49 = tpu.memref_slice %arg6[%dma_wait3A, %dma_wait3A_47, %dma_wait3A_48] : memref<4x2x128xi32, #tpu.memory_space<vmem>> -> memref<1x2x128xi32, #tpu.memory_space<vmem>>
    %dma_wait3A_50 = tpu.memref_squeeze %dma_wait3A_49 : memref<1x2x128xi32, #tpu.memory_space<vmem>> -> memref<2x128xi32, #tpu.memory_space<vmem>>
    %dma_wait3A_51 = arith.constant 0 : i32
    %dma_wait3A_52 = arith.constant 0 : i32
    %dma_wait3A_53 = tpu.memref_slice %arg3[%add3A, %dma_wait3A_51, %dma_wait3A_52] : memref<10880x2x128xi32, #tpu.memory_space<hbm>> -> memref<1x2x128xi32, #tpu.memory_space<hbm>>
    %dma_wait3A_54 = tpu.memref_squeeze %dma_wait3A_53 : memref<1x2x128xi32, #tpu.memory_space<hbm>> -> memref<2x128xi32, #tpu.memory_space<hbm>>
    tpu.wait_dma2 semaphore(%arg11 : memref<!tpu.dma_semaphore, #tpu.memory_space<semaphore_mem>>) src(%dma_wait3A_54 : memref<2x128xi32, #tpu.memory_space<hbm>>) dst(%dma_wait3A_50 : memref<2x128xi32, #tpu.memory_space<vmem>>)
    %dma_wait3A_55 = arith.constant 0 : i32
    %dma_wait3A_56 = arith.constant 0 : i32
    %dma_wait3A_57 = tpu.memref_slice %arg7[%dma_wait3A_55, %dma_wait3A_56] : memref<4x256xi32, #tpu.memory_space<vmem>> -> memref<1x256xi32, #tpu.memory_space<vmem>>
    %dma_wait3A_58 = tpu.memref_squeeze %dma_wait3A_57 : memref<1x256xi32, #tpu.memory_space<vmem>> -> memref<256xi32, #tpu.memory_space<vmem>>
    %dma_wait3A_59 = arith.constant 0 : i32
    %dma_wait3A_60 = tpu.memref_slice %arg4[%add3A, %dma_wait3A_59] : memref<10880x256xi32, #tpu.memory_space<hbm>> -> memref<1x256xi32, #tpu.memory_space<hbm>>
    %dma_wait3A_61 = tpu.memref_squeeze %dma_wait3A_60 : memref<1x256xi32, #tpu.memory_space<hbm>> -> memref<256xi32, #tpu.memory_space<hbm>>
    %dma_wait3A_62 = arith.constant 0 : i32
    %dma_wait3A_63 = tpu.memref_slice %arg7[%dma_wait3A_55, %dma_wait3A_62] : memref<4x256xi32, #tpu.memory_space<vmem>> -> memref<1x256xi32, #tpu.memory_space<vmem>>
    %dma_wait3A_64 = tpu.memref_squeeze %dma_wait3A_63 : memref<1x256xi32, #tpu.memory_space<vmem>> -> memref<256xi32, #tpu.memory_space<vmem>>
    %dma_wait3A_65 = arith.constant 0 : i32
    %dma_wait3A_66 = tpu.memref_slice %arg4[%add3A, %dma_wait3A_65] : memref<10880x256xi32, #tpu.memory_space<hbm>> -> memref<1x256xi32, #tpu.memory_space<hbm>>
    %dma_wait3A_67 = tpu.memref_squeeze %dma_wait3A_66 : memref<1x256xi32, #tpu.memory_space<hbm>> -> memref<256xi32, #tpu.memory_space<hbm>>
    tpu.wait_dma2 semaphore(%arg11 : memref<!tpu.dma_semaphore, #tpu.memory_space<semaphore_mem>>) src(%dma_wait3A_67 : memref<256xi32, #tpu.memory_space<hbm>>) dst(%dma_wait3A_64 : memref<256xi32, #tpu.memory_space<vmem>>)
    %dma_start3A_68 = arith.constant 0 : i32
    %dma_start3A_69 = arith.constant 0 : i32
    %dma_start3A_70 = arith.constant 0 : i32
    %dma_start3A_71 = arith.constant 0 : i32
    %dma_start3A_72 = arith.constant 0 : i32
    %dma_start3A_73 = arith.constant 0 : i32
    %dma_start3A_74 = arith.constant 0 : i32
    %dma_start3A_75 = tpu.memref_slice %arg8[%dma_start3A_70, %dma_start3A_71, %dma_start3A_72, %dma_start3A_73, %dma_start3A_74] : memref<3x2x128x2x16xi32, #tpu.memory_space<vmem>> -> memref<1x1x128x2x16xi32, #tpu.memory_space<vmem>>
    %dma_start3A_76 = tpu.memref_squeeze %dma_start3A_75 : memref<1x1x128x2x16xi32, #tpu.memory_space<vmem>> -> memref<128x2x16xi32, #tpu.memory_space<vmem>>
    %dma_start3A_77 = arith.constant 0 : i32
    %dma_start3A_78 = tpu.memref_slice %arg6[%dma_start3A_68, %dma_start3A_69, %dma_start3A_77] : memref<4x2x128xi32, #tpu.memory_space<vmem>> -> memref<1x1x128xi32, #tpu.memory_space<vmem>>
    %dma_start3A_79 = tpu.memref_squeeze %dma_start3A_78 : memref<1x1x128xi32, #tpu.memory_space<vmem>> -> memref<128xi32, #tpu.memory_space<vmem>>
    %dma_start3A_80 = arith.constant 0 : i32
    %dma_start3A_81 = arith.constant 0 : i32
    %dma_start3A_82 = arith.constant 0 : i32
    %dma_start3A_83 = tpu.memref_slice %arg10[%dma_start3A_80, %dma_start3A_81, %dma_start3A_82] : memref<43520x2x16xi32, #tpu.memory_space<vmem_shared>> -> memref<43520x2x16xi32, #tpu.memory_space<vmem_shared>>
    tpu.enqueue_indirect_dma source(%dma_start3A_83 : memref<43520x2x16xi32, #tpu.memory_space<vmem_shared>>) target(%dma_start3A_76 : memref<128x2x16xi32, #tpu.memory_space<vmem>>) offsets(%dma_start3A_79 : memref<128xi32, #tpu.memory_space<vmem>>) semaphore(%arg12 : memref<!tpu.dma_semaphore, #tpu.memory_space<semaphore_mem>>)
    %dma_start3A_84 = arith.constant 0 : i32
    %dma_start3A_85 = arith.constant 1 : i32
    %dma_start3A_86 = arith.constant 0 : i32
    %dma_start3A_87 = arith.constant 1 : i32
    %dma_start3A_88 = arith.constant 0 : i32
    %dma_start3A_89 = arith.constant 0 : i32
    %dma_start3A_90 = arith.constant 0 : i32
    %dma_start3A_91 = tpu.memref_slice %arg8[%dma_start3A_86, %dma_start3A_87, %dma_start3A_88, %dma_start3A_89, %dma_start3A_90] : memref<3x2x128x2x16xi32, #tpu.memory_space<vmem>> -> memref<1x1x128x2x16xi32, #tpu.memory_space<vmem>>
    %dma_start3A_92 = tpu.memref_squeeze %dma_start3A_91 : memref<1x1x128x2x16xi32, #tpu.memory_space<vmem>> -> memref<128x2x16xi32, #tpu.memory_space<vmem>>
    %dma_start3A_93 = arith.constant 0 : i32
    %dma_start3A_94 = tpu.memref_slice %arg6[%dma_start3A_84, %dma_start3A_85, %dma_start3A_93] : memref<4x2x128xi32, #tpu.memory_space<vmem>> -> memref<1x1x128xi32, #tpu.memory_space<vmem>>
    %dma_start3A_95 = tpu.memref_squeeze %dma_start3A_94 : memref<1x1x128xi32, #tpu.memory_space<vmem>> -> memref<128xi32, #tpu.memory_space<vmem>>
    %dma_start3A_96 = arith.constant 0 : i32
    %dma_start3A_97 = arith.constant 0 : i32
    %dma_start3A_98 = arith.constant 0 : i32
    %dma_start3A_99 = tpu.memref_slice %arg10[%dma_start3A_96, %dma_start3A_97, %dma_start3A_98] : memref<43520x2x16xi32, #tpu.memory_space<vmem_shared>> -> memref<43520x2x16xi32, #tpu.memory_space<vmem_shared>>
    tpu.enqueue_indirect_dma source(%dma_start3A_99 : memref<43520x2x16xi32, #tpu.memory_space<vmem_shared>>) target(%dma_start3A_92 : memref<128x2x16xi32, #tpu.memory_space<vmem>>) offsets(%dma_start3A_95 : memref<128xi32, #tpu.memory_space<vmem>>) semaphore(%arg12 : memref<!tpu.dma_semaphore, #tpu.memory_space<semaphore_mem>>)
    %add3A_100 = arith.constant 1 : i32
    %add3A_101 = arith.addi %add3A, %add3A_100 : i32
    %dma_start3A_102 = arith.constant 1 : i32
    %dma_start3A_103 = arith.constant 0 : i32
    %dma_start3A_104 = arith.constant 0 : i32
    %dma_start3A_105 = tpu.memref_slice %arg6[%dma_start3A_102, %dma_start3A_103, %dma_start3A_104] : memref<4x2x128xi32, #tpu.memory_space<vmem>> -> memref<1x2x128xi32, #tpu.memory_space<vmem>>
    %dma_start3A_106 = tpu.memref_squeeze %dma_start3A_105 : memref<1x2x128xi32, #tpu.memory_space<vmem>> -> memref<2x128xi32, #tpu.memory_space<vmem>>
    %dma_start3A_107 = arith.constant 0 : i32
    %dma_start3A_108 = arith.constant 0 : i32
    %dma_start3A_109 = tpu.memref_slice %arg3[%add3A_101, %dma_start3A_107, %dma_start3A_108] : memref<10880x2x128xi32, #tpu.memory_space<hbm>> -> memref<1x2x128xi32, #tpu.memory_space<hbm>>
    %dma_start3A_110 = tpu.memref_squeeze %dma_start3A_109 : memref<1x2x128xi32, #tpu.memory_space<hbm>> -> memref<2x128xi32, #tpu.memory_space<hbm>>
    %dma_start3A_111 = arith.constant 0 : i32
    %dma_start3A_112 = arith.constant 0 : i32
    %dma_start3A_113 = tpu.memref_slice %arg6[%dma_start3A_102, %dma_start3A_111, %dma_start3A_112] : memref<4x2x128xi32, #tpu.memory_space<vmem>> -> memref<1x2x128xi32, #tpu.memory_space<vmem>>
    %dma_start3A_114 = tpu.memref_squeeze %dma_start3A_113 : memref<1x2x128xi32, #tpu.memory_space<vmem>> -> memref<2x128xi32, #tpu.memory_space<vmem>>
    %dma_start3A_115 = arith.constant 0 : i32
    %dma_start3A_116 = arith.constant 0 : i32
    %dma_start3A_117 = tpu.memref_slice %arg3[%add3A_101, %dma_start3A_115, %dma_start3A_116] : memref<10880x2x128xi32, #tpu.memory_space<hbm>> -> memref<1x2x128xi32, #tpu.memory_space<hbm>>
    %dma_start3A_118 = tpu.memref_squeeze %dma_start3A_117 : memref<1x2x128xi32, #tpu.memory_space<hbm>> -> memref<2x128xi32, #tpu.memory_space<hbm>>
    tpu.enqueue_dma source(%dma_start3A_118 : memref<2x128xi32, #tpu.memory_space<hbm>>) target(%dma_start3A_114 : memref<2x128xi32, #tpu.memory_space<vmem>>) target_semaphore(%arg11 : memref<!tpu.dma_semaphore, #tpu.memory_space<semaphore_mem>>)
    %dma_start3A_119 = arith.constant 1 : i32
    %dma_start3A_120 = arith.constant 0 : i32
    %dma_start3A_121 = tpu.memref_slice %arg7[%dma_start3A_119, %dma_start3A_120] : memref<4x256xi32, #tpu.memory_space<vmem>> -> memref<1x256xi32, #tpu.memory_space<vmem>>
    %dma_start3A_122 = tpu.memref_squeeze %dma_start3A_121 : memref<1x256xi32, #tpu.memory_space<vmem>> -> memref<256xi32, #tpu.memory_space<vmem>>
    %dma_start3A_123 = arith.constant 0 : i32
    %dma_start3A_124 = tpu.memref_slice %arg4[%add3A_101, %dma_start3A_123] : memref<10880x256xi32, #tpu.memory_space<hbm>> -> memref<1x256xi32, #tpu.memory_space<hbm>>
    %dma_start3A_125 = tpu.memref_squeeze %dma_start3A_124 : memref<1x256xi32, #tpu.memory_space<hbm>> -> memref<256xi32, #tpu.memory_space<hbm>>
    %dma_start3A_126 = arith.constant 0 : i32
    %dma_start3A_127 = tpu.memref_slice %arg7[%dma_start3A_119, %dma_start3A_126] : memref<4x256xi32, #tpu.memory_space<vmem>> -> memref<1x256xi32, #tpu.memory_space<vmem>>
    %dma_start3A_128 = tpu.memref_squeeze %dma_start3A_127 : memref<1x256xi32, #tpu.memory_space<vmem>> -> memref<256xi32, #tpu.memory_space<vmem>>
    %dma_start3A_129 = arith.constant 0 : i32
    %dma_start3A_130 = tpu.memref_slice %arg4[%add3A_101, %dma_start3A_129] : memref<10880x256xi32, #tpu.memory_space<hbm>> -> memref<1x256xi32, #tpu.memory_space<hbm>>
    %dma_start3A_131 = tpu.memref_squeeze %dma_start3A_130 : memref<1x256xi32, #tpu.memory_space<hbm>> -> memref<256xi32, #tpu.memory_space<hbm>>
    tpu.enqueue_dma source(%dma_start3A_131 : memref<256xi32, #tpu.memory_space<hbm>>) target(%dma_start3A_128 : memref<256xi32, #tpu.memory_space<vmem>>) target_semaphore(%arg11 : memref<!tpu.dma_semaphore, #tpu.memory_space<semaphore_mem>>)
    %add3A_132 = arith.constant 1 : i32
    %add3A_133 = arith.addi %add3A, %add3A_132 : i32
    %dma_wait3A_134 = arith.constant 1 : i32
    %dma_wait3A_135 = arith.constant 0 : i32
    %dma_wait3A_136 = arith.constant 0 : i32
    %dma_wait3A_137 = tpu.memref_slice %arg6[%dma_wait3A_134, %dma_wait3A_135, %dma_wait3A_136] : memref<4x2x128xi32, #tpu.memory_space<vmem>> -> memref<1x2x128xi32, #tpu.memory_space<vmem>>
    %dma_wait3A_138 = tpu.memref_squeeze %dma_wait3A_137 : memref<1x2x128xi32, #tpu.memory_space<vmem>> -> memref<2x128xi32, #tpu.memory_space<vmem>>
    %dma_wait3A_139 = arith.constant 0 : i32
    %dma_wait3A_140 = arith.constant 0 : i32
    %dma_wait3A_141 = tpu.memref_slice %arg3[%add3A_133, %dma_wait3A_139, %dma_wait3A_140] : memref<10880x2x128xi32, #tpu.memory_space<hbm>> -> memref<1x2x128xi32, #tpu.memory_space<hbm>>
    %dma_wait3A_142 = tpu.memref_squeeze %dma_wait3A_141 : memref<1x2x128xi32, #tpu.memory_space<hbm>> -> memref<2x128xi32, #tpu.memory_space<hbm>>
    %dma_wait3A_143 = arith.constant 0 : i32
    %dma_wait3A_144 = arith.constant 0 : i32
    %dma_wait3A_145 = tpu.memref_slice %arg6[%dma_wait3A_134, %dma_wait3A_143, %dma_wait3A_144] : memref<4x2x128xi32, #tpu.memory_space<vmem>> -> memref<1x2x128xi32, #tpu.memory_space<vmem>>
    %dma_wait3A_146 = tpu.memref_squeeze %dma_wait3A_145 : memref<1x2x128xi32, #tpu.memory_space<vmem>> -> memref<2x128xi32, #tpu.memory_space<vmem>>
    %dma_wait3A_147 = arith.constant 0 : i32
    %dma_wait3A_148 = arith.constant 0 : i32
    %dma_wait3A_149 = tpu.memref_slice %arg3[%add3A_133, %dma_wait3A_147, %dma_wait3A_148] : memref<10880x2x128xi32, #tpu.memory_space<hbm>> -> memref<1x2x128xi32, #tpu.memory_space<hbm>>
    %dma_wait3A_150 = tpu.memref_squeeze %dma_wait3A_149 : memref<1x2x128xi32, #tpu.memory_space<hbm>> -> memref<2x128xi32, #tpu.memory_space<hbm>>
    tpu.wait_dma2 semaphore(%arg11 : memref<!tpu.dma_semaphore, #tpu.memory_space<semaphore_mem>>) src(%dma_wait3A_150 : memref<2x128xi32, #tpu.memory_space<hbm>>) dst(%dma_wait3A_146 : memref<2x128xi32, #tpu.memory_space<vmem>>)
    %dma_wait3A_151 = arith.constant 1 : i32
    %dma_wait3A_152 = arith.constant 0 : i32
    %dma_wait3A_153 = tpu.memref_slice %arg7[%dma_wait3A_151, %dma_wait3A_152] : memref<4x256xi32, #tpu.memory_space<vmem>> -> memref<1x256xi32, #tpu.memory_space<vmem>>
    %dma_wait3A_154 = tpu.memref_squeeze %dma_wait3A_153 : memref<1x256xi32, #tpu.memory_space<vmem>> -> memref<256xi32, #tpu.memory_space<vmem>>
    %dma_wait3A_155 = arith.constant 0 : i32
    %dma_wait3A_156 = tpu.memref_slice %arg4[%add3A_133, %dma_wait3A_155] : memref<10880x256xi32, #tpu.memory_space<hbm>> -> memref<1x256xi32, #tpu.memory_space<hbm>>
    %dma_wait3A_157 = tpu.memref_squeeze %dma_wait3A_156 : memref<1x256xi32, #tpu.memory_space<hbm>> -> memref<256xi32, #tpu.memory_space<hbm>>
    %dma_wait3A_158 = arith.constant 0 : i32
    %dma_wait3A_159 = tpu.memref_slice %arg7[%dma_wait3A_151, %dma_wait3A_158] : memref<4x256xi32, #tpu.memory_space<vmem>> -> memref<1x256xi32, #tpu.memory_space<vmem>>
    %dma_wait3A_160 = tpu.memref_squeeze %dma_wait3A_159 : memref<1x256xi32, #tpu.memory_space<vmem>> -> memref<256xi32, #tpu.memory_space<vmem>>
    %dma_wait3A_161 = arith.constant 0 : i32
    %dma_wait3A_162 = tpu.memref_slice %arg4[%add3A_133, %dma_wait3A_161] : memref<10880x256xi32, #tpu.memory_space<hbm>> -> memref<1x256xi32, #tpu.memory_space<hbm>>
    %dma_wait3A_163 = tpu.memref_squeeze %dma_wait3A_162 : memref<1x256xi32, #tpu.memory_space<hbm>> -> memref<256xi32, #tpu.memory_space<hbm>>
    tpu.wait_dma2 semaphore(%arg11 : memref<!tpu.dma_semaphore, #tpu.memory_space<semaphore_mem>>) src(%dma_wait3A_163 : memref<256xi32, #tpu.memory_space<hbm>>) dst(%dma_wait3A_160 : memref<256xi32, #tpu.memory_space<vmem>>)
    %dma_start3A_164 = arith.constant 1 : i32
    %dma_start3A_165 = arith.constant 0 : i32
    %dma_start3A_166 = arith.constant 1 : i32
    %dma_start3A_167 = arith.constant 0 : i32
    %dma_start3A_168 = arith.constant 0 : i32
    %dma_start3A_169 = arith.constant 0 : i32
    %dma_start3A_170 = arith.constant 0 : i32
    %dma_start3A_171 = tpu.memref_slice %arg8[%dma_start3A_166, %dma_start3A_167, %dma_start3A_168, %dma_start3A_169, %dma_start3A_170] : memref<3x2x128x2x16xi32, #tpu.memory_space<vmem>> -> memref<1x1x128x2x16xi32, #tpu.memory_space<vmem>>
    %dma_start3A_172 = tpu.memref_squeeze %dma_start3A_171 : memref<1x1x128x2x16xi32, #tpu.memory_space<vmem>> -> memref<128x2x16xi32, #tpu.memory_space<vmem>>
    %dma_start3A_173 = arith.constant 0 : i32
    %dma_start3A_174 = tpu.memref_slice %arg6[%dma_start3A_164, %dma_start3A_165, %dma_start3A_173] : memref<4x2x128xi32, #tpu.memory_space<vmem>> -> memref<1x1x128xi32, #tpu.memory_space<vmem>>
    %dma_start3A_175 = tpu.memref_squeeze %dma_start3A_174 : memref<1x1x128xi32, #tpu.memory_space<vmem>> -> memref<128xi32, #tpu.memory_space<vmem>>
    %dma_start3A_176 = arith.constant 0 : i32
    %dma_start3A_177 = arith.constant 0 : i32
    %dma_start3A_178 = arith.constant 0 : i32
    %dma_start3A_179 = tpu.memref_slice %arg10[%dma_start3A_176, %dma_start3A_177, %dma_start3A_178] : memref<43520x2x16xi32, #tpu.memory_space<vmem_shared>> -> memref<43520x2x16xi32, #tpu.memory_space<vmem_shared>>
    tpu.enqueue_indirect_dma source(%dma_start3A_179 : memref<43520x2x16xi32, #tpu.memory_space<vmem_shared>>) target(%dma_start3A_172 : memref<128x2x16xi32, #tpu.memory_space<vmem>>) offsets(%dma_start3A_175 : memref<128xi32, #tpu.memory_space<vmem>>) semaphore(%arg12 : memref<!tpu.dma_semaphore, #tpu.memory_space<semaphore_mem>>)
    %dma_start3A_180 = arith.constant 1 : i32
    %dma_start3A_181 = arith.constant 1 : i32
    %dma_start3A_182 = arith.constant 1 : i32
    %dma_start3A_183 = arith.constant 1 : i32
    %dma_start3A_184 = arith.constant 0 : i32
    %dma_start3A_185 = arith.constant 0 : i32
    %dma_start3A_186 = arith.constant 0 : i32
    %dma_start3A_187 = tpu.memref_slice %arg8[%dma_start3A_182, %dma_start3A_183, %dma_start3A_184, %dma_start3A_185, %dma_start3A_186] : memref<3x2x128x2x16xi32, #tpu.memory_space<vmem>> -> memref<1x1x128x2x16xi32, #tpu.memory_space<vmem>>
    %dma_start3A_188 = tpu.memref_squeeze %dma_start3A_187 : memref<1x1x128x2x16xi32, #tpu.memory_space<vmem>> -> memref<128x2x16xi32, #tpu.memory_space<vmem>>
    %dma_start3A_189 = arith.constant 0 : i32
    %dma_start3A_190 = tpu.memref_slice %arg6[%dma_start3A_180, %dma_start3A_181, %dma_start3A_189] : memref<4x2x128xi32, #tpu.memory_space<vmem>> -> memref<1x1x128xi32, #tpu.memory_space<vmem>>
    %dma_start3A_191 = tpu.memref_squeeze %dma_start3A_190 : memref<1x1x128xi32, #tpu.memory_space<vmem>> -> memref<128xi32, #tpu.memory_space<vmem>>
    %dma_start3A_192 = arith.constant 0 : i32
    %dma_start3A_193 = arith.constant 0 : i32
    %dma_start3A_194 = arith.constant 0 : i32
    %dma_start3A_195 = tpu.memref_slice %arg10[%dma_start3A_192, %dma_start3A_193, %dma_start3A_194] : memref<43520x2x16xi32, #tpu.memory_space<vmem_shared>> -> memref<43520x2x16xi32, #tpu.memory_space<vmem_shared>>
    tpu.enqueue_indirect_dma source(%dma_start3A_195 : memref<43520x2x16xi32, #tpu.memory_space<vmem_shared>>) target(%dma_start3A_188 : memref<128x2x16xi32, #tpu.memory_space<vmem>>) offsets(%dma_start3A_191 : memref<128xi32, #tpu.memory_space<vmem>>) semaphore(%arg12 : memref<!tpu.dma_semaphore, #tpu.memory_space<semaphore_mem>>)
    %add3A_196 = arith.constant 2 : i32
    %add3A_197 = arith.addi %add3A, %add3A_196 : i32
    %dma_start3A_198 = arith.constant 2 : i32
    %dma_start3A_199 = arith.constant 0 : i32
    %dma_start3A_200 = arith.constant 0 : i32
    %dma_start3A_201 = tpu.memref_slice %arg6[%dma_start3A_198, %dma_start3A_199, %dma_start3A_200] : memref<4x2x128xi32, #tpu.memory_space<vmem>> -> memref<1x2x128xi32, #tpu.memory_space<vmem>>
    %dma_start3A_202 = tpu.memref_squeeze %dma_start3A_201 : memref<1x2x128xi32, #tpu.memory_space<vmem>> -> memref<2x128xi32, #tpu.memory_space<vmem>>
    %dma_start3A_203 = arith.constant 0 : i32
    %dma_start3A_204 = arith.constant 0 : i32
    %dma_start3A_205 = tpu.memref_slice %arg3[%add3A_197, %dma_start3A_203, %dma_start3A_204] : memref<10880x2x128xi32, #tpu.memory_space<hbm>> -> memref<1x2x128xi32, #tpu.memory_space<hbm>>
    %dma_start3A_206 = tpu.memref_squeeze %dma_start3A_205 : memref<1x2x128xi32, #tpu.memory_space<hbm>> -> memref<2x128xi32, #tpu.memory_space<hbm>>
    %dma_start3A_207 = arith.constant 0 : i32
    %dma_start3A_208 = arith.constant 0 : i32
    %dma_start3A_209 = tpu.memref_slice %arg6[%dma_start3A_198, %dma_start3A_207, %dma_start3A_208] : memref<4x2x128xi32, #tpu.memory_space<vmem>> -> memref<1x2x128xi32, #tpu.memory_space<vmem>>
    %dma_start3A_210 = tpu.memref_squeeze %dma_start3A_209 : memref<1x2x128xi32, #tpu.memory_space<vmem>> -> memref<2x128xi32, #tpu.memory_space<vmem>>
    %dma_start3A_211 = arith.constant 0 : i32
    %dma_start3A_212 = arith.constant 0 : i32
    %dma_start3A_213 = tpu.memref_slice %arg3[%add3A_197, %dma_start3A_211, %dma_start3A_212] : memref<10880x2x128xi32, #tpu.memory_space<hbm>> -> memref<1x2x128xi32, #tpu.memory_space<hbm>>
    %dma_start3A_214 = tpu.memref_squeeze %dma_start3A_213 : memref<1x2x128xi32, #tpu.memory_space<hbm>> -> memref<2x128xi32, #tpu.memory_space<hbm>>
    tpu.enqueue_dma source(%dma_start3A_214 : memref<2x128xi32, #tpu.memory_space<hbm>>) target(%dma_start3A_210 : memref<2x128xi32, #tpu.memory_space<vmem>>) target_semaphore(%arg11 : memref<!tpu.dma_semaphore, #tpu.memory_space<semaphore_mem>>)
    %dma_start3A_215 = arith.constant 2 : i32
    %dma_start3A_216 = arith.constant 0 : i32
    %dma_start3A_217 = tpu.memref_slice %arg7[%dma_start3A_215, %dma_start3A_216] : memref<4x256xi32, #tpu.memory_space<vmem>> -> memref<1x256xi32, #tpu.memory_space<vmem>>
    %dma_start3A_218 = tpu.memref_squeeze %dma_start3A_217 : memref<1x256xi32, #tpu.memory_space<vmem>> -> memref<256xi32, #tpu.memory_space<vmem>>
    %dma_start3A_219 = arith.constant 0 : i32
    %dma_start3A_220 = tpu.memref_slice %arg4[%add3A_197, %dma_start3A_219] : memref<10880x256xi32, #tpu.memory_space<hbm>> -> memref<1x256xi32, #tpu.memory_space<hbm>>
    %dma_start3A_221 = tpu.memref_squeeze %dma_start3A_220 : memref<1x256xi32, #tpu.memory_space<hbm>> -> memref<256xi32, #tpu.memory_space<hbm>>
    %dma_start3A_222 = arith.constant 0 : i32
    %dma_start3A_223 = tpu.memref_slice %arg7[%dma_start3A_215, %dma_start3A_222] : memref<4x256xi32, #tpu.memory_space<vmem>> -> memref<1x256xi32, #tpu.memory_space<vmem>>
    %dma_start3A_224 = tpu.memref_squeeze %dma_start3A_223 : memref<1x256xi32, #tpu.memory_space<vmem>> -> memref<256xi32, #tpu.memory_space<vmem>>
    %dma_start3A_225 = arith.constant 0 : i32
    %dma_start3A_226 = tpu.memref_slice %arg4[%add3A_197, %dma_start3A_225] : memref<10880x256xi32, #tpu.memory_space<hbm>> -> memref<1x256xi32, #tpu.memory_space<hbm>>
    %dma_start3A_227 = tpu.memref_squeeze %dma_start3A_226 : memref<1x256xi32, #tpu.memory_space<hbm>> -> memref<256xi32, #tpu.memory_space<hbm>>
    tpu.enqueue_dma source(%dma_start3A_227 : memref<256xi32, #tpu.memory_space<hbm>>) target(%dma_start3A_224 : memref<256xi32, #tpu.memory_space<vmem>>) target_semaphore(%arg11 : memref<!tpu.dma_semaphore, #tpu.memory_space<semaphore_mem>>)
    %scan3A = arith.constant 0 : i32
    %scan3A_228 = arith.constant 0 : i32
    %scan3A_229 = arith.constant 340 : i32
    %scan3A_230 = arith.addi %scan3A_228, %scan3A_229 : i32
    %scan3A_231 = arith.constant 1 : i32
    scf.for %scan3A_251 = %scan3A_228 to %scan3A_230 step %scan3A_231  : i32 {
      %add3A_252 = arith.addi %add3A, %scan3A_251 : i32
      %rem3A_253 = arith.constant 3 : i32
      %rem3A_254 = arith.remsi %scan3A_251, %rem3A_253 : i32
      %add3A_255 = arith.constant 2 : i32
      %add3A_256 = arith.addi %scan3A_251, %add3A_255 : i32
      %rem3A_257 = arith.constant 3 : i32
      %rem3A_258 = arith.remsi %add3A_256, %rem3A_257 : i32
      %rem3A_259 = arith.constant 4 : i32
      %rem3A_260 = arith.remsi %scan3A_251, %rem3A_259 : i32
      %add3A_261 = arith.constant 2 : i32
      %add3A_262 = arith.addi %scan3A_251, %add3A_261 : i32
      %rem3A_263 = arith.constant 4 : i32
      %rem3A_264 = arith.remsi %add3A_262, %rem3A_263 : i32
      %add3A_265 = arith.constant 3 : i32
      %add3A_266 = arith.addi %scan3A_251, %add3A_265 : i32
      %rem3A_267 = arith.constant 4 : i32
      %rem3A_268 = arith.remsi %add3A_266, %rem3A_267 : i32
      %rem3A_269 = arith.constant 2 : i32
      %rem3A_270 = arith.remsi %scan3A_251, %rem3A_269 : i32
      %add3A_271 = arith.constant 1 : i32
      %add3A_272 = arith.addi %scan3A_251, %add3A_271 : i32
      %rem3A_273 = arith.constant 2 : i32
      %rem3A_274 = arith.remsi %add3A_272, %rem3A_273 : i32
      %add3A_275 = arith.constant 2 : i32
      %add3A_276 = arith.addi %scan3A_251, %add3A_275 : i32
      %lt3A_277 = arith.constant 340 : i32
      %lt3A_278 = arith.cmpi slt, %add3A_276, %lt3A_277 : i32
      %convert_element_type3A_279 = arith.extui %lt3A_278 : i1 to i32
      %cond3A_280 = arith.constant 0 : i32
      %cond3A_281 = arith.cmpi ne, %convert_element_type3A_279, %cond3A_280 : i32
      scf.if %cond3A_281 {
        %add3A_341 = arith.constant 2 : i32
        %add3A_342 = arith.addi %add3A_252, %add3A_341 : i32
        %dma_wait3A_343 = arith.constant 0 : i32
        %dma_wait3A_344 = arith.constant 0 : i32
        %dma_wait3A_345 = tpu.memref_slice %arg6[%rem3A_264, %dma_wait3A_343, %dma_wait3A_344] : memref<4x2x128xi32, #tpu.memory_space<vmem>> -> memref<1x2x128xi32, #tpu.memory_space<vmem>>
        %dma_wait3A_346 = tpu.memref_squeeze %dma_wait3A_345 : memref<1x2x128xi32, #tpu.memory_space<vmem>> -> memref<2x128xi32, #tpu.memory_space<vmem>>
        %dma_wait3A_347 = arith.constant 0 : i32
        %dma_wait3A_348 = arith.constant 0 : i32
        %dma_wait3A_349 = tpu.memref_slice %arg3[%add3A_342, %dma_wait3A_347, %dma_wait3A_348] : memref<10880x2x128xi32, #tpu.memory_space<hbm>> -> memref<1x2x128xi32, #tpu.memory_space<hbm>>
        %dma_wait3A_350 = tpu.memref_squeeze %dma_wait3A_349 : memref<1x2x128xi32, #tpu.memory_space<hbm>> -> memref<2x128xi32, #tpu.memory_space<hbm>>
        %dma_wait3A_351 = arith.constant 0 : i32
        %dma_wait3A_352 = arith.constant 0 : i32
        %dma_wait3A_353 = tpu.memref_slice %arg6[%rem3A_264, %dma_wait3A_351, %dma_wait3A_352] : memref<4x2x128xi32, #tpu.memory_space<vmem>> -> memref<1x2x128xi32, #tpu.memory_space<vmem>>
        %dma_wait3A_354 = tpu.memref_squeeze %dma_wait3A_353 : memref<1x2x128xi32, #tpu.memory_space<vmem>> -> memref<2x128xi32, #tpu.memory_space<vmem>>
        %dma_wait3A_355 = arith.constant 0 : i32
        %dma_wait3A_356 = arith.constant 0 : i32
        %dma_wait3A_357 = tpu.memref_slice %arg3[%add3A_342, %dma_wait3A_355, %dma_wait3A_356] : memref<10880x2x128xi32, #tpu.memory_space<hbm>> -> memref<1x2x128xi32, #tpu.memory_space<hbm>>
        %dma_wait3A_358 = tpu.memref_squeeze %dma_wait3A_357 : memref<1x2x128xi32, #tpu.memory_space<hbm>> -> memref<2x128xi32, #tpu.memory_space<hbm>>
        tpu.wait_dma2 semaphore(%arg11 : memref<!tpu.dma_semaphore, #tpu.memory_space<semaphore_mem>>) src(%dma_wait3A_358 : memref<2x128xi32, #tpu.memory_space<hbm>>) dst(%dma_wait3A_354 : memref<2x128xi32, #tpu.memory_space<vmem>>)
        %dma_wait3A_359 = arith.constant 0 : i32
        %dma_wait3A_360 = tpu.memref_slice %arg7[%rem3A_264, %dma_wait3A_359] : memref<4x256xi32, #tpu.memory_space<vmem>> -> memref<1x256xi32, #tpu.memory_space<vmem>>
        %dma_wait3A_361 = tpu.memref_squeeze %dma_wait3A_360 : memref<1x256xi32, #tpu.memory_space<vmem>> -> memref<256xi32, #tpu.memory_space<vmem>>
        %dma_wait3A_362 = arith.constant 0 : i32
        %dma_wait3A_363 = tpu.memref_slice %arg4[%add3A_342, %dma_wait3A_362] : memref<10880x256xi32, #tpu.memory_space<hbm>> -> memref<1x256xi32, #tpu.memory_space<hbm>>
        %dma_wait3A_364 = tpu.memref_squeeze %dma_wait3A_363 : memref<1x256xi32, #tpu.memory_space<hbm>> -> memref<256xi32, #tpu.memory_space<hbm>>
        %dma_wait3A_365 = arith.constant 0 : i32
        %dma_wait3A_366 = tpu.memref_slice %arg7[%rem3A_264, %dma_wait3A_365] : memref<4x256xi32, #tpu.memory_space<vmem>> -> memref<1x256xi32, #tpu.memory_space<vmem>>
        %dma_wait3A_367 = tpu.memref_squeeze %dma_wait3A_366 : memref<1x256xi32, #tpu.memory_space<vmem>> -> memref<256xi32, #tpu.memory_space<vmem>>
        %dma_wait3A_368 = arith.constant 0 : i32
        %dma_wait3A_369 = tpu.memref_slice %arg4[%add3A_342, %dma_wait3A_368] : memref<10880x256xi32, #tpu.memory_space<hbm>> -> memref<1x256xi32, #tpu.memory_space<hbm>>
        %dma_wait3A_370 = tpu.memref_squeeze %dma_wait3A_369 : memref<1x256xi32, #tpu.memory_space<hbm>> -> memref<256xi32, #tpu.memory_space<hbm>>
        tpu.wait_dma2 semaphore(%arg11 : memref<!tpu.dma_semaphore, #tpu.memory_space<semaphore_mem>>) src(%dma_wait3A_370 : memref<256xi32, #tpu.memory_space<hbm>>) dst(%dma_wait3A_367 : memref<256xi32, #tpu.memory_space<vmem>>)
        %dma_start3A_371 = arith.constant 0 : i32
        %dma_start3A_372 = arith.constant 0 : i32
        %dma_start3A_373 = arith.constant 0 : i32
        %dma_start3A_374 = arith.constant 0 : i32
        %dma_start3A_375 = arith.constant 0 : i32
        %dma_start3A_376 = tpu.memref_slice %arg8[%rem3A_258, %dma_start3A_372, %dma_start3A_373, %dma_start3A_374, %dma_start3A_375] : memref<3x2x128x2x16xi32, #tpu.memory_space<vmem>> -> memref<1x1x128x2x16xi32, #tpu.memory_space<vmem>>
        %dma_start3A_377 = tpu.memref_squeeze %dma_start3A_376 : memref<1x1x128x2x16xi32, #tpu.memory_space<vmem>> -> memref<128x2x16xi32, #tpu.memory_space<vmem>>
        %dma_start3A_378 = arith.constant 0 : i32
        %dma_start3A_379 = tpu.memref_slice %arg6[%rem3A_264, %dma_start3A_371, %dma_start3A_378] : memref<4x2x128xi32, #tpu.memory_space<vmem>> -> memref<1x1x128xi32, #tpu.memory_space<vmem>>
        %dma_start3A_380 = tpu.memref_squeeze %dma_start3A_379 : memref<1x1x128xi32, #tpu.memory_space<vmem>> -> memref<128xi32, #tpu.memory_space<vmem>>
        %dma_start3A_381 = arith.constant 0 : i32
        %dma_start3A_382 = arith.constant 0 : i32
        %dma_start3A_383 = arith.constant 0 : i32
        %dma_start3A_384 = tpu.memref_slice %arg10[%dma_start3A_381, %dma_start3A_382, %dma_start3A_383] : memref<43520x2x16xi32, #tpu.memory_space<vmem_shared>> -> memref<43520x2x16xi32, #tpu.memory_space<vmem_shared>>
        tpu.enqueue_indirect_dma source(%dma_start3A_384 : memref<43520x2x16xi32, #tpu.memory_space<vmem_shared>>) target(%dma_start3A_377 : memref<128x2x16xi32, #tpu.memory_space<vmem>>) offsets(%dma_start3A_380 : memref<128xi32, #tpu.memory_space<vmem>>) semaphore(%arg12 : memref<!tpu.dma_semaphore, #tpu.memory_space<semaphore_mem>>)
        %dma_start3A_385 = arith.constant 1 : i32
        %dma_start3A_386 = arith.constant 1 : i32
        %dma_start3A_387 = arith.constant 0 : i32
        %dma_start3A_388 = arith.constant 0 : i32
        %dma_start3A_389 = arith.constant 0 : i32
        %dma_start3A_390 = tpu.memref_slice %arg8[%rem3A_258, %dma_start3A_386, %dma_start3A_387, %dma_start3A_388, %dma_start3A_389] : memref<3x2x128x2x16xi32, #tpu.memory_space<vmem>> -> memref<1x1x128x2x16xi32, #tpu.memory_space<vmem>>
        %dma_start3A_391 = tpu.memref_squeeze %dma_start3A_390 : memref<1x1x128x2x16xi32, #tpu.memory_space<vmem>> -> memref<128x2x16xi32, #tpu.memory_space<vmem>>
        %dma_start3A_392 = arith.constant 0 : i32
        %dma_start3A_393 = tpu.memref_slice %arg6[%rem3A_264, %dma_start3A_385, %dma_start3A_392] : memref<4x2x128xi32, #tpu.memory_space<vmem>> -> memref<1x1x128xi32, #tpu.memory_space<vmem>>
        %dma_start3A_394 = tpu.memref_squeeze %dma_start3A_393 : memref<1x1x128xi32, #tpu.memory_space<vmem>> -> memref<128xi32, #tpu.memory_space<vmem>>
        %dma_start3A_395 = arith.constant 0 : i32
        %dma_start3A_396 = arith.constant 0 : i32
        %dma_start3A_397 = arith.constant 0 : i32
        %dma_start3A_398 = tpu.memref_slice %arg10[%dma_start3A_395, %dma_start3A_396, %dma_start3A_397] : memref<43520x2x16xi32, #tpu.memory_space<vmem_shared>> -> memref<43520x2x16xi32, #tpu.memory_space<vmem_shared>>
        tpu.enqueue_indirect_dma source(%dma_start3A_398 : memref<43520x2x16xi32, #tpu.memory_space<vmem_shared>>) target(%dma_start3A_391 : memref<128x2x16xi32, #tpu.memory_space<vmem>>) offsets(%dma_start3A_394 : memref<128xi32, #tpu.memory_space<vmem>>) semaphore(%arg12 : memref<!tpu.dma_semaphore, #tpu.memory_space<semaphore_mem>>)
      } else {
      }
      %add3A_282 = arith.constant 3 : i32
      %add3A_283 = arith.addi %scan3A_251, %add3A_282 : i32
      %lt3A_284 = arith.constant 340 : i32
      %lt3A_285 = arith.cmpi slt, %add3A_283, %lt3A_284 : i32
      %convert_element_type3A_286 = arith.extui %lt3A_285 : i1 to i32
      %cond3A_287 = arith.constant 0 : i32
      %cond3A_288 = arith.cmpi ne, %convert_element_type3A_286, %cond3A_287 : i32
      scf.if %cond3A_288 {
        %add3A_341 = arith.constant 3 : i32
        %add3A_342 = arith.addi %add3A_252, %add3A_341 : i32
        %dma_start3A_343 = arith.constant 0 : i32
        %dma_start3A_344 = arith.constant 0 : i32
        %dma_start3A_345 = tpu.memref_slice %arg6[%rem3A_268, %dma_start3A_343, %dma_start3A_344] : memref<4x2x128xi32, #tpu.memory_space<vmem>> -> memref<1x2x128xi32, #tpu.memory_space<vmem>>
        %dma_start3A_346 = tpu.memref_squeeze %dma_start3A_345 : memref<1x2x128xi32, #tpu.memory_space<vmem>> -> memref<2x128xi32, #tpu.memory_space<vmem>>
        %dma_start3A_347 = arith.constant 0 : i32
        %dma_start3A_348 = arith.constant 0 : i32
        %dma_start3A_349 = tpu.memref_slice %arg3[%add3A_342, %dma_start3A_347, %dma_start3A_348] : memref<10880x2x128xi32, #tpu.memory_space<hbm>> -> memref<1x2x128xi32, #tpu.memory_space<hbm>>
        %dma_start3A_350 = tpu.memref_squeeze %dma_start3A_349 : memref<1x2x128xi32, #tpu.memory_space<hbm>> -> memref<2x128xi32, #tpu.memory_space<hbm>>
        %dma_start3A_351 = arith.constant 0 : i32
        %dma_start3A_352 = arith.constant 0 : i32
        %dma_start3A_353 = tpu.memref_slice %arg6[%rem3A_268, %dma_start3A_351, %dma_start3A_352] : memref<4x2x128xi32, #tpu.memory_space<vmem>> -> memref<1x2x128xi32, #tpu.memory_space<vmem>>
        %dma_start3A_354 = tpu.memref_squeeze %dma_start3A_353 : memref<1x2x128xi32, #tpu.memory_space<vmem>> -> memref<2x128xi32, #tpu.memory_space<vmem>>
        %dma_start3A_355 = arith.constant 0 : i32
        %dma_start3A_356 = arith.constant 0 : i32
        %dma_start3A_357 = tpu.memref_slice %arg3[%add3A_342, %dma_start3A_355, %dma_start3A_356] : memref<10880x2x128xi32, #tpu.memory_space<hbm>> -> memref<1x2x128xi32, #tpu.memory_space<hbm>>
        %dma_start3A_358 = tpu.memref_squeeze %dma_start3A_357 : memref<1x2x128xi32, #tpu.memory_space<hbm>> -> memref<2x128xi32, #tpu.memory_space<hbm>>
        tpu.enqueue_dma source(%dma_start3A_358 : memref<2x128xi32, #tpu.memory_space<hbm>>) target(%dma_start3A_354 : memref<2x128xi32, #tpu.memory_space<vmem>>) target_semaphore(%arg11 : memref<!tpu.dma_semaphore, #tpu.memory_space<semaphore_mem>>)
        %dma_start3A_359 = arith.constant 0 : i32
        %dma_start3A_360 = tpu.memref_slice %arg7[%rem3A_268, %dma_start3A_359] : memref<4x256xi32, #tpu.memory_space<vmem>> -> memref<1x256xi32, #tpu.memory_space<vmem>>
        %dma_start3A_361 = tpu.memref_squeeze %dma_start3A_360 : memref<1x256xi32, #tpu.memory_space<vmem>> -> memref<256xi32, #tpu.memory_space<vmem>>
        %dma_start3A_362 = arith.constant 0 : i32
        %dma_start3A_363 = tpu.memref_slice %arg4[%add3A_342, %dma_start3A_362] : memref<10880x256xi32, #tpu.memory_space<hbm>> -> memref<1x256xi32, #tpu.memory_space<hbm>>
        %dma_start3A_364 = tpu.memref_squeeze %dma_start3A_363 : memref<1x256xi32, #tpu.memory_space<hbm>> -> memref<256xi32, #tpu.memory_space<hbm>>
        %dma_start3A_365 = arith.constant 0 : i32
        %dma_start3A_366 = tpu.memref_slice %arg7[%rem3A_268, %dma_start3A_365] : memref<4x256xi32, #tpu.memory_space<vmem>> -> memref<1x256xi32, #tpu.memory_space<vmem>>
        %dma_start3A_367 = tpu.memref_squeeze %dma_start3A_366 : memref<1x256xi32, #tpu.memory_space<vmem>> -> memref<256xi32, #tpu.memory_space<vmem>>
        %dma_start3A_368 = arith.constant 0 : i32
        %dma_start3A_369 = tpu.memref_slice %arg4[%add3A_342, %dma_start3A_368] : memref<10880x256xi32, #tpu.memory_space<hbm>> -> memref<1x256xi32, #tpu.memory_space<hbm>>
        %dma_start3A_370 = tpu.memref_squeeze %dma_start3A_369 : memref<1x256xi32, #tpu.memory_space<hbm>> -> memref<256xi32, #tpu.memory_space<hbm>>
        tpu.enqueue_dma source(%dma_start3A_370 : memref<256xi32, #tpu.memory_space<hbm>>) target(%dma_start3A_367 : memref<256xi32, #tpu.memory_space<vmem>>) target_semaphore(%arg11 : memref<!tpu.dma_semaphore, #tpu.memory_space<semaphore_mem>>)
      } else {
      }
      %dma_wait3A_289 = arith.constant 0 : i32
      %dma_wait3A_290 = arith.constant 0 : i32
      %dma_wait3A_291 = arith.constant 0 : i32
      %dma_wait3A_292 = arith.constant 0 : i32
      %dma_wait3A_293 = arith.constant 0 : i32
      %dma_wait3A_294 = arith.constant 0 : i32
      %dma_wait3A_295 = tpu.memref_slice %arg8[%rem3A_254, %dma_wait3A_291, %dma_wait3A_292, %dma_wait3A_293, %dma_wait3A_294] : memref<3x2x128x2x16xi32, #tpu.memory_space<vmem>> -> memref<1x1x128x2x16xi32, #tpu.memory_space<vmem>>
      %dma_wait3A_296 = tpu.memref_squeeze %dma_wait3A_295 : memref<1x1x128x2x16xi32, #tpu.memory_space<vmem>> -> memref<128x2x16xi32, #tpu.memory_space<vmem>>
      %dma_wait3A_297 = arith.constant 0 : i32
      %dma_wait3A_298 = tpu.memref_slice %arg6[%dma_wait3A_289, %dma_wait3A_290, %dma_wait3A_297] : memref<4x2x128xi32, #tpu.memory_space<vmem>> -> memref<1x1x128xi32, #tpu.memory_space<vmem>>
      %dma_wait3A_299 = tpu.memref_squeeze %dma_wait3A_298 : memref<1x1x128xi32, #tpu.memory_space<vmem>> -> memref<128xi32, #tpu.memory_space<vmem>>
      %dma_wait3A_300 = arith.constant 0 : i32
      %dma_wait3A_301 = arith.constant 0 : i32
      %dma_wait3A_302 = arith.constant 0 : i32
      %dma_wait3A_303 = tpu.memref_slice %arg10[%dma_wait3A_300, %dma_wait3A_301, %dma_wait3A_302] : memref<43520x2x16xi32, #tpu.memory_space<vmem_shared>> -> memref<43520x2x16xi32, #tpu.memory_space<vmem_shared>>
      tpu.wait_indirect_dma semaphore(%arg12 : memref<!tpu.dma_semaphore, #tpu.memory_space<semaphore_mem>>) src(%dma_wait3A_303 : memref<43520x2x16xi32, #tpu.memory_space<vmem_shared>>) dst(%dma_wait3A_296 : memref<128x2x16xi32, #tpu.memory_space<vmem>>)
      %dma_wait3A_304 = arith.constant 0 : i32
      %dma_wait3A_305 = arith.constant 1 : i32
      %dma_wait3A_306 = arith.constant 1 : i32
      %dma_wait3A_307 = arith.constant 0 : i32
      %dma_wait3A_308 = arith.constant 0 : i32
      %dma_wait3A_309 = arith.constant 0 : i32
      %dma_wait3A_310 = tpu.memref_slice %arg8[%rem3A_254, %dma_wait3A_306, %dma_wait3A_307, %dma_wait3A_308, %dma_wait3A_309] : memref<3x2x128x2x16xi32, #tpu.memory_space<vmem>> -> memref<1x1x128x2x16xi32, #tpu.memory_space<vmem>>
      %dma_wait3A_311 = tpu.memref_squeeze %dma_wait3A_310 : memref<1x1x128x2x16xi32, #tpu.memory_space<vmem>> -> memref<128x2x16xi32, #tpu.memory_space<vmem>>
      %dma_wait3A_312 = arith.constant 0 : i32
      %dma_wait3A_313 = tpu.memref_slice %arg6[%dma_wait3A_304, %dma_wait3A_305, %dma_wait3A_312] : memref<4x2x128xi32, #tpu.memory_space<vmem>> -> memref<1x1x128xi32, #tpu.memory_space<vmem>>
      %dma_wait3A_314 = tpu.memref_squeeze %dma_wait3A_313 : memref<1x1x128xi32, #tpu.memory_space<vmem>> -> memref<128xi32, #tpu.memory_space<vmem>>
      %dma_wait3A_315 = arith.constant 0 : i32
      %dma_wait3A_316 = arith.constant 0 : i32
      %dma_wait3A_317 = arith.constant 0 : i32
      %dma_wait3A_318 = tpu.memref_slice %arg10[%dma_wait3A_315, %dma_wait3A_316, %dma_wait3A_317] : memref<43520x2x16xi32, #tpu.memory_space<vmem_shared>> -> memref<43520x2x16xi32, #tpu.memory_space<vmem_shared>>
      tpu.wait_indirect_dma semaphore(%arg12 : memref<!tpu.dma_semaphore, #tpu.memory_space<semaphore_mem>>) src(%dma_wait3A_318 : memref<43520x2x16xi32, #tpu.memory_space<vmem_shared>>) dst(%dma_wait3A_311 : memref<128x2x16xi32, #tpu.memory_space<vmem>>)
      %scan3A_319 = arith.constant 0 : i32
      %scan3A_320 = arith.constant 0 : i32
      %scan3A_321 = arith.constant 8 : i32
      %scan3A_322 = arith.addi %scan3A_320, %scan3A_321 : i32
      %scan3A_323 = arith.constant 1 : i32
      scf.for %scan3A_341 = %scan3A_320 to %scan3A_322 step %scan3A_323  : i32 {
        %mul3A_342 = arith.constant 16 : i32
        %mul3A_343 = arith.muli %scan3A_341, %mul3A_342 : i32
        %add3A_344 = arith.constant 0 : i32
        %add3A_345 = arith.addi %add3A_344, %mul3A_343 : i32
        %get3A = arith.index_cast %rem3A_260 : i32 to index
        %get3A_346 = arith.index_cast %add3A_345 : i32 to index
        %get3A_347 = tpu.vector_load %arg7[%get3A, %get3A_346] {strides = array<i32>} : memref<4x256xi32, #tpu.memory_space<vmem>>, vector<1x16xi32>,
        %get3A_348 = vector.shape_cast %get3A_347 : vector<1x16xi32> to vector<16xi32>
        %shift_left3A = arith.constant 16 : i32
        %shift_left3A_349 = vector.broadcast %shift_left3A : i32 to vector<16xi32>
        %shift_left3A_350 = arith.shli %get3A_348, %shift_left3A_349 : vector<16xi32>
        %bitcast_convert_type3A = tpu.bitcast %shift_left3A_350 : vector<16xi32> -> vector<16xf32>
        %and3A = arith.constant -65536 : i32
        %and3A_351 = vector.broadcast %and3A : i32 to vector<16xi32>
        %and3A_352 = arith.andi %get3A_348, %and3A_351 : vector<16xi32>
        %bitcast_convert_type3A_353 = tpu.bitcast %and3A_352 : vector<16xi32> -> vector<16xf32>
        %add3A_354 = arith.constant 128 : i32
        %add3A_355 = arith.addi %add3A_354, %mul3A_343 : i32
        %get3A_356 = arith.index_cast %rem3A_260 : i32 to index
        %get3A_357 = arith.index_cast %add3A_355 : i32 to index
        %get3A_358 = tpu.vector_load %arg7[%get3A_356, %get3A_357] {strides = array<i32>} : memref<4x256xi32, #tpu.memory_space<vmem>>, vector<1x16xi32>,
        %get3A_359 = vector.shape_cast %get3A_358 : vector<1x16xi32> to vector<16xi32>
        %shift_left3A_360 = arith.constant 16 : i32
        %shift_left3A_361 = vector.broadcast %shift_left3A_360 : i32 to vector<16xi32>
        %shift_left3A_362 = arith.shli %get3A_359, %shift_left3A_361 : vector<16xi32>
        %bitcast_convert_type3A_363 = tpu.bitcast %shift_left3A_362 : vector<16xi32> -> vector<16xf32>
        %and3A_364 = arith.constant -65536 : i32
        %and3A_365 = vector.broadcast %and3A_364 : i32 to vector<16xi32>
        %and3A_366 = arith.andi %get3A_359, %and3A_365 : vector<16xi32>
        %bitcast_convert_type3A_367 = tpu.bitcast %and3A_366 : vector<16xi32> -> vector<16xf32>
        %broadcast_in_dim3A = arith.constant 0.000000e+00 : f32
        %broadcast_in_dim3A_368 = vector.broadcast %broadcast_in_dim3A : f32 to vector<16xf32>
        %broadcast_in_dim3A_369 = arith.constant 0.000000e+00 : f32
        %broadcast_in_dim3A_370 = vector.broadcast %broadcast_in_dim3A_369 : f32 to vector<16xf32>
        %add3A_371 = arith.constant 0 : i32
        %add3A_372 = arith.addi %mul3A_343, %add3A_371 : i32
        %slice3A = vector.extract_strided_slice %bitcast_convert_type3A {offsets = [0], sizes = [1], strides = [1]} : vector<16xf32> to vector<1xf32>
        %squeeze3A = vector.extract %slice3A[0] : f32 from vector<1xf32>
        %get3A_373 = arith.constant 0 : i32
        %get3A_374 = arith.constant 0 : i32
        %get3A_375 = arith.index_cast %rem3A_254 : i32 to index
        %get3A_376 = arith.index_cast %get3A_373 : i32 to index
        %get3A_377 = arith.index_cast %add3A_372 : i32 to index
        %get3A_378 = arith.index_cast %get3A_374 : i32 to index
        %get3A_379 = arith.constant 0 : index
        %get3A_380 = tpu.vector_load %arg8[%get3A_375, %get3A_376, %get3A_377, %get3A_378, %get3A_379] {strides = array<i32>} : memref<3x2x128x2x16xi32, #tpu.memory_space<vmem>>, vector<1x1x1x1x16xi32>,
        %get3A_381 = vector.shape_cast %get3A_380 : vector<1x1x1x1x16xi32> to vector<16xi32>
        %shift_left3A_382 = arith.constant 16 : i32
        %shift_left3A_383 = vector.broadcast %shift_left3A_382 : i32 to vector<16xi32>
        %shift_left3A_384 = arith.shli %get3A_381, %shift_left3A_383 : vector<16xi32>
        %bitcast_convert_type3A_385 = tpu.bitcast %shift_left3A_384 : vector<16xi32> -> vector<16xf32>
        %and3A_386 = arith.constant -65536 : i32
        %and3A_387 = vector.broadcast %and3A_386 : i32 to vector<16xi32>
        %and3A_388 = arith.andi %get3A_381, %and3A_387 : vector<16xi32>
        %bitcast_convert_type3A_389 = tpu.bitcast %and3A_388 : vector<16xi32> -> vector<16xf32>
        %mul3A_390 = vector.broadcast %squeeze3A : f32 to vector<16xf32>
        %mul3A_391 = arith.mulf %mul3A_390, %bitcast_convert_type3A_385 : vector<16xf32>
        %add3A_392 = arith.addf %broadcast_in_dim3A_368, %mul3A_391 : vector<16xf32>
        %mul3A_393 = vector.broadcast %squeeze3A : f32 to vector<16xf32>
        %mul3A_394 = arith.mulf %mul3A_393, %bitcast_convert_type3A_389 : vector<16xf32>
        %add3A_395 = arith.addf %broadcast_in_dim3A_370, %mul3A_394 : vector<16xf32>
        %slice3A_396 = vector.extract_strided_slice %bitcast_convert_type3A_353 {offsets = [0], sizes = [1], strides = [1]} : vector<16xf32> to vector<1xf32>
        %squeeze3A_397 = vector.extract %slice3A_396[0] : f32 from vector<1xf32>
        %get3A_398 = arith.constant 0 : i32
        %get3A_399 = arith.constant 1 : i32
        %get3A_400 = arith.index_cast %rem3A_254 : i32 to index
        %get3A_401 = arith.index_cast %get3A_398 : i32 to index
        %get3A_402 = arith.index_cast %add3A_372 : i32 to index
        %get3A_403 = arith.index_cast %get3A_399 : i32 to index
        %get3A_404 = arith.constant 0 : index
        %get3A_405 = tpu.vector_load %arg8[%get3A_400, %get3A_401, %get3A_402, %get3A_403, %get3A_404] {strides = array<i32>} : memref<3x2x128x2x16xi32, #tpu.memory_space<vmem>>, vector<1x1x1x1x16xi32>,
        %get3A_406 = vector.shape_cast %get3A_405 : vector<1x1x1x1x16xi32> to vector<16xi32>
        %shift_left3A_407 = arith.constant 16 : i32
        %shift_left3A_408 = vector.broadcast %shift_left3A_407 : i32 to vector<16xi32>
        %shift_left3A_409 = arith.shli %get3A_406, %shift_left3A_408 : vector<16xi32>
        %bitcast_convert_type3A_410 = tpu.bitcast %shift_left3A_409 : vector<16xi32> -> vector<16xf32>
        %and3A_411 = arith.constant -65536 : i32
        %and3A_412 = vector.broadcast %and3A_411 : i32 to vector<16xi32>
        %and3A_413 = arith.andi %get3A_406, %and3A_412 : vector<16xi32>
        %bitcast_convert_type3A_414 = tpu.bitcast %and3A_413 : vector<16xi32> -> vector<16xf32>
        %mul3A_415 = vector.broadcast %squeeze3A_397 : f32 to vector<16xf32>
        %mul3A_416 = arith.mulf %mul3A_415, %bitcast_convert_type3A_410 : vector<16xf32>
        %add3A_417 = arith.addf %add3A_392, %mul3A_416 : vector<16xf32>
        %mul3A_418 = vector.broadcast %squeeze3A_397 : f32 to vector<16xf32>
        %mul3A_419 = arith.mulf %mul3A_418, %bitcast_convert_type3A_414 : vector<16xf32>
        %add3A_420 = arith.addf %add3A_395, %mul3A_419 : vector<16xf32>
        %slice3A_421 = vector.extract_strided_slice %bitcast_convert_type3A_363 {offsets = [0], sizes = [1], strides = [1]} : vector<16xf32> to vector<1xf32>
        %squeeze3A_422 = vector.extract %slice3A_421[0] : f32 from vector<1xf32>
        %get3A_423 = arith.constant 1 : i32
        %get3A_424 = arith.constant 0 : i32
        %get3A_425 = arith.index_cast %rem3A_254 : i32 to index
        %get3A_426 = arith.index_cast %get3A_423 : i32 to index
        %get3A_427 = arith.index_cast %add3A_372 : i32 to index
        %get3A_428 = arith.index_cast %get3A_424 : i32 to index
        %get3A_429 = arith.constant 0 : index
        %get3A_430 = tpu.vector_load %arg8[%get3A_425, %get3A_426, %get3A_427, %get3A_428, %get3A_429] {strides = array<i32>} : memref<3x2x128x2x16xi32, #tpu.memory_space<vmem>>, vector<1x1x1x1x16xi32>,
        %get3A_431 = vector.shape_cast %get3A_430 : vector<1x1x1x1x16xi32> to vector<16xi32>
        %shift_left3A_432 = arith.constant 16 : i32
        %shift_left3A_433 = vector.broadcast %shift_left3A_432 : i32 to vector<16xi32>
        %shift_left3A_434 = arith.shli %get3A_431, %shift_left3A_433 : vector<16xi32>
        %bitcast_convert_type3A_435 = tpu.bitcast %shift_left3A_434 : vector<16xi32> -> vector<16xf32>
        %and3A_436 = arith.constant -65536 : i32
        %and3A_437 = vector.broadcast %and3A_436 : i32 to vector<16xi32>
        %and3A_438 = arith.andi %get3A_431, %and3A_437 : vector<16xi32>
        %bitcast_convert_type3A_439 = tpu.bitcast %and3A_438 : vector<16xi32> -> vector<16xf32>
        %mul3A_440 = vector.broadcast %squeeze3A_422 : f32 to vector<16xf32>
        %mul3A_441 = arith.mulf %mul3A_440, %bitcast_convert_type3A_435 : vector<16xf32>
        %add3A_442 = arith.addf %add3A_417, %mul3A_441 : vector<16xf32>
        %mul3A_443 = vector.broadcast %squeeze3A_422 : f32 to vector<16xf32>
        %mul3A_444 = arith.mulf %mul3A_443, %bitcast_convert_type3A_439 : vector<16xf32>
        %add3A_445 = arith.addf %add3A_420, %mul3A_444 : vector<16xf32>
        %slice3A_446 = vector.extract_strided_slice %bitcast_convert_type3A_367 {offsets = [0], sizes = [1], strides = [1]} : vector<16xf32> to vector<1xf32>
        %squeeze3A_447 = vector.extract %slice3A_446[0] : f32 from vector<1xf32>
        %get3A_448 = arith.constant 1 : i32
        %get3A_449 = arith.constant 1 : i32
        %get3A_450 = arith.index_cast %rem3A_254 : i32 to index
        %get3A_451 = arith.index_cast %get3A_448 : i32 to index
        %get3A_452 = arith.index_cast %add3A_372 : i32 to index
        %get3A_453 = arith.index_cast %get3A_449 : i32 to index
        %get3A_454 = arith.constant 0 : index
        %get3A_455 = tpu.vector_load %arg8[%get3A_450, %get3A_451, %get3A_452, %get3A_453, %get3A_454] {strides = array<i32>} : memref<3x2x128x2x16xi32, #tpu.memory_space<vmem>>, vector<1x1x1x1x16xi32>,
        %get3A_456 = vector.shape_cast %get3A_455 : vector<1x1x1x1x16xi32> to vector<16xi32>
        %shift_left3A_457 = arith.constant 16 : i32
        %shift_left3A_458 = vector.broadcast %shift_left3A_457 : i32 to vector<16xi32>
        %shift_left3A_459 = arith.shli %get3A_456, %shift_left3A_458 : vector<16xi32>
        %bitcast_convert_type3A_460 = tpu.bitcast %shift_left3A_459 : vector<16xi32> -> vector<16xf32>
        %and3A_461 = arith.constant -65536 : i32
        %and3A_462 = vector.broadcast %and3A_461 : i32 to vector<16xi32>
        %and3A_463 = arith.andi %get3A_456, %and3A_462 : vector<16xi32>
        %bitcast_convert_type3A_464 = tpu.bitcast %and3A_463 : vector<16xi32> -> vector<16xf32>
        %mul3A_465 = vector.broadcast %squeeze3A_447 : f32 to vector<16xf32>
        %mul3A_466 = arith.mulf %mul3A_465, %bitcast_convert_type3A_460 : vector<16xf32>
        %add3A_467 = arith.addf %add3A_442, %mul3A_466 : vector<16xf32>
        %mul3A_468 = vector.broadcast %squeeze3A_447 : f32 to vector<16xf32>
        %mul3A_469 = arith.mulf %mul3A_468, %bitcast_convert_type3A_464 : vector<16xf32>
        %add3A_470 = arith.addf %add3A_445, %mul3A_469 : vector<16xf32>
        %add3A_471 = arith.constant 1 : i32
        %add3A_472 = arith.addi %mul3A_343, %add3A_471 : i32
        %slice3A_473 = vector.extract_strided_slice %bitcast_convert_type3A {offsets = [1], sizes = [1], strides = [1]} : vector<16xf32> to vector<1xf32>
        %squeeze3A_474 = vector.extract %slice3A_473[0] : f32 from vector<1xf32>
        %get3A_475 = arith.constant 0 : i32
        %get3A_476 = arith.constant 0 : i32
        %get3A_477 = arith.index_cast %rem3A_254 : i32 to index
        %get3A_478 = arith.index_cast %get3A_475 : i32 to index
        %get3A_479 = arith.index_cast %add3A_472 : i32 to index
        %get3A_480 = arith.index_cast %get3A_476 : i32 to index
        %get3A_481 = arith.constant 0 : index
        %get3A_482 = tpu.vector_load %arg8[%get3A_477, %get3A_478, %get3A_479, %get3A_480, %get3A_481] {strides = array<i32>} : memref<3x2x128x2x16xi32, #tpu.memory_space<vmem>>, vector<1x1x1x1x16xi32>,
        %get3A_483 = vector.shape_cast %get3A_482 : vector<1x1x1x1x16xi32> to vector<16xi32>
        %shift_left3A_484 = arith.constant 16 : i32
        %shift_left3A_485 = vector.broadcast %shift_left3A_484 : i32 to vector<16xi32>
        %shift_left3A_486 = arith.shli %get3A_483, %shift_left3A_485 : vector<16xi32>
        %bitcast_convert_type3A_487 = tpu.bitcast %shift_left3A_486 : vector<16xi32> -> vector<16xf32>
        %and3A_488 = arith.constant -65536 : i32
        %and3A_489 = vector.broadcast %and3A_488 : i32 to vector<16xi32>
        %and3A_490 = arith.andi %get3A_483, %and3A_489 : vector<16xi32>
        %bitcast_convert_type3A_491 = tpu.bitcast %and3A_490 : vector<16xi32> -> vector<16xf32>
        %mul3A_492 = vector.broadcast %squeeze3A_474 : f32 to vector<16xf32>
        %mul3A_493 = arith.mulf %mul3A_492, %bitcast_convert_type3A_487 : vector<16xf32>
        %add3A_494 = arith.addf %add3A_467, %mul3A_493 : vector<16xf32>
        %mul3A_495 = vector.broadcast %squeeze3A_474 : f32 to vector<16xf32>
        %mul3A_496 = arith.mulf %mul3A_495, %bitcast_convert_type3A_491 : vector<16xf32>
        %add3A_497 = arith.addf %add3A_470, %mul3A_496 : vector<16xf32>
        %slice3A_498 = vector.extract_strided_slice %bitcast_convert_type3A_353 {offsets = [1], sizes = [1], strides = [1]} : vector<16xf32> to vector<1xf32>
        %squeeze3A_499 = vector.extract %slice3A_498[0] : f32 from vector<1xf32>
        %get3A_500 = arith.constant 0 : i32
        %get3A_501 = arith.constant 1 : i32
        %get3A_502 = arith.index_cast %rem3A_254 : i32 to index
        %get3A_503 = arith.index_cast %get3A_500 : i32 to index
        %get3A_504 = arith.index_cast %add3A_472 : i32 to index
        %get3A_505 = arith.index_cast %get3A_501 : i32 to index
        %get3A_506 = arith.constant 0 : index
        %get3A_507 = tpu.vector_load %arg8[%get3A_502, %get3A_503, %get3A_504, %get3A_505, %get3A_506] {strides = array<i32>} : memref<3x2x128x2x16xi32, #tpu.memory_space<vmem>>, vector<1x1x1x1x16xi32>,
        %get3A_508 = vector.shape_cast %get3A_507 : vector<1x1x1x1x16xi32> to vector<16xi32>
        %shift_left3A_509 = arith.constant 16 : i32
        %shift_left3A_510 = vector.broadcast %shift_left3A_509 : i32 to vector<16xi32>
        %shift_left3A_511 = arith.shli %get3A_508, %shift_left3A_510 : vector<16xi32>
        %bitcast_convert_type3A_512 = tpu.bitcast %shift_left3A_511 : vector<16xi32> -> vector<16xf32>
        %and3A_513 = arith.constant -65536 : i32
        %and3A_514 = vector.broadcast %and3A_513 : i32 to vector<16xi32>
        %and3A_515 = arith.andi %get3A_508, %and3A_514 : vector<16xi32>
        %bitcast_convert_type3A_516 = tpu.bitcast %and3A_515 : vector<16xi32> -> vector<16xf32>
        %mul3A_517 = vector.broadcast %squeeze3A_499 : f32 to vector<16xf32>
        %mul3A_518 = arith.mulf %mul3A_517, %bitcast_convert_type3A_512 : vector<16xf32>
        %add3A_519 = arith.addf %add3A_494, %mul3A_518 : vector<16xf32>
        %mul3A_520 = vector.broadcast %squeeze3A_499 : f32 to vector<16xf32>
        %mul3A_521 = arith.mulf %mul3A_520, %bitcast_convert_type3A_516 : vector<16xf32>
        %add3A_522 = arith.addf %add3A_497, %mul3A_521 : vector<16xf32>
        %slice3A_523 = vector.extract_strided_slice %bitcast_convert_type3A_363 {offsets = [1], sizes = [1], strides = [1]} : vector<16xf32> to vector<1xf32>
        %squeeze3A_524 = vector.extract %slice3A_523[0] : f32 from vector<1xf32>
        %get3A_525 = arith.constant 1 : i32
        %get3A_526 = arith.constant 0 : i32
        %get3A_527 = arith.index_cast %rem3A_254 : i32 to index
        %get3A_528 = arith.index_cast %get3A_525 : i32 to index
        %get3A_529 = arith.index_cast %add3A_472 : i32 to index
        %get3A_530 = arith.index_cast %get3A_526 : i32 to index
        %get3A_531 = arith.constant 0 : index
        %get3A_532 = tpu.vector_load %arg8[%get3A_527, %get3A_528, %get3A_529, %get3A_530, %get3A_531] {strides = array<i32>} : memref<3x2x128x2x16xi32, #tpu.memory_space<vmem>>, vector<1x1x1x1x16xi32>,
        %get3A_533 = vector.shape_cast %get3A_532 : vector<1x1x1x1x16xi32> to vector<16xi32>
        %shift_left3A_534 = arith.constant 16 : i32
        %shift_left3A_535 = vector.broadcast %shift_left3A_534 : i32 to vector<16xi32>
        %shift_left3A_536 = arith.shli %get3A_533, %shift_left3A_535 : vector<16xi32>
        %bitcast_convert_type3A_537 = tpu.bitcast %shift_left3A_536 : vector<16xi32> -> vector<16xf32>
        %and3A_538 = arith.constant -65536 : i32
        %and3A_539 = vector.broadcast %and3A_538 : i32 to vector<16xi32>
        %and3A_540 = arith.andi %get3A_533, %and3A_539 : vector<16xi32>
        %bitcast_convert_type3A_541 = tpu.bitcast %and3A_540 : vector<16xi32> -> vector<16xf32>
        %mul3A_542 = vector.broadcast %squeeze3A_524 : f32 to vector<16xf32>
        %mul3A_543 = arith.mulf %mul3A_542, %bitcast_convert_type3A_537 : vector<16xf32>
        %add3A_544 = arith.addf %add3A_519, %mul3A_543 : vector<16xf32>
        %mul3A_545 = vector.broadcast %squeeze3A_524 : f32 to vector<16xf32>
        %mul3A_546 = arith.mulf %mul3A_545, %bitcast_convert_type3A_541 : vector<16xf32>
        %add3A_547 = arith.addf %add3A_522, %mul3A_546 : vector<16xf32>
        %slice3A_548 = vector.extract_strided_slice %bitcast_convert_type3A_367 {offsets = [1], sizes = [1], strides = [1]} : vector<16xf32> to vector<1xf32>
        %squeeze3A_549 = vector.extract %slice3A_548[0] : f32 from vector<1xf32>
        %get3A_550 = arith.constant 1 : i32
        %get3A_551 = arith.constant 1 : i32
        %get3A_552 = arith.index_cast %rem3A_254 : i32 to index
        %get3A_553 = arith.index_cast %get3A_550 : i32 to index
        %get3A_554 = arith.index_cast %add3A_472 : i32 to index
        %get3A_555 = arith.index_cast %get3A_551 : i32 to index
        %get3A_556 = arith.constant 0 : index
        %get3A_557 = tpu.vector_load %arg8[%get3A_552, %get3A_553, %get3A_554, %get3A_555, %get3A_556] {strides = array<i32>} : memref<3x2x128x2x16xi32, #tpu.memory_space<vmem>>, vector<1x1x1x1x16xi32>,
        %get3A_558 = vector.shape_cast %get3A_557 : vector<1x1x1x1x16xi32> to vector<16xi32>
        %shift_left3A_559 = arith.constant 16 : i32
        %shift_left3A_560 = vector.broadcast %shift_left3A_559 : i32 to vector<16xi32>
        %shift_left3A_561 = arith.shli %get3A_558, %shift_left3A_560 : vector<16xi32>
        %bitcast_convert_type3A_562 = tpu.bitcast %shift_left3A_561 : vector<16xi32> -> vector<16xf32>
        %and3A_563 = arith.constant -65536 : i32
        %and3A_564 = vector.broadcast %and3A_563 : i32 to vector<16xi32>
        %and3A_565 = arith.andi %get3A_558, %and3A_564 : vector<16xi32>
        %bitcast_convert_type3A_566 = tpu.bitcast %and3A_565 : vector<16xi32> -> vector<16xf32>
        %mul3A_567 = vector.broadcast %squeeze3A_549 : f32 to vector<16xf32>
        %mul3A_568 = arith.mulf %mul3A_567, %bitcast_convert_type3A_562 : vector<16xf32>
        %add3A_569 = arith.addf %add3A_544, %mul3A_568 : vector<16xf32>
        %mul3A_570 = vector.broadcast %squeeze3A_549 : f32 to vector<16xf32>
        %mul3A_571 = arith.mulf %mul3A_570, %bitcast_convert_type3A_566 : vector<16xf32>
        %add3A_572 = arith.addf %add3A_547, %mul3A_571 : vector<16xf32>
        %add3A_573 = arith.constant 2 : i32
        %add3A_574 = arith.addi %mul3A_343, %add3A_573 : i32
        %slice3A_575 = vector.extract_strided_slice %bitcast_convert_type3A {offsets = [2], sizes = [1], strides = [1]} : vector<16xf32> to vector<1xf32>
        %squeeze3A_576 = vector.extract %slice3A_575[0] : f32 from vector<1xf32>
        %get3A_577 = arith.constant 0 : i32
        %get3A_578 = arith.constant 0 : i32
        %get3A_579 = arith.index_cast %rem3A_254 : i32 to index
        %get3A_580 = arith.index_cast %get3A_577 : i32 to index
        %get3A_581 = arith.index_cast %add3A_574 : i32 to index
        %get3A_582 = arith.index_cast %get3A_578 : i32 to index
        %get3A_583 = arith.constant 0 : index
        %get3A_584 = tpu.vector_load %arg8[%get3A_579, %get3A_580, %get3A_581, %get3A_582, %get3A_583] {strides = array<i32>} : memref<3x2x128x2x16xi32, #tpu.memory_space<vmem>>, vector<1x1x1x1x16xi32>,
        %get3A_585 = vector.shape_cast %get3A_584 : vector<1x1x1x1x16xi32> to vector<16xi32>
        %shift_left3A_586 = arith.constant 16 : i32
        %shift_left3A_587 = vector.broadcast %shift_left3A_586 : i32 to vector<16xi32>
        %shift_left3A_588 = arith.shli %get3A_585, %shift_left3A_587 : vector<16xi32>
        %bitcast_convert_type3A_589 = tpu.bitcast %shift_left3A_588 : vector<16xi32> -> vector<16xf32>
        %and3A_590 = arith.constant -65536 : i32
        %and3A_591 = vector.broadcast %and3A_590 : i32 to vector<16xi32>
        %and3A_592 = arith.andi %get3A_585, %and3A_591 : vector<16xi32>
        %bitcast_convert_type3A_593 = tpu.bitcast %and3A_592 : vector<16xi32> -> vector<16xf32>
        %mul3A_594 = vector.broadcast %squeeze3A_576 : f32 to vector<16xf32>
        %mul3A_595 = arith.mulf %mul3A_594, %bitcast_convert_type3A_589 : vector<16xf32>
        %add3A_596 = arith.addf %add3A_569, %mul3A_595 : vector<16xf32>
        %mul3A_597 = vector.broadcast %squeeze3A_576 : f32 to vector<16xf32>
        %mul3A_598 = arith.mulf %mul3A_597, %bitcast_convert_type3A_593 : vector<16xf32>
        %add3A_599 = arith.addf %add3A_572, %mul3A_598 : vector<16xf32>
        %slice3A_600 = vector.extract_strided_slice %bitcast_convert_type3A_353 {offsets = [2], sizes = [1], strides = [1]} : vector<16xf32> to vector<1xf32>
        %squeeze3A_601 = vector.extract %slice3A_600[0] : f32 from vector<1xf32>
        %get3A_602 = arith.constant 0 : i32
        %get3A_603 = arith.constant 1 : i32
        %get3A_604 = arith.index_cast %rem3A_254 : i32 to index
        %get3A_605 = arith.index_cast %get3A_602 : i32 to index
        %get3A_606 = arith.index_cast %add3A_574 : i32 to index
        %get3A_607 = arith.index_cast %get3A_603 : i32 to index
        %get3A_608 = arith.constant 0 : index
        %get3A_609 = tpu.vector_load %arg8[%get3A_604, %get3A_605, %get3A_606, %get3A_607, %get3A_608] {strides = array<i32>} : memref<3x2x128x2x16xi32, #tpu.memory_space<vmem>>, vector<1x1x1x1x16xi32>,
        %get3A_610 = vector.shape_cast %get3A_609 : vector<1x1x1x1x16xi32> to vector<16xi32>
        %shift_left3A_611 = arith.constant 16 : i32
        %shift_left3A_612 = vector.broadcast %shift_left3A_611 : i32 to vector<16xi32>
        %shift_left3A_613 = arith.shli %get3A_610, %shift_left3A_612 : vector<16xi32>
        %bitcast_convert_type3A_614 = tpu.bitcast %shift_left3A_613 : vector<16xi32> -> vector<16xf32>
        %and3A_615 = arith.constant -65536 : i32
        %and3A_616 = vector.broadcast %and3A_615 : i32 to vector<16xi32>
        %and3A_617 = arith.andi %get3A_610, %and3A_616 : vector<16xi32>
        %bitcast_convert_type3A_618 = tpu.bitcast %and3A_617 : vector<16xi32> -> vector<16xf32>
        %mul3A_619 = vector.broadcast %squeeze3A_601 : f32 to vector<16xf32>
        %mul3A_620 = arith.mulf %mul3A_619, %bitcast_convert_type3A_614 : vector<16xf32>
        %add3A_621 = arith.addf %add3A_596, %mul3A_620 : vector<16xf32>
        %mul3A_622 = vector.broadcast %squeeze3A_601 : f32 to vector<16xf32>
        %mul3A_623 = arith.mulf %mul3A_622, %bitcast_convert_type3A_618 : vector<16xf32>
        %add3A_624 = arith.addf %add3A_599, %mul3A_623 : vector<16xf32>
        %slice3A_625 = vector.extract_strided_slice %bitcast_convert_type3A_363 {offsets = [2], sizes = [1], strides = [1]} : vector<16xf32> to vector<1xf32>
        %squeeze3A_626 = vector.extract %slice3A_625[0] : f32 from vector<1xf32>
        %get3A_627 = arith.constant 1 : i32
        %get3A_628 = arith.constant 0 : i32
        %get3A_629 = arith.index_cast %rem3A_254 : i32 to index
        %get3A_630 = arith.index_cast %get3A_627 : i32 to index
        %get3A_631 = arith.index_cast %add3A_574 : i32 to index
        %get3A_632 = arith.index_cast %get3A_628 : i32 to index
        %get3A_633 = arith.constant 0 : index
        %get3A_634 = tpu.vector_load %arg8[%get3A_629, %get3A_630, %get3A_631, %get3A_632, %get3A_633] {strides = array<i32>} : memref<3x2x128x2x16xi32, #tpu.memory_space<vmem>>, vector<1x1x1x1x16xi32>,
        %get3A_635 = vector.shape_cast %get3A_634 : vector<1x1x1x1x16xi32> to vector<16xi32>
        %shift_left3A_636 = arith.constant 16 : i32
        %shift_left3A_637 = vector.broadcast %shift_left3A_636 : i32 to vector<16xi32>
        %shift_left3A_638 = arith.shli %get3A_635, %shift_left3A_637 : vector<16xi32>
        %bitcast_convert_type3A_639 = tpu.bitcast %shift_left3A_638 : vector<16xi32> -> vector<16xf32>
        %and3A_640 = arith.constant -65536 : i32
        %and3A_641 = vector.broadcast %and3A_640 : i32 to vector<16xi32>
        %and3A_642 = arith.andi %get3A_635, %and3A_641 : vector<16xi32>
        %bitcast_convert_type3A_643 = tpu.bitcast %and3A_642 : vector<16xi32> -> vector<16xf32>
        %mul3A_644 = vector.broadcast %squeeze3A_626 : f32 to vector<16xf32>
        %mul3A_645 = arith.mulf %mul3A_644, %bitcast_convert_type3A_639 : vector<16xf32>
        %add3A_646 = arith.addf %add3A_621, %mul3A_645 : vector<16xf32>
        %mul3A_647 = vector.broadcast %squeeze3A_626 : f32 to vector<16xf32>
        %mul3A_648 = arith.mulf %mul3A_647, %bitcast_convert_type3A_643 : vector<16xf32>
        %add3A_649 = arith.addf %add3A_624, %mul3A_648 : vector<16xf32>
        %slice3A_650 = vector.extract_strided_slice %bitcast_convert_type3A_367 {offsets = [2], sizes = [1], strides = [1]} : vector<16xf32> to vector<1xf32>
        %squeeze3A_651 = vector.extract %slice3A_650[0] : f32 from vector<1xf32>
        %get3A_652 = arith.constant 1 : i32
        %get3A_653 = arith.constant 1 : i32
        %get3A_654 = arith.index_cast %rem3A_254 : i32 to index
        %get3A_655 = arith.index_cast %get3A_652 : i32 to index
        %get3A_656 = arith.index_cast %add3A_574 : i32 to index
        %get3A_657 = arith.index_cast %get3A_653 : i32 to index
        %get3A_658 = arith.constant 0 : index
        %get3A_659 = tpu.vector_load %arg8[%get3A_654, %get3A_655, %get3A_656, %get3A_657, %get3A_658] {strides = array<i32>} : memref<3x2x128x2x16xi32, #tpu.memory_space<vmem>>, vector<1x1x1x1x16xi32>,
        %get3A_660 = vector.shape_cast %get3A_659 : vector<1x1x1x1x16xi32> to vector<16xi32>
        %shift_left3A_661 = arith.constant 16 : i32
        %shift_left3A_662 = vector.broadcast %shift_left3A_661 : i32 to vector<16xi32>
        %shift_left3A_663 = arith.shli %get3A_660, %shift_left3A_662 : vector<16xi32>
        %bitcast_convert_type3A_664 = tpu.bitcast %shift_left3A_663 : vector<16xi32> -> vector<16xf32>
        %and3A_665 = arith.constant -65536 : i32
        %and3A_666 = vector.broadcast %and3A_665 : i32 to vector<16xi32>
        %and3A_667 = arith.andi %get3A_660, %and3A_666 : vector<16xi32>
        %bitcast_convert_type3A_668 = tpu.bitcast %and3A_667 : vector<16xi32> -> vector<16xf32>
        %mul3A_669 = vector.broadcast %squeeze3A_651 : f32 to vector<16xf32>
        %mul3A_670 = arith.mulf %mul3A_669, %bitcast_convert_type3A_664 : vector<16xf32>
        %add3A_671 = arith.addf %add3A_646, %mul3A_670 : vector<16xf32>
        %mul3A_672 = vector.broadcast %squeeze3A_651 : f32 to vector<16xf32>
        %mul3A_673 = arith.mulf %mul3A_672, %bitcast_convert_type3A_668 : vector<16xf32>
        %add3A_674 = arith.addf %add3A_649, %mul3A_673 : vector<16xf32>
        %add3A_675 = arith.constant 3 : i32
        %add3A_676 = arith.addi %mul3A_343, %add3A_675 : i32
        %slice3A_677 = vector.extract_strided_slice %bitcast_convert_type3A {offsets = [3], sizes = [1], strides = [1]} : vector<16xf32> to vector<1xf32>
        %squeeze3A_678 = vector.extract %slice3A_677[0] : f32 from vector<1xf32>
        %get3A_679 = arith.constant 0 : i32
        %get3A_680 = arith.constant 0 : i32
        %get3A_681 = arith.index_cast %rem3A_254 : i32 to index
        %get3A_682 = arith.index_cast %get3A_679 : i32 to index
        %get3A_683 = arith.index_cast %add3A_676 : i32 to index
        %get3A_684 = arith.index_cast %get3A_680 : i32 to index
        %get3A_685 = arith.constant 0 : index
        %get3A_686 = tpu.vector_load %arg8[%get3A_681, %get3A_682, %get3A_683, %get3A_684, %get3A_685] {strides = array<i32>} : memref<3x2x128x2x16xi32, #tpu.memory_space<vmem>>, vector<1x1x1x1x16xi32>,
        %get3A_687 = vector.shape_cast %get3A_686 : vector<1x1x1x1x16xi32> to vector<16xi32>
        %shift_left3A_688 = arith.constant 16 : i32
        %shift_left3A_689 = vector.broadcast %shift_left3A_688 : i32 to vector<16xi32>
        %shift_left3A_690 = arith.shli %get3A_687, %shift_left3A_689 : vector<16xi32>
        %bitcast_convert_type3A_691 = tpu.bitcast %shift_left3A_690 : vector<16xi32> -> vector<16xf32>
        %and3A_692 = arith.constant -65536 : i32
        %and3A_693 = vector.broadcast %and3A_692 : i32 to vector<16xi32>
        %and3A_694 = arith.andi %get3A_687, %and3A_693 : vector<16xi32>
        %bitcast_convert_type3A_695 = tpu.bitcast %and3A_694 : vector<16xi32> -> vector<16xf32>
        %mul3A_696 = vector.broadcast %squeeze3A_678 : f32 to vector<16xf32>
        %mul3A_697 = arith.mulf %mul3A_696, %bitcast_convert_type3A_691 : vector<16xf32>
        %add3A_698 = arith.addf %add3A_671, %mul3A_697 : vector<16xf32>
        %mul3A_699 = vector.broadcast %squeeze3A_678 : f32 to vector<16xf32>
        %mul3A_700 = arith.mulf %mul3A_699, %bitcast_convert_type3A_695 : vector<16xf32>
        %add3A_701 = arith.addf %add3A_674, %mul3A_700 : vector<16xf32>
        %slice3A_702 = vector.extract_strided_slice %bitcast_convert_type3A_353 {offsets = [3], sizes = [1], strides = [1]} : vector<16xf32> to vector<1xf32>
        %squeeze3A_703 = vector.extract %slice3A_702[0] : f32 from vector<1xf32>
        %get3A_704 = arith.constant 0 : i32
        %get3A_705 = arith.constant 1 : i32
        %get3A_706 = arith.index_cast %rem3A_254 : i32 to index
        %get3A_707 = arith.index_cast %get3A_704 : i32 to index
        %get3A_708 = arith.index_cast %add3A_676 : i32 to index
        %get3A_709 = arith.index_cast %get3A_705 : i32 to index
        %get3A_710 = arith.constant 0 : index
        %get3A_711 = tpu.vector_load %arg8[%get3A_706, %get3A_707, %get3A_708, %get3A_709, %get3A_710] {strides = array<i32>} : memref<3x2x128x2x16xi32, #tpu.memory_space<vmem>>, vector<1x1x1x1x16xi32>,
        %get3A_712 = vector.shape_cast %get3A_711 : vector<1x1x1x1x16xi32> to vector<16xi32>
        %shift_left3A_713 = arith.constant 16 : i32
        %shift_left3A_714 = vector.broadcast %shift_left3A_713 : i32 to vector<16xi32>
        %shift_left3A_715 = arith.shli %get3A_712, %shift_left3A_714 : vector<16xi32>
        %bitcast_convert_type3A_716 = tpu.bitcast %shift_left3A_715 : vector<16xi32> -> vector<16xf32>
        %and3A_717 = arith.constant -65536 : i32
        %and3A_718 = vector.broadcast %and3A_717 : i32 to vector<16xi32>
        %and3A_719 = arith.andi %get3A_712, %and3A_718 : vector<16xi32>
        %bitcast_convert_type3A_720 = tpu.bitcast %and3A_719 : vector<16xi32> -> vector<16xf32>
        %mul3A_721 = vector.broadcast %squeeze3A_703 : f32 to vector<16xf32>
        %mul3A_722 = arith.mulf %mul3A_721, %bitcast_convert_type3A_716 : vector<16xf32>
        %add3A_723 = arith.addf %add3A_698, %mul3A_722 : vector<16xf32>
        %mul3A_724 = vector.broadcast %squeeze3A_703 : f32 to vector<16xf32>
        %mul3A_725 = arith.mulf %mul3A_724, %bitcast_convert_type3A_720 : vector<16xf32>
        %add3A_726 = arith.addf %add3A_701, %mul3A_725 : vector<16xf32>
        %slice3A_727 = vector.extract_strided_slice %bitcast_convert_type3A_363 {offsets = [3], sizes = [1], strides = [1]} : vector<16xf32> to vector<1xf32>
        %squeeze3A_728 = vector.extract %slice3A_727[0] : f32 from vector<1xf32>
        %get3A_729 = arith.constant 1 : i32
        %get3A_730 = arith.constant 0 : i32
        %get3A_731 = arith.index_cast %rem3A_254 : i32 to index
        %get3A_732 = arith.index_cast %get3A_729 : i32 to index
        %get3A_733 = arith.index_cast %add3A_676 : i32 to index
        %get3A_734 = arith.index_cast %get3A_730 : i32 to index
        %get3A_735 = arith.constant 0 : index
        %get3A_736 = tpu.vector_load %arg8[%get3A_731, %get3A_732, %get3A_733, %get3A_734, %get3A_735] {strides = array<i32>} : memref<3x2x128x2x16xi32, #tpu.memory_space<vmem>>, vector<1x1x1x1x16xi32>,
        %get3A_737 = vector.shape_cast %get3A_736 : vector<1x1x1x1x16xi32> to vector<16xi32>
        %shift_left3A_738 = arith.constant 16 : i32
        %shift_left3A_739 = vector.broadcast %shift_left3A_738 : i32 to vector<16xi32>
        %shift_left3A_740 = arith.shli %get3A_737, %shift_left3A_739 : vector<16xi32>
        %bitcast_convert_type3A_741 = tpu.bitcast %shift_left3A_740 : vector<16xi32> -> vector<16xf32>
        %and3A_742 = arith.constant -65536 : i32
        %and3A_743 = vector.broadcast %and3A_742 : i32 to vector<16xi32>
        %and3A_744 = arith.andi %get3A_737, %and3A_743 : vector<16xi32>
        %bitcast_convert_type3A_745 = tpu.bitcast %and3A_744 : vector<16xi32> -> vector<16xf32>
        %mul3A_746 = vector.broadcast %squeeze3A_728 : f32 to vector<16xf32>
        %mul3A_747 = arith.mulf %mul3A_746, %bitcast_convert_type3A_741 : vector<16xf32>
        %add3A_748 = arith.addf %add3A_723, %mul3A_747 : vector<16xf32>
        %mul3A_749 = vector.broadcast %squeeze3A_728 : f32 to vector<16xf32>
        %mul3A_750 = arith.mulf %mul3A_749, %bitcast_convert_type3A_745 : vector<16xf32>
        %add3A_751 = arith.addf %add3A_726, %mul3A_750 : vector<16xf32>
        %slice3A_752 = vector.extract_strided_slice %bitcast_convert_type3A_367 {offsets = [3], sizes = [1], strides = [1]} : vector<16xf32> to vector<1xf32>
        %squeeze3A_753 = vector.extract %slice3A_752[0] : f32 from vector<1xf32>
        %get3A_754 = arith.constant 1 : i32
        %get3A_755 = arith.constant 1 : i32
        %get3A_756 = arith.index_cast %rem3A_254 : i32 to index
        %get3A_757 = arith.index_cast %get3A_754 : i32 to index
        %get3A_758 = arith.index_cast %add3A_676 : i32 to index
        %get3A_759 = arith.index_cast %get3A_755 : i32 to index
        %get3A_760 = arith.constant 0 : index
        %get3A_761 = tpu.vector_load %arg8[%get3A_756, %get3A_757, %get3A_758, %get3A_759, %get3A_760] {strides = array<i32>} : memref<3x2x128x2x16xi32, #tpu.memory_space<vmem>>, vector<1x1x1x1x16xi32>,
        %get3A_762 = vector.shape_cast %get3A_761 : vector<1x1x1x1x16xi32> to vector<16xi32>
        %shift_left3A_763 = arith.constant 16 : i32
        %shift_left3A_764 = vector.broadcast %shift_left3A_763 : i32 to vector<16xi32>
        %shift_left3A_765 = arith.shli %get3A_762, %shift_left3A_764 : vector<16xi32>
        %bitcast_convert_type3A_766 = tpu.bitcast %shift_left3A_765 : vector<16xi32> -> vector<16xf32>
        %and3A_767 = arith.constant -65536 : i32
        %and3A_768 = vector.broadcast %and3A_767 : i32 to vector<16xi32>
        %and3A_769 = arith.andi %get3A_762, %and3A_768 : vector<16xi32>
        %bitcast_convert_type3A_770 = tpu.bitcast %and3A_769 : vector<16xi32> -> vector<16xf32>
        %mul3A_771 = vector.broadcast %squeeze3A_753 : f32 to vector<16xf32>
        %mul3A_772 = arith.mulf %mul3A_771, %bitcast_convert_type3A_766 : vector<16xf32>
        %add3A_773 = arith.addf %add3A_748, %mul3A_772 : vector<16xf32>
        %mul3A_774 = vector.broadcast %squeeze3A_753 : f32 to vector<16xf32>
        %mul3A_775 = arith.mulf %mul3A_774, %bitcast_convert_type3A_770 : vector<16xf32>
        %add3A_776 = arith.addf %add3A_751, %mul3A_775 : vector<16xf32>
        %add3A_777 = arith.constant 4 : i32
        %add3A_778 = arith.addi %mul3A_343, %add3A_777 : i32
        %slice3A_779 = vector.extract_strided_slice %bitcast_convert_type3A {offsets = [4], sizes = [1], strides = [1]} : vector<16xf32> to vector<1xf32>
        %squeeze3A_780 = vector.extract %slice3A_779[0] : f32 from vector<1xf32>
        %get3A_781 = arith.constant 0 : i32
        %get3A_782 = arith.constant 0 : i32
        %get3A_783 = arith.index_cast %rem3A_254 : i32 to index
        %get3A_784 = arith.index_cast %get3A_781 : i32 to index
        %get3A_785 = arith.index_cast %add3A_778 : i32 to index
        %get3A_786 = arith.index_cast %get3A_782 : i32 to index
        %get3A_787 = arith.constant 0 : index
        %get3A_788 = tpu.vector_load %arg8[%get3A_783, %get3A_784, %get3A_785, %get3A_786, %get3A_787] {strides = array<i32>} : memref<3x2x128x2x16xi32, #tpu.memory_space<vmem>>, vector<1x1x1x1x16xi32>,
        %get3A_789 = vector.shape_cast %get3A_788 : vector<1x1x1x1x16xi32> to vector<16xi32>
        %shift_left3A_790 = arith.constant 16 : i32
        %shift_left3A_791 = vector.broadcast %shift_left3A_790 : i32 to vector<16xi32>
        %shift_left3A_792 = arith.shli %get3A_789, %shift_left3A_791 : vector<16xi32>
        %bitcast_convert_type3A_793 = tpu.bitcast %shift_left3A_792 : vector<16xi32> -> vector<16xf32>
        %and3A_794 = arith.constant -65536 : i32
        %and3A_795 = vector.broadcast %and3A_794 : i32 to vector<16xi32>
        %and3A_796 = arith.andi %get3A_789, %and3A_795 : vector<16xi32>
        %bitcast_convert_type3A_797 = tpu.bitcast %and3A_796 : vector<16xi32> -> vector<16xf32>
        %mul3A_798 = vector.broadcast %squeeze3A_780 : f32 to vector<16xf32>
        %mul3A_799 = arith.mulf %mul3A_798, %bitcast_convert_type3A_793 : vector<16xf32>
        %add3A_800 = arith.addf %add3A_773, %mul3A_799 : vector<16xf32>
        %mul3A_801 = vector.broadcast %squeeze3A_780 : f32 to vector<16xf32>
        %mul3A_802 = arith.mulf %mul3A_801, %bitcast_convert_type3A_797 : vector<16xf32>
        %add3A_803 = arith.addf %add3A_776, %mul3A_802 : vector<16xf32>
        %slice3A_804 = vector.extract_strided_slice %bitcast_convert_type3A_353 {offsets = [4], sizes = [1], strides = [1]} : vector<16xf32> to vector<1xf32>
        %squeeze3A_805 = vector.extract %slice3A_804[0] : f32 from vector<1xf32>
        %get3A_806 = arith.constant 0 : i32
        %get3A_807 = arith.constant 1 : i32
        %get3A_808 = arith.index_cast %rem3A_254 : i32 to index
        %get3A_809 = arith.index_cast %get3A_806 : i32 to index
        %get3A_810 = arith.index_cast %add3A_778 : i32 to index
        %get3A_811 = arith.index_cast %get3A_807 : i32 to index
        %get3A_812 = arith.constant 0 : index
        %get3A_813 = tpu.vector_load %arg8[%get3A_808, %get3A_809, %get3A_810, %get3A_811, %get3A_812] {strides = array<i32>} : memref<3x2x128x2x16xi32, #tpu.memory_space<vmem>>, vector<1x1x1x1x16xi32>,
        %get3A_814 = vector.shape_cast %get3A_813 : vector<1x1x1x1x16xi32> to vector<16xi32>
        %shift_left3A_815 = arith.constant 16 : i32
        %shift_left3A_816 = vector.broadcast %shift_left3A_815 : i32 to vector<16xi32>
        %shift_left3A_817 = arith.shli %get3A_814, %shift_left3A_816 : vector<16xi32>
        %bitcast_convert_type3A_818 = tpu.bitcast %shift_left3A_817 : vector<16xi32> -> vector<16xf32>
        %and3A_819 = arith.constant -65536 : i32
        %and3A_820 = vector.broadcast %and3A_819 : i32 to vector<16xi32>
        %and3A_821 = arith.andi %get3A_814, %and3A_820 : vector<16xi32>
        %bitcast_convert_type3A_822 = tpu.bitcast %and3A_821 : vector<16xi32> -> vector<16xf32>
        %mul3A_823 = vector.broadcast %squeeze3A_805 : f32 to vector<16xf32>
        %mul3A_824 = arith.mulf %mul3A_823, %bitcast_convert_type3A_818 : vector<16xf32>
        %add3A_825 = arith.addf %add3A_800, %mul3A_824 : vector<16xf32>
        %mul3A_826 = vector.broadcast %squeeze3A_805 : f32 to vector<16xf32>
        %mul3A_827 = arith.mulf %mul3A_826, %bitcast_convert_type3A_822 : vector<16xf32>
        %add3A_828 = arith.addf %add3A_803, %mul3A_827 : vector<16xf32>
        %slice3A_829 = vector.extract_strided_slice %bitcast_convert_type3A_363 {offsets = [4], sizes = [1], strides = [1]} : vector<16xf32> to vector<1xf32>
        %squeeze3A_830 = vector.extract %slice3A_829[0] : f32 from vector<1xf32>
        %get3A_831 = arith.constant 1 : i32
        %get3A_832 = arith.constant 0 : i32
        %get3A_833 = arith.index_cast %rem3A_254 : i32 to index
        %get3A_834 = arith.index_cast %get3A_831 : i32 to index
        %get3A_835 = arith.index_cast %add3A_778 : i32 to index
        %get3A_836 = arith.index_cast %get3A_832 : i32 to index
        %get3A_837 = arith.constant 0 : index
        %get3A_838 = tpu.vector_load %arg8[%get3A_833, %get3A_834, %get3A_835, %get3A_836, %get3A_837] {strides = array<i32>} : memref<3x2x128x2x16xi32, #tpu.memory_space<vmem>>, vector<1x1x1x1x16xi32>,
        %get3A_839 = vector.shape_cast %get3A_838 : vector<1x1x1x1x16xi32> to vector<16xi32>
        %shift_left3A_840 = arith.constant 16 : i32
        %shift_left3A_841 = vector.broadcast %shift_left3A_840 : i32 to vector<16xi32>
        %shift_left3A_842 = arith.shli %get3A_839, %shift_left3A_841 : vector<16xi32>
        %bitcast_convert_type3A_843 = tpu.bitcast %shift_left3A_842 : vector<16xi32> -> vector<16xf32>
        %and3A_844 = arith.constant -65536 : i32
        %and3A_845 = vector.broadcast %and3A_844 : i32 to vector<16xi32>
        %and3A_846 = arith.andi %get3A_839, %and3A_845 : vector<16xi32>
        %bitcast_convert_type3A_847 = tpu.bitcast %and3A_846 : vector<16xi32> -> vector<16xf32>
        %mul3A_848 = vector.broadcast %squeeze3A_830 : f32 to vector<16xf32>
        %mul3A_849 = arith.mulf %mul3A_848, %bitcast_convert_type3A_843 : vector<16xf32>
        %add3A_850 = arith.addf %add3A_825, %mul3A_849 : vector<16xf32>
        %mul3A_851 = vector.broadcast %squeeze3A_830 : f32 to vector<16xf32>
        %mul3A_852 = arith.mulf %mul3A_851, %bitcast_convert_type3A_847 : vector<16xf32>
        %add3A_853 = arith.addf %add3A_828, %mul3A_852 : vector<16xf32>
        %slice3A_854 = vector.extract_strided_slice %bitcast_convert_type3A_367 {offsets = [4], sizes = [1], strides = [1]} : vector<16xf32> to vector<1xf32>
        %squeeze3A_855 = vector.extract %slice3A_854[0] : f32 from vector<1xf32>
        %get3A_856 = arith.constant 1 : i32
        %get3A_857 = arith.constant 1 : i32
        %get3A_858 = arith.index_cast %rem3A_254 : i32 to index
        %get3A_859 = arith.index_cast %get3A_856 : i32 to index
        %get3A_860 = arith.index_cast %add3A_778 : i32 to index
        %get3A_861 = arith.index_cast %get3A_857 : i32 to index
        %get3A_862 = arith.constant 0 : index
        %get3A_863 = tpu.vector_load %arg8[%get3A_858, %get3A_859, %get3A_860, %get3A_861, %get3A_862] {strides = array<i32>} : memref<3x2x128x2x16xi32, #tpu.memory_space<vmem>>, vector<1x1x1x1x16xi32>,
        %get3A_864 = vector.shape_cast %get3A_863 : vector<1x1x1x1x16xi32> to vector<16xi32>
        %shift_left3A_865 = arith.constant 16 : i32
        %shift_left3A_866 = vector.broadcast %shift_left3A_865 : i32 to vector<16xi32>
        %shift_left3A_867 = arith.shli %get3A_864, %shift_left3A_866 : vector<16xi32>
        %bitcast_convert_type3A_868 = tpu.bitcast %shift_left3A_867 : vector<16xi32> -> vector<16xf32>
        %and3A_869 = arith.constant -65536 : i32
        %and3A_870 = vector.broadcast %and3A_869 : i32 to vector<16xi32>
        %and3A_871 = arith.andi %get3A_864, %and3A_870 : vector<16xi32>
        %bitcast_convert_type3A_872 = tpu.bitcast %and3A_871 : vector<16xi32> -> vector<16xf32>
        %mul3A_873 = vector.broadcast %squeeze3A_855 : f32 to vector<16xf32>
        %mul3A_874 = arith.mulf %mul3A_873, %bitcast_convert_type3A_868 : vector<16xf32>
        %add3A_875 = arith.addf %add3A_850, %mul3A_874 : vector<16xf32>
        %mul3A_876 = vector.broadcast %squeeze3A_855 : f32 to vector<16xf32>
        %mul3A_877 = arith.mulf %mul3A_876, %bitcast_convert_type3A_872 : vector<16xf32>
        %add3A_878 = arith.addf %add3A_853, %mul3A_877 : vector<16xf32>
        %add3A_879 = arith.constant 5 : i32
        %add3A_880 = arith.addi %mul3A_343, %add3A_879 : i32
        %slice3A_881 = vector.extract_strided_slice %bitcast_convert_type3A {offsets = [5], sizes = [1], strides = [1]} : vector<16xf32> to vector<1xf32>
        %squeeze3A_882 = vector.extract %slice3A_881[0] : f32 from vector<1xf32>
        %get3A_883 = arith.constant 0 : i32
        %get3A_884 = arith.constant 0 : i32
        %get3A_885 = arith.index_cast %rem3A_254 : i32 to index
        %get3A_886 = arith.index_cast %get3A_883 : i32 to index
        %get3A_887 = arith.index_cast %add3A_880 : i32 to index
        %get3A_888 = arith.index_cast %get3A_884 : i32 to index
        %get3A_889 = arith.constant 0 : index
        %get3A_890 = tpu.vector_load %arg8[%get3A_885, %get3A_886, %get3A_887, %get3A_888, %get3A_889] {strides = array<i32>} : memref<3x2x128x2x16xi32, #tpu.memory_space<vmem>>, vector<1x1x1x1x16xi32>,
        %get3A_891 = vector.shape_cast %get3A_890 : vector<1x1x1x1x16xi32> to vector<16xi32>
        %shift_left3A_892 = arith.constant 16 : i32
        %shift_left3A_893 = vector.broadcast %shift_left3A_892 : i32 to vector<16xi32>
        %shift_left3A_894 = arith.shli %get3A_891, %shift_left3A_893 : vector<16xi32>
        %bitcast_convert_type3A_895 = tpu.bitcast %shift_left3A_894 : vector<16xi32> -> vector<16xf32>
        %and3A_896 = arith.constant -65536 : i32
        %and3A_897 = vector.broadcast %and3A_896 : i32 to vector<16xi32>
        %and3A_898 = arith.andi %get3A_891, %and3A_897 : vector<16xi32>
        %bitcast_convert_type3A_899 = tpu.bitcast %and3A_898 : vector<16xi32> -> vector<16xf32>
        %mul3A_900 = vector.broadcast %squeeze3A_882 : f32 to vector<16xf32>
        %mul3A_901 = arith.mulf %mul3A_900, %bitcast_convert_type3A_895 : vector<16xf32>
        %add3A_902 = arith.addf %add3A_875, %mul3A_901 : vector<16xf32>
        %mul3A_903 = vector.broadcast %squeeze3A_882 : f32 to vector<16xf32>
        %mul3A_904 = arith.mulf %mul3A_903, %bitcast_convert_type3A_899 : vector<16xf32>
        %add3A_905 = arith.addf %add3A_878, %mul3A_904 : vector<16xf32>
        %slice3A_906 = vector.extract_strided_slice %bitcast_convert_type3A_353 {offsets = [5], sizes = [1], strides = [1]} : vector<16xf32> to vector<1xf32>
        %squeeze3A_907 = vector.extract %slice3A_906[0] : f32 from vector<1xf32>
        %get3A_908 = arith.constant 0 : i32
        %get3A_909 = arith.constant 1 : i32
        %get3A_910 = arith.index_cast %rem3A_254 : i32 to index
        %get3A_911 = arith.index_cast %get3A_908 : i32 to index
        %get3A_912 = arith.index_cast %add3A_880 : i32 to index
        %get3A_913 = arith.index_cast %get3A_909 : i32 to index
        %get3A_914 = arith.constant 0 : index
        %get3A_915 = tpu.vector_load %arg8[%get3A_910, %get3A_911, %get3A_912, %get3A_913, %get3A_914] {strides = array<i32>} : memref<3x2x128x2x16xi32, #tpu.memory_space<vmem>>, vector<1x1x1x1x16xi32>,
        %get3A_916 = vector.shape_cast %get3A_915 : vector<1x1x1x1x16xi32> to vector<16xi32>
        %shift_left3A_917 = arith.constant 16 : i32
        %shift_left3A_918 = vector.broadcast %shift_left3A_917 : i32 to vector<16xi32>
        %shift_left3A_919 = arith.shli %get3A_916, %shift_left3A_918 : vector<16xi32>
        %bitcast_convert_type3A_920 = tpu.bitcast %shift_left3A_919 : vector<16xi32> -> vector<16xf32>
        %and3A_921 = arith.constant -65536 : i32
        %and3A_922 = vector.broadcast %and3A_921 : i32 to vector<16xi32>
        %and3A_923 = arith.andi %get3A_916, %and3A_922 : vector<16xi32>
        %bitcast_convert_type3A_924 = tpu.bitcast %and3A_923 : vector<16xi32> -> vector<16xf32>
        %mul3A_925 = vector.broadcast %squeeze3A_907 : f32 to vector<16xf32>
        %mul3A_926 = arith.mulf %mul3A_925, %bitcast_convert_type3A_920 : vector<16xf32>
        %add3A_927 = arith.addf %add3A_902, %mul3A_926 : vector<16xf32>
        %mul3A_928 = vector.broadcast %squeeze3A_907 : f32 to vector<16xf32>
        %mul3A_929 = arith.mulf %mul3A_928, %bitcast_convert_type3A_924 : vector<16xf32>
        %add3A_930 = arith.addf %add3A_905, %mul3A_929 : vector<16xf32>
        %slice3A_931 = vector.extract_strided_slice %bitcast_convert_type3A_363 {offsets = [5], sizes = [1], strides = [1]} : vector<16xf32> to vector<1xf32>
        %squeeze3A_932 = vector.extract %slice3A_931[0] : f32 from vector<1xf32>
        %get3A_933 = arith.constant 1 : i32
        %get3A_934 = arith.constant 0 : i32
        %get3A_935 = arith.index_cast %rem3A_254 : i32 to index
        %get3A_936 = arith.index_cast %get3A_933 : i32 to index
        %get3A_937 = arith.index_cast %add3A_880 : i32 to index
        %get3A_938 = arith.index_cast %get3A_934 : i32 to index
        %get3A_939 = arith.constant 0 : index
        %get3A_940 = tpu.vector_load %arg8[%get3A_935, %get3A_936, %get3A_937, %get3A_938, %get3A_939] {strides = array<i32>} : memref<3x2x128x2x16xi32, #tpu.memory_space<vmem>>, vector<1x1x1x1x16xi32>,
        %get3A_941 = vector.shape_cast %get3A_940 : vector<1x1x1x1x16xi32> to vector<16xi32>
        %shift_left3A_942 = arith.constant 16 : i32
        %shift_left3A_943 = vector.broadcast %shift_left3A_942 : i32 to vector<16xi32>
        %shift_left3A_944 = arith.shli %get3A_941, %shift_left3A_943 : vector<16xi32>
        %bitcast_convert_type3A_945 = tpu.bitcast %shift_left3A_944 : vector<16xi32> -> vector<16xf32>
        %and3A_946 = arith.constant -65536 : i32
        %and3A_947 = vector.broadcast %and3A_946 : i32 to vector<16xi32>
        %and3A_948 = arith.andi %get3A_941, %and3A_947 : vector<16xi32>
        %bitcast_convert_type3A_949 = tpu.bitcast %and3A_948 : vector<16xi32> -> vector<16xf32>
        %mul3A_950 = vector.broadcast %squeeze3A_932 : f32 to vector<16xf32>
        %mul3A_951 = arith.mulf %mul3A_950, %bitcast_convert_type3A_945 : vector<16xf32>
        %add3A_952 = arith.addf %add3A_927, %mul3A_951 : vector<16xf32>
        %mul3A_953 = vector.broadcast %squeeze3A_932 : f32 to vector<16xf32>
        %mul3A_954 = arith.mulf %mul3A_953, %bitcast_convert_type3A_949 : vector<16xf32>
        %add3A_955 = arith.addf %add3A_930, %mul3A_954 : vector<16xf32>
        %slice3A_956 = vector.extract_strided_slice %bitcast_convert_type3A_367 {offsets = [5], sizes = [1], strides = [1]} : vector<16xf32> to vector<1xf32>
        %squeeze3A_957 = vector.extract %slice3A_956[0] : f32 from vector<1xf32>
        %get3A_958 = arith.constant 1 : i32
        %get3A_959 = arith.constant 1 : i32
        %get3A_960 = arith.index_cast %rem3A_254 : i32 to index
        %get3A_961 = arith.index_cast %get3A_958 : i32 to index
        %get3A_962 = arith.index_cast %add3A_880 : i32 to index
        %get3A_963 = arith.index_cast %get3A_959 : i32 to index
        %get3A_964 = arith.constant 0 : index
        %get3A_965 = tpu.vector_load %arg8[%get3A_960, %get3A_961, %get3A_962, %get3A_963, %get3A_964] {strides = array<i32>} : memref<3x2x128x2x16xi32, #tpu.memory_space<vmem>>, vector<1x1x1x1x16xi32>,
        %get3A_966 = vector.shape_cast %get3A_965 : vector<1x1x1x1x16xi32> to vector<16xi32>
        %shift_left3A_967 = arith.constant 16 : i32
        %shift_left3A_968 = vector.broadcast %shift_left3A_967 : i32 to vector<16xi32>
        %shift_left3A_969 = arith.shli %get3A_966, %shift_left3A_968 : vector<16xi32>
        %bitcast_convert_type3A_970 = tpu.bitcast %shift_left3A_969 : vector<16xi32> -> vector<16xf32>
        %and3A_971 = arith.constant -65536 : i32
        %and3A_972 = vector.broadcast %and3A_971 : i32 to vector<16xi32>
        %and3A_973 = arith.andi %get3A_966, %and3A_972 : vector<16xi32>
        %bitcast_convert_type3A_974 = tpu.bitcast %and3A_973 : vector<16xi32> -> vector<16xf32>
        %mul3A_975 = vector.broadcast %squeeze3A_957 : f32 to vector<16xf32>
        %mul3A_976 = arith.mulf %mul3A_975, %bitcast_convert_type3A_970 : vector<16xf32>
        %add3A_977 = arith.addf %add3A_952, %mul3A_976 : vector<16xf32>
        %mul3A_978 = vector.broadcast %squeeze3A_957 : f32 to vector<16xf32>
        %mul3A_979 = arith.mulf %mul3A_978, %bitcast_convert_type3A_974 : vector<16xf32>
        %add3A_980 = arith.addf %add3A_955, %mul3A_979 : vector<16xf32>
        %add3A_981 = arith.constant 6 : i32
        %add3A_982 = arith.addi %mul3A_343, %add3A_981 : i32
        %slice3A_983 = vector.extract_strided_slice %bitcast_convert_type3A {offsets = [6], sizes = [1], strides = [1]} : vector<16xf32> to vector<1xf32>
        %squeeze3A_984 = vector.extract %slice3A_983[0] : f32 from vector<1xf32>
        %get3A_985 = arith.constant 0 : i32
        %get3A_986 = arith.constant 0 : i32
        %get3A_987 = arith.index_cast %rem3A_254 : i32 to index
        %get3A_988 = arith.index_cast %get3A_985 : i32 to index
        %get3A_989 = arith.index_cast %add3A_982 : i32 to index
        %get3A_990 = arith.index_cast %get3A_986 : i32 to index
        %get3A_991 = arith.constant 0 : index
        %get3A_992 = tpu.vector_load %arg8[%get3A_987, %get3A_988, %get3A_989, %get3A_990, %get3A_991] {strides = array<i32>} : memref<3x2x128x2x16xi32, #tpu.memory_space<vmem>>, vector<1x1x1x1x16xi32>,
        %get3A_993 = vector.shape_cast %get3A_992 : vector<1x1x1x1x16xi32> to vector<16xi32>
        %shift_left3A_994 = arith.constant 16 : i32
        %shift_left3A_995 = vector.broadcast %shift_left3A_994 : i32 to vector<16xi32>
        %shift_left3A_996 = arith.shli %get3A_993, %shift_left3A_995 : vector<16xi32>
        %bitcast_convert_type3A_997 = tpu.bitcast %shift_left3A_996 : vector<16xi32> -> vector<16xf32>
        %and3A_998 = arith.constant -65536 : i32
        %and3A_999 = vector.broadcast %and3A_998 : i32 to vector<16xi32>
        %and3A_1000 = arith.andi %get3A_993, %and3A_999 : vector<16xi32>
        %bitcast_convert_type3A_1001 = tpu.bitcast %and3A_1000 : vector<16xi32> -> vector<16xf32>
        %mul3A_1002 = vector.broadcast %squeeze3A_984 : f32 to vector<16xf32>
        %mul3A_1003 = arith.mulf %mul3A_1002, %bitcast_convert_type3A_997 : vector<16xf32>
        %add3A_1004 = arith.addf %add3A_977, %mul3A_1003 : vector<16xf32>
        %mul3A_1005 = vector.broadcast %squeeze3A_984 : f32 to vector<16xf32>
        %mul3A_1006 = arith.mulf %mul3A_1005, %bitcast_convert_type3A_1001 : vector<16xf32>
        %add3A_1007 = arith.addf %add3A_980, %mul3A_1006 : vector<16xf32>
        %slice3A_1008 = vector.extract_strided_slice %bitcast_convert_type3A_353 {offsets = [6], sizes = [1], strides = [1]} : vector<16xf32> to vector<1xf32>
        %squeeze3A_1009 = vector.extract %slice3A_1008[0] : f32 from vector<1xf32>
        %get3A_1010 = arith.constant 0 : i32
        %get3A_1011 = arith.constant 1 : i32
        %get3A_1012 = arith.index_cast %rem3A_254 : i32 to index
        %get3A_1013 = arith.index_cast %get3A_1010 : i32 to index
        %get3A_1014 = arith.index_cast %add3A_982 : i32 to index
        %get3A_1015 = arith.index_cast %get3A_1011 : i32 to index
        %get3A_1016 = arith.constant 0 : index
        %get3A_1017 = tpu.vector_load %arg8[%get3A_1012, %get3A_1013, %get3A_1014, %get3A_1015, %get3A_1016] {strides = array<i32>} : memref<3x2x128x2x16xi32, #tpu.memory_space<vmem>>, vector<1x1x1x1x16xi32>,
        %get3A_1018 = vector.shape_cast %get3A_1017 : vector<1x1x1x1x16xi32> to vector<16xi32>
        %shift_left3A_1019 = arith.constant 16 : i32
        %shift_left3A_1020 = vector.broadcast %shift_left3A_1019 : i32 to vector<16xi32>
        %shift_left3A_1021 = arith.shli %get3A_1018, %shift_left3A_1020 : vector<16xi32>
        %bitcast_convert_type3A_1022 = tpu.bitcast %shift_left3A_1021 : vector<16xi32> -> vector<16xf32>
        %and3A_1023 = arith.constant -65536 : i32
        %and3A_1024 = vector.broadcast %and3A_1023 : i32 to vector<16xi32>
        %and3A_1025 = arith.andi %get3A_1018, %and3A_1024 : vector<16xi32>
        %bitcast_convert_type3A_1026 = tpu.bitcast %and3A_1025 : vector<16xi32> -> vector<16xf32>
        %mul3A_1027 = vector.broadcast %squeeze3A_1009 : f32 to vector<16xf32>
        %mul3A_1028 = arith.mulf %mul3A_1027, %bitcast_convert_type3A_1022 : vector<16xf32>
        %add3A_1029 = arith.addf %add3A_1004, %mul3A_1028 : vector<16xf32>
        %mul3A_1030 = vector.broadcast %squeeze3A_1009 : f32 to vector<16xf32>
        %mul3A_1031 = arith.mulf %mul3A_1030, %bitcast_convert_type3A_1026 : vector<16xf32>
        %add3A_1032 = arith.addf %add3A_1007, %mul3A_1031 : vector<16xf32>
        %slice3A_1033 = vector.extract_strided_slice %bitcast_convert_type3A_363 {offsets = [6], sizes = [1], strides = [1]} : vector<16xf32> to vector<1xf32>
        %squeeze3A_1034 = vector.extract %slice3A_1033[0] : f32 from vector<1xf32>
        %get3A_1035 = arith.constant 1 : i32
        %get3A_1036 = arith.constant 0 : i32
        %get3A_1037 = arith.index_cast %rem3A_254 : i32 to index
        %get3A_1038 = arith.index_cast %get3A_1035 : i32 to index
        %get3A_1039 = arith.index_cast %add3A_982 : i32 to index
        %get3A_1040 = arith.index_cast %get3A_1036 : i32 to index
        %get3A_1041 = arith.constant 0 : index
        %get3A_1042 = tpu.vector_load %arg8[%get3A_1037, %get3A_1038, %get3A_1039, %get3A_1040, %get3A_1041] {strides = array<i32>} : memref<3x2x128x2x16xi32, #tpu.memory_space<vmem>>, vector<1x1x1x1x16xi32>,
        %get3A_1043 = vector.shape_cast %get3A_1042 : vector<1x1x1x1x16xi32> to vector<16xi32>
        %shift_left3A_1044 = arith.constant 16 : i32
        %shift_left3A_1045 = vector.broadcast %shift_left3A_1044 : i32 to vector<16xi32>
        %shift_left3A_1046 = arith.shli %get3A_1043, %shift_left3A_1045 : vector<16xi32>
        %bitcast_convert_type3A_1047 = tpu.bitcast %shift_left3A_1046 : vector<16xi32> -> vector<16xf32>
        %and3A_1048 = arith.constant -65536 : i32
        %and3A_1049 = vector.broadcast %and3A_1048 : i32 to vector<16xi32>
        %and3A_1050 = arith.andi %get3A_1043, %and3A_1049 : vector<16xi32>
        %bitcast_convert_type3A_1051 = tpu.bitcast %and3A_1050 : vector<16xi32> -> vector<16xf32>
        %mul3A_1052 = vector.broadcast %squeeze3A_1034 : f32 to vector<16xf32>
        %mul3A_1053 = arith.mulf %mul3A_1052, %bitcast_convert_type3A_1047 : vector<16xf32>
        %add3A_1054 = arith.addf %add3A_1029, %mul3A_1053 : vector<16xf32>
        %mul3A_1055 = vector.broadcast %squeeze3A_1034 : f32 to vector<16xf32>
        %mul3A_1056 = arith.mulf %mul3A_1055, %bitcast_convert_type3A_1051 : vector<16xf32>
        %add3A_1057 = arith.addf %add3A_1032, %mul3A_1056 : vector<16xf32>
        %slice3A_1058 = vector.extract_strided_slice %bitcast_convert_type3A_367 {offsets = [6], sizes = [1], strides = [1]} : vector<16xf32> to vector<1xf32>
        %squeeze3A_1059 = vector.extract %slice3A_1058[0] : f32 from vector<1xf32>
        %get3A_1060 = arith.constant 1 : i32
        %get3A_1061 = arith.constant 1 : i32
        %get3A_1062 = arith.index_cast %rem3A_254 : i32 to index
        %get3A_1063 = arith.index_cast %get3A_1060 : i32 to index
        %get3A_1064 = arith.index_cast %add3A_982 : i32 to index
        %get3A_1065 = arith.index_cast %get3A_1061 : i32 to index
        %get3A_1066 = arith.constant 0 : index
        %get3A_1067 = tpu.vector_load %arg8[%get3A_1062, %get3A_1063, %get3A_1064, %get3A_1065, %get3A_1066] {strides = array<i32>} : memref<3x2x128x2x16xi32, #tpu.memory_space<vmem>>, vector<1x1x1x1x16xi32>,
        %get3A_1068 = vector.shape_cast %get3A_1067 : vector<1x1x1x1x16xi32> to vector<16xi32>
        %shift_left3A_1069 = arith.constant 16 : i32
        %shift_left3A_1070 = vector.broadcast %shift_left3A_1069 : i32 to vector<16xi32>
        %shift_left3A_1071 = arith.shli %get3A_1068, %shift_left3A_1070 : vector<16xi32>
        %bitcast_convert_type3A_1072 = tpu.bitcast %shift_left3A_1071 : vector<16xi32> -> vector<16xf32>
        %and3A_1073 = arith.constant -65536 : i32
        %and3A_1074 = vector.broadcast %and3A_1073 : i32 to vector<16xi32>
        %and3A_1075 = arith.andi %get3A_1068, %and3A_1074 : vector<16xi32>
        %bitcast_convert_type3A_1076 = tpu.bitcast %and3A_1075 : vector<16xi32> -> vector<16xf32>
        %mul3A_1077 = vector.broadcast %squeeze3A_1059 : f32 to vector<16xf32>
        %mul3A_1078 = arith.mulf %mul3A_1077, %bitcast_convert_type3A_1072 : vector<16xf32>
        %add3A_1079 = arith.addf %add3A_1054, %mul3A_1078 : vector<16xf32>
        %mul3A_1080 = vector.broadcast %squeeze3A_1059 : f32 to vector<16xf32>
        %mul3A_1081 = arith.mulf %mul3A_1080, %bitcast_convert_type3A_1076 : vector<16xf32>
        %add3A_1082 = arith.addf %add3A_1057, %mul3A_1081 : vector<16xf32>
        %add3A_1083 = arith.constant 7 : i32
        %add3A_1084 = arith.addi %mul3A_343, %add3A_1083 : i32
        %slice3A_1085 = vector.extract_strided_slice %bitcast_convert_type3A {offsets = [7], sizes = [1], strides = [1]} : vector<16xf32> to vector<1xf32>
        %squeeze3A_1086 = vector.extract %slice3A_1085[0] : f32 from vector<1xf32>
        %get3A_1087 = arith.constant 0 : i32
        %get3A_1088 = arith.constant 0 : i32
        %get3A_1089 = arith.index_cast %rem3A_254 : i32 to index
        %get3A_1090 = arith.index_cast %get3A_1087 : i32 to index
        %get3A_1091 = arith.index_cast %add3A_1084 : i32 to index
        %get3A_1092 = arith.index_cast %get3A_1088 : i32 to index
        %get3A_1093 = arith.constant 0 : index
        %get3A_1094 = tpu.vector_load %arg8[%get3A_1089, %get3A_1090, %get3A_1091, %get3A_1092, %get3A_1093] {strides = array<i32>} : memref<3x2x128x2x16xi32, #tpu.memory_space<vmem>>, vector<1x1x1x1x16xi32>,
        %get3A_1095 = vector.shape_cast %get3A_1094 : vector<1x1x1x1x16xi32> to vector<16xi32>
        %shift_left3A_1096 = arith.constant 16 : i32
        %shift_left3A_1097 = vector.broadcast %shift_left3A_1096 : i32 to vector<16xi32>
        %shift_left3A_1098 = arith.shli %get3A_1095, %shift_left3A_1097 : vector<16xi32>
        %bitcast_convert_type3A_1099 = tpu.bitcast %shift_left3A_1098 : vector<16xi32> -> vector<16xf32>
        %and3A_1100 = arith.constant -65536 : i32
        %and3A_1101 = vector.broadcast %and3A_1100 : i32 to vector<16xi32>
        %and3A_1102 = arith.andi %get3A_1095, %and3A_1101 : vector<16xi32>
        %bitcast_convert_type3A_1103 = tpu.bitcast %and3A_1102 : vector<16xi32> -> vector<16xf32>
        %mul3A_1104 = vector.broadcast %squeeze3A_1086 : f32 to vector<16xf32>
        %mul3A_1105 = arith.mulf %mul3A_1104, %bitcast_convert_type3A_1099 : vector<16xf32>
        %add3A_1106 = arith.addf %add3A_1079, %mul3A_1105 : vector<16xf32>
        %mul3A_1107 = vector.broadcast %squeeze3A_1086 : f32 to vector<16xf32>
        %mul3A_1108 = arith.mulf %mul3A_1107, %bitcast_convert_type3A_1103 : vector<16xf32>
        %add3A_1109 = arith.addf %add3A_1082, %mul3A_1108 : vector<16xf32>
        %slice3A_1110 = vector.extract_strided_slice %bitcast_convert_type3A_353 {offsets = [7], sizes = [1], strides = [1]} : vector<16xf32> to vector<1xf32>
        %squeeze3A_1111 = vector.extract %slice3A_1110[0] : f32 from vector<1xf32>
        %get3A_1112 = arith.constant 0 : i32
        %get3A_1113 = arith.constant 1 : i32
        %get3A_1114 = arith.index_cast %rem3A_254 : i32 to index
        %get3A_1115 = arith.index_cast %get3A_1112 : i32 to index
        %get3A_1116 = arith.index_cast %add3A_1084 : i32 to index
        %get3A_1117 = arith.index_cast %get3A_1113 : i32 to index
        %get3A_1118 = arith.constant 0 : index
        %get3A_1119 = tpu.vector_load %arg8[%get3A_1114, %get3A_1115, %get3A_1116, %get3A_1117, %get3A_1118] {strides = array<i32>} : memref<3x2x128x2x16xi32, #tpu.memory_space<vmem>>, vector<1x1x1x1x16xi32>,
        %get3A_1120 = vector.shape_cast %get3A_1119 : vector<1x1x1x1x16xi32> to vector<16xi32>
        %shift_left3A_1121 = arith.constant 16 : i32
        %shift_left3A_1122 = vector.broadcast %shift_left3A_1121 : i32 to vector<16xi32>
        %shift_left3A_1123 = arith.shli %get3A_1120, %shift_left3A_1122 : vector<16xi32>
        %bitcast_convert_type3A_1124 = tpu.bitcast %shift_left3A_1123 : vector<16xi32> -> vector<16xf32>
        %and3A_1125 = arith.constant -65536 : i32
        %and3A_1126 = vector.broadcast %and3A_1125 : i32 to vector<16xi32>
        %and3A_1127 = arith.andi %get3A_1120, %and3A_1126 : vector<16xi32>
        %bitcast_convert_type3A_1128 = tpu.bitcast %and3A_1127 : vector<16xi32> -> vector<16xf32>
        %mul3A_1129 = vector.broadcast %squeeze3A_1111 : f32 to vector<16xf32>
        %mul3A_1130 = arith.mulf %mul3A_1129, %bitcast_convert_type3A_1124 : vector<16xf32>
        %add3A_1131 = arith.addf %add3A_1106, %mul3A_1130 : vector<16xf32>
        %mul3A_1132 = vector.broadcast %squeeze3A_1111 : f32 to vector<16xf32>
        %mul3A_1133 = arith.mulf %mul3A_1132, %bitcast_convert_type3A_1128 : vector<16xf32>
        %add3A_1134 = arith.addf %add3A_1109, %mul3A_1133 : vector<16xf32>
        %slice3A_1135 = vector.extract_strided_slice %bitcast_convert_type3A_363 {offsets = [7], sizes = [1], strides = [1]} : vector<16xf32> to vector<1xf32>
        %squeeze3A_1136 = vector.extract %slice3A_1135[0] : f32 from vector<1xf32>
        %get3A_1137 = arith.constant 1 : i32
        %get3A_1138 = arith.constant 0 : i32
        %get3A_1139 = arith.index_cast %rem3A_254 : i32 to index
        %get3A_1140 = arith.index_cast %get3A_1137 : i32 to index
        %get3A_1141 = arith.index_cast %add3A_1084 : i32 to index
        %get3A_1142 = arith.index_cast %get3A_1138 : i32 to index
        %get3A_1143 = arith.constant 0 : index
        %get3A_1144 = tpu.vector_load %arg8[%get3A_1139, %get3A_1140, %get3A_1141, %get3A_1142, %get3A_1143] {strides = array<i32>} : memref<3x2x128x2x16xi32, #tpu.memory_space<vmem>>, vector<1x1x1x1x16xi32>,
        %get3A_1145 = vector.shape_cast %get3A_1144 : vector<1x1x1x1x16xi32> to vector<16xi32>
        %shift_left3A_1146 = arith.constant 16 : i32
        %shift_left3A_1147 = vector.broadcast %shift_left3A_1146 : i32 to vector<16xi32>
        %shift_left3A_1148 = arith.shli %get3A_1145, %shift_left3A_1147 : vector<16xi32>
        %bitcast_convert_type3A_1149 = tpu.bitcast %shift_left3A_1148 : vector<16xi32> -> vector<16xf32>
        %and3A_1150 = arith.constant -65536 : i32
        %and3A_1151 = vector.broadcast %and3A_1150 : i32 to vector<16xi32>
        %and3A_1152 = arith.andi %get3A_1145, %and3A_1151 : vector<16xi32>
        %bitcast_convert_type3A_1153 = tpu.bitcast %and3A_1152 : vector<16xi32> -> vector<16xf32>
        %mul3A_1154 = vector.broadcast %squeeze3A_1136 : f32 to vector<16xf32>
        %mul3A_1155 = arith.mulf %mul3A_1154, %bitcast_convert_type3A_1149 : vector<16xf32>
        %add3A_1156 = arith.addf %add3A_1131, %mul3A_1155 : vector<16xf32>
        %mul3A_1157 = vector.broadcast %squeeze3A_1136 : f32 to vector<16xf32>
        %mul3A_1158 = arith.mulf %mul3A_1157, %bitcast_convert_type3A_1153 : vector<16xf32>
        %add3A_1159 = arith.addf %add3A_1134, %mul3A_1158 : vector<16xf32>
        %slice3A_1160 = vector.extract_strided_slice %bitcast_convert_type3A_367 {offsets = [7], sizes = [1], strides = [1]} : vector<16xf32> to vector<1xf32>
        %squeeze3A_1161 = vector.extract %slice3A_1160[0] : f32 from vector<1xf32>
        %get3A_1162 = arith.constant 1 : i32
        %get3A_1163 = arith.constant 1 : i32
        %get3A_1164 = arith.index_cast %rem3A_254 : i32 to index
        %get3A_1165 = arith.index_cast %get3A_1162 : i32 to index
        %get3A_1166 = arith.index_cast %add3A_1084 : i32 to index
        %get3A_1167 = arith.index_cast %get3A_1163 : i32 to index
        %get3A_1168 = arith.constant 0 : index
        %get3A_1169 = tpu.vector_load %arg8[%get3A_1164, %get3A_1165, %get3A_1166, %get3A_1167, %get3A_1168] {strides = array<i32>} : memref<3x2x128x2x16xi32, #tpu.memory_space<vmem>>, vector<1x1x1x1x16xi32>,
        %get3A_1170 = vector.shape_cast %get3A_1169 : vector<1x1x1x1x16xi32> to vector<16xi32>
        %shift_left3A_1171 = arith.constant 16 : i32
        %shift_left3A_1172 = vector.broadcast %shift_left3A_1171 : i32 to vector<16xi32>
        %shift_left3A_1173 = arith.shli %get3A_1170, %shift_left3A_1172 : vector<16xi32>
        %bitcast_convert_type3A_1174 = tpu.bitcast %shift_left3A_1173 : vector<16xi32> -> vector<16xf32>
        %and3A_1175 = arith.constant -65536 : i32
        %and3A_1176 = vector.broadcast %and3A_1175 : i32 to vector<16xi32>
        %and3A_1177 = arith.andi %get3A_1170, %and3A_1176 : vector<16xi32>
        %bitcast_convert_type3A_1178 = tpu.bitcast %and3A_1177 : vector<16xi32> -> vector<16xf32>
        %mul3A_1179 = vector.broadcast %squeeze3A_1161 : f32 to vector<16xf32>
        %mul3A_1180 = arith.mulf %mul3A_1179, %bitcast_convert_type3A_1174 : vector<16xf32>
        %add3A_1181 = arith.addf %add3A_1156, %mul3A_1180 : vector<16xf32>
        %mul3A_1182 = vector.broadcast %squeeze3A_1161 : f32 to vector<16xf32>
        %mul3A_1183 = arith.mulf %mul3A_1182, %bitcast_convert_type3A_1178 : vector<16xf32>
        %add3A_1184 = arith.addf %add3A_1159, %mul3A_1183 : vector<16xf32>
        %add3A_1185 = arith.constant 8 : i32
        %add3A_1186 = arith.addi %mul3A_343, %add3A_1185 : i32
        %slice3A_1187 = vector.extract_strided_slice %bitcast_convert_type3A {offsets = [8], sizes = [1], strides = [1]} : vector<16xf32> to vector<1xf32>
        %squeeze3A_1188 = vector.extract %slice3A_1187[0] : f32 from vector<1xf32>
        %get3A_1189 = arith.constant 0 : i32
        %get3A_1190 = arith.constant 0 : i32
        %get3A_1191 = arith.index_cast %rem3A_254 : i32 to index
        %get3A_1192 = arith.index_cast %get3A_1189 : i32 to index
        %get3A_1193 = arith.index_cast %add3A_1186 : i32 to index
        %get3A_1194 = arith.index_cast %get3A_1190 : i32 to index
        %get3A_1195 = arith.constant 0 : index
        %get3A_1196 = tpu.vector_load %arg8[%get3A_1191, %get3A_1192, %get3A_1193, %get3A_1194, %get3A_1195] {strides = array<i32>} : memref<3x2x128x2x16xi32, #tpu.memory_space<vmem>>, vector<1x1x1x1x16xi32>,
        %get3A_1197 = vector.shape_cast %get3A_1196 : vector<1x1x1x1x16xi32> to vector<16xi32>
        %shift_left3A_1198 = arith.constant 16 : i32
        %shift_left3A_1199 = vector.broadcast %shift_left3A_1198 : i32 to vector<16xi32>
        %shift_left3A_1200 = arith.shli %get3A_1197, %shift_left3A_1199 : vector<16xi32>
        %bitcast_convert_type3A_1201 = tpu.bitcast %shift_left3A_1200 : vector<16xi32> -> vector<16xf32>
        %and3A_1202 = arith.constant -65536 : i32
        %and3A_1203 = vector.broadcast %and3A_1202 : i32 to vector<16xi32>
        %and3A_1204 = arith.andi %get3A_1197, %and3A_1203 : vector<16xi32>
        %bitcast_convert_type3A_1205 = tpu.bitcast %and3A_1204 : vector<16xi32> -> vector<16xf32>
        %mul3A_1206 = vector.broadcast %squeeze3A_1188 : f32 to vector<16xf32>
        %mul3A_1207 = arith.mulf %mul3A_1206, %bitcast_convert_type3A_1201 : vector<16xf32>
        %add3A_1208 = arith.addf %add3A_1181, %mul3A_1207 : vector<16xf32>
        %mul3A_1209 = vector.broadcast %squeeze3A_1188 : f32 to vector<16xf32>
        %mul3A_1210 = arith.mulf %mul3A_1209, %bitcast_convert_type3A_1205 : vector<16xf32>
        %add3A_1211 = arith.addf %add3A_1184, %mul3A_1210 : vector<16xf32>
        %slice3A_1212 = vector.extract_strided_slice %bitcast_convert_type3A_353 {offsets = [8], sizes = [1], strides = [1]} : vector<16xf32> to vector<1xf32>
        %squeeze3A_1213 = vector.extract %slice3A_1212[0] : f32 from vector<1xf32>
        %get3A_1214 = arith.constant 0 : i32
        %get3A_1215 = arith.constant 1 : i32
        %get3A_1216 = arith.index_cast %rem3A_254 : i32 to index
        %get3A_1217 = arith.index_cast %get3A_1214 : i32 to index
        %get3A_1218 = arith.index_cast %add3A_1186 : i32 to index
        %get3A_1219 = arith.index_cast %get3A_1215 : i32 to index
        %get3A_1220 = arith.constant 0 : index
        %get3A_1221 = tpu.vector_load %arg8[%get3A_1216, %get3A_1217, %get3A_1218, %get3A_1219, %get3A_1220] {strides = array<i32>} : memref<3x2x128x2x16xi32, #tpu.memory_space<vmem>>, vector<1x1x1x1x16xi32>,
        %get3A_1222 = vector.shape_cast %get3A_1221 : vector<1x1x1x1x16xi32> to vector<16xi32>
        %shift_left3A_1223 = arith.constant 16 : i32
        %shift_left3A_1224 = vector.broadcast %shift_left3A_1223 : i32 to vector<16xi32>
        %shift_left3A_1225 = arith.shli %get3A_1222, %shift_left3A_1224 : vector<16xi32>
        %bitcast_convert_type3A_1226 = tpu.bitcast %shift_left3A_1225 : vector<16xi32> -> vector<16xf32>
        %and3A_1227 = arith.constant -65536 : i32
        %and3A_1228 = vector.broadcast %and3A_1227 : i32 to vector<16xi32>
        %and3A_1229 = arith.andi %get3A_1222, %and3A_1228 : vector<16xi32>
        %bitcast_convert_type3A_1230 = tpu.bitcast %and3A_1229 : vector<16xi32> -> vector<16xf32>
        %mul3A_1231 = vector.broadcast %squeeze3A_1213 : f32 to vector<16xf32>
        %mul3A_1232 = arith.mulf %mul3A_1231, %bitcast_convert_type3A_1226 : vector<16xf32>
        %add3A_1233 = arith.addf %add3A_1208, %mul3A_1232 : vector<16xf32>
        %mul3A_1234 = vector.broadcast %squeeze3A_1213 : f32 to vector<16xf32>
        %mul3A_1235 = arith.mulf %mul3A_1234, %bitcast_convert_type3A_1230 : vector<16xf32>
        %add3A_1236 = arith.addf %add3A_1211, %mul3A_1235 : vector<16xf32>
        %slice3A_1237 = vector.extract_strided_slice %bitcast_convert_type3A_363 {offsets = [8], sizes = [1], strides = [1]} : vector<16xf32> to vector<1xf32>
        %squeeze3A_1238 = vector.extract %slice3A_1237[0] : f32 from vector<1xf32>
        %get3A_1239 = arith.constant 1 : i32
        %get3A_1240 = arith.constant 0 : i32
        %get3A_1241 = arith.index_cast %rem3A_254 : i32 to index
        %get3A_1242 = arith.index_cast %get3A_1239 : i32 to index
        %get3A_1243 = arith.index_cast %add3A_1186 : i32 to index
        %get3A_1244 = arith.index_cast %get3A_1240 : i32 to index
        %get3A_1245 = arith.constant 0 : index
        %get3A_1246 = tpu.vector_load %arg8[%get3A_1241, %get3A_1242, %get3A_1243, %get3A_1244, %get3A_1245] {strides = array<i32>} : memref<3x2x128x2x16xi32, #tpu.memory_space<vmem>>, vector<1x1x1x1x16xi32>,
        %get3A_1247 = vector.shape_cast %get3A_1246 : vector<1x1x1x1x16xi32> to vector<16xi32>
        %shift_left3A_1248 = arith.constant 16 : i32
        %shift_left3A_1249 = vector.broadcast %shift_left3A_1248 : i32 to vector<16xi32>
        %shift_left3A_1250 = arith.shli %get3A_1247, %shift_left3A_1249 : vector<16xi32>
        %bitcast_convert_type3A_1251 = tpu.bitcast %shift_left3A_1250 : vector<16xi32> -> vector<16xf32>
        %and3A_1252 = arith.constant -65536 : i32
        %and3A_1253 = vector.broadcast %and3A_1252 : i32 to vector<16xi32>
        %and3A_1254 = arith.andi %get3A_1247, %and3A_1253 : vector<16xi32>
        %bitcast_convert_type3A_1255 = tpu.bitcast %and3A_1254 : vector<16xi32> -> vector<16xf32>
        %mul3A_1256 = vector.broadcast %squeeze3A_1238 : f32 to vector<16xf32>
        %mul3A_1257 = arith.mulf %mul3A_1256, %bitcast_convert_type3A_1251 : vector<16xf32>
        %add3A_1258 = arith.addf %add3A_1233, %mul3A_1257 : vector<16xf32>
        %mul3A_1259 = vector.broadcast %squeeze3A_1238 : f32 to vector<16xf32>
        %mul3A_1260 = arith.mulf %mul3A_1259, %bitcast_convert_type3A_1255 : vector<16xf32>
        %add3A_1261 = arith.addf %add3A_1236, %mul3A_1260 : vector<16xf32>
        %slice3A_1262 = vector.extract_strided_slice %bitcast_convert_type3A_367 {offsets = [8], sizes = [1], strides = [1]} : vector<16xf32> to vector<1xf32>
        %squeeze3A_1263 = vector.extract %slice3A_1262[0] : f32 from vector<1xf32>
        %get3A_1264 = arith.constant 1 : i32
        %get3A_1265 = arith.constant 1 : i32
        %get3A_1266 = arith.index_cast %rem3A_254 : i32 to index
        %get3A_1267 = arith.index_cast %get3A_1264 : i32 to index
        %get3A_1268 = arith.index_cast %add3A_1186 : i32 to index
        %get3A_1269 = arith.index_cast %get3A_1265 : i32 to index
        %get3A_1270 = arith.constant 0 : index
        %get3A_1271 = tpu.vector_load %arg8[%get3A_1266, %get3A_1267, %get3A_1268, %get3A_1269, %get3A_1270] {strides = array<i32>} : memref<3x2x128x2x16xi32, #tpu.memory_space<vmem>>, vector<1x1x1x1x16xi32>,
        %get3A_1272 = vector.shape_cast %get3A_1271 : vector<1x1x1x1x16xi32> to vector<16xi32>
        %shift_left3A_1273 = arith.constant 16 : i32
        %shift_left3A_1274 = vector.broadcast %shift_left3A_1273 : i32 to vector<16xi32>
        %shift_left3A_1275 = arith.shli %get3A_1272, %shift_left3A_1274 : vector<16xi32>
        %bitcast_convert_type3A_1276 = tpu.bitcast %shift_left3A_1275 : vector<16xi32> -> vector<16xf32>
        %and3A_1277 = arith.constant -65536 : i32
        %and3A_1278 = vector.broadcast %and3A_1277 : i32 to vector<16xi32>
        %and3A_1279 = arith.andi %get3A_1272, %and3A_1278 : vector<16xi32>
        %bitcast_convert_type3A_1280 = tpu.bitcast %and3A_1279 : vector<16xi32> -> vector<16xf32>
        %mul3A_1281 = vector.broadcast %squeeze3A_1263 : f32 to vector<16xf32>
        %mul3A_1282 = arith.mulf %mul3A_1281, %bitcast_convert_type3A_1276 : vector<16xf32>
        %add3A_1283 = arith.addf %add3A_1258, %mul3A_1282 : vector<16xf32>
        %mul3A_1284 = vector.broadcast %squeeze3A_1263 : f32 to vector<16xf32>
        %mul3A_1285 = arith.mulf %mul3A_1284, %bitcast_convert_type3A_1280 : vector<16xf32>
        %add3A_1286 = arith.addf %add3A_1261, %mul3A_1285 : vector<16xf32>
        %add3A_1287 = arith.constant 9 : i32
        %add3A_1288 = arith.addi %mul3A_343, %add3A_1287 : i32
        %slice3A_1289 = vector.extract_strided_slice %bitcast_convert_type3A {offsets = [9], sizes = [1], strides = [1]} : vector<16xf32> to vector<1xf32>
        %squeeze3A_1290 = vector.extract %slice3A_1289[0] : f32 from vector<1xf32>
        %get3A_1291 = arith.constant 0 : i32
        %get3A_1292 = arith.constant 0 : i32
        %get3A_1293 = arith.index_cast %rem3A_254 : i32 to index
        %get3A_1294 = arith.index_cast %get3A_1291 : i32 to index
        %get3A_1295 = arith.index_cast %add3A_1288 : i32 to index
        %get3A_1296 = arith.index_cast %get3A_1292 : i32 to index
        %get3A_1297 = arith.constant 0 : index
        %get3A_1298 = tpu.vector_load %arg8[%get3A_1293, %get3A_1294, %get3A_1295, %get3A_1296, %get3A_1297] {strides = array<i32>} : memref<3x2x128x2x16xi32, #tpu.memory_space<vmem>>, vector<1x1x1x1x16xi32>,
        %get3A_1299 = vector.shape_cast %get3A_1298 : vector<1x1x1x1x16xi32> to vector<16xi32>
        %shift_left3A_1300 = arith.constant 16 : i32
        %shift_left3A_1301 = vector.broadcast %shift_left3A_1300 : i32 to vector<16xi32>
        %shift_left3A_1302 = arith.shli %get3A_1299, %shift_left3A_1301 : vector<16xi32>
        %bitcast_convert_type3A_1303 = tpu.bitcast %shift_left3A_1302 : vector<16xi32> -> vector<16xf32>
        %and3A_1304 = arith.constant -65536 : i32
        %and3A_1305 = vector.broadcast %and3A_1304 : i32 to vector<16xi32>
        %and3A_1306 = arith.andi %get3A_1299, %and3A_1305 : vector<16xi32>
        %bitcast_convert_type3A_1307 = tpu.bitcast %and3A_1306 : vector<16xi32> -> vector<16xf32>
        %mul3A_1308 = vector.broadcast %squeeze3A_1290 : f32 to vector<16xf32>
        %mul3A_1309 = arith.mulf %mul3A_1308, %bitcast_convert_type3A_1303 : vector<16xf32>
        %add3A_1310 = arith.addf %add3A_1283, %mul3A_1309 : vector<16xf32>
        %mul3A_1311 = vector.broadcast %squeeze3A_1290 : f32 to vector<16xf32>
        %mul3A_1312 = arith.mulf %mul3A_1311, %bitcast_convert_type3A_1307 : vector<16xf32>
        %add3A_1313 = arith.addf %add3A_1286, %mul3A_1312 : vector<16xf32>
        %slice3A_1314 = vector.extract_strided_slice %bitcast_convert_type3A_353 {offsets = [9], sizes = [1], strides = [1]} : vector<16xf32> to vector<1xf32>
        %squeeze3A_1315 = vector.extract %slice3A_1314[0] : f32 from vector<1xf32>
        %get3A_1316 = arith.constant 0 : i32
        %get3A_1317 = arith.constant 1 : i32
        %get3A_1318 = arith.index_cast %rem3A_254 : i32 to index
        %get3A_1319 = arith.index_cast %get3A_1316 : i32 to index
        %get3A_1320 = arith.index_cast %add3A_1288 : i32 to index
        %get3A_1321 = arith.index_cast %get3A_1317 : i32 to index
        %get3A_1322 = arith.constant 0 : index
        %get3A_1323 = tpu.vector_load %arg8[%get3A_1318, %get3A_1319, %get3A_1320, %get3A_1321, %get3A_1322] {strides = array<i32>} : memref<3x2x128x2x16xi32, #tpu.memory_space<vmem>>, vector<1x1x1x1x16xi32>,
        %get3A_1324 = vector.shape_cast %get3A_1323 : vector<1x1x1x1x16xi32> to vector<16xi32>
        %shift_left3A_1325 = arith.constant 16 : i32
        %shift_left3A_1326 = vector.broadcast %shift_left3A_1325 : i32 to vector<16xi32>
        %shift_left3A_1327 = arith.shli %get3A_1324, %shift_left3A_1326 : vector<16xi32>
        %bitcast_convert_type3A_1328 = tpu.bitcast %shift_left3A_1327 : vector<16xi32> -> vector<16xf32>
        %and3A_1329 = arith.constant -65536 : i32
        %and3A_1330 = vector.broadcast %and3A_1329 : i32 to vector<16xi32>
        %and3A_1331 = arith.andi %get3A_1324, %and3A_1330 : vector<16xi32>
        %bitcast_convert_type3A_1332 = tpu.bitcast %and3A_1331 : vector<16xi32> -> vector<16xf32>
        %mul3A_1333 = vector.broadcast %squeeze3A_1315 : f32 to vector<16xf32>
        %mul3A_1334 = arith.mulf %mul3A_1333, %bitcast_convert_type3A_1328 : vector<16xf32>
        %add3A_1335 = arith.addf %add3A_1310, %mul3A_1334 : vector<16xf32>
        %mul3A_1336 = vector.broadcast %squeeze3A_1315 : f32 to vector<16xf32>
        %mul3A_1337 = arith.mulf %mul3A_1336, %bitcast_convert_type3A_1332 : vector<16xf32>
        %add3A_1338 = arith.addf %add3A_1313, %mul3A_1337 : vector<16xf32>
        %slice3A_1339 = vector.extract_strided_slice %bitcast_convert_type3A_363 {offsets = [9], sizes = [1], strides = [1]} : vector<16xf32> to vector<1xf32>
        %squeeze3A_1340 = vector.extract %slice3A_1339[0] : f32 from vector<1xf32>
        %get3A_1341 = arith.constant 1 : i32
        %get3A_1342 = arith.constant 0 : i32
        %get3A_1343 = arith.index_cast %rem3A_254 : i32 to index
        %get3A_1344 = arith.index_cast %get3A_1341 : i32 to index
        %get3A_1345 = arith.index_cast %add3A_1288 : i32 to index
        %get3A_1346 = arith.index_cast %get3A_1342 : i32 to index
        %get3A_1347 = arith.constant 0 : index
        %get3A_1348 = tpu.vector_load %arg8[%get3A_1343, %get3A_1344, %get3A_1345, %get3A_1346, %get3A_1347] {strides = array<i32>} : memref<3x2x128x2x16xi32, #tpu.memory_space<vmem>>, vector<1x1x1x1x16xi32>,
        %get3A_1349 = vector.shape_cast %get3A_1348 : vector<1x1x1x1x16xi32> to vector<16xi32>
        %shift_left3A_1350 = arith.constant 16 : i32
        %shift_left3A_1351 = vector.broadcast %shift_left3A_1350 : i32 to vector<16xi32>
        %shift_left3A_1352 = arith.shli %get3A_1349, %shift_left3A_1351 : vector<16xi32>
        %bitcast_convert_type3A_1353 = tpu.bitcast %shift_left3A_1352 : vector<16xi32> -> vector<16xf32>
        %and3A_1354 = arith.constant -65536 : i32
        %and3A_1355 = vector.broadcast %and3A_1354 : i32 to vector<16xi32>
        %and3A_1356 = arith.andi %get3A_1349, %and3A_1355 : vector<16xi32>
        %bitcast_convert_type3A_1357 = tpu.bitcast %and3A_1356 : vector<16xi32> -> vector<16xf32>
        %mul3A_1358 = vector.broadcast %squeeze3A_1340 : f32 to vector<16xf32>
        %mul3A_1359 = arith.mulf %mul3A_1358, %bitcast_convert_type3A_1353 : vector<16xf32>
        %add3A_1360 = arith.addf %add3A_1335, %mul3A_1359 : vector<16xf32>
        %mul3A_1361 = vector.broadcast %squeeze3A_1340 : f32 to vector<16xf32>
        %mul3A_1362 = arith.mulf %mul3A_1361, %bitcast_convert_type3A_1357 : vector<16xf32>
        %add3A_1363 = arith.addf %add3A_1338, %mul3A_1362 : vector<16xf32>
        %slice3A_1364 = vector.extract_strided_slice %bitcast_convert_type3A_367 {offsets = [9], sizes = [1], strides = [1]} : vector<16xf32> to vector<1xf32>
        %squeeze3A_1365 = vector.extract %slice3A_1364[0] : f32 from vector<1xf32>
        %get3A_1366 = arith.constant 1 : i32
        %get3A_1367 = arith.constant 1 : i32
        %get3A_1368 = arith.index_cast %rem3A_254 : i32 to index
        %get3A_1369 = arith.index_cast %get3A_1366 : i32 to index
        %get3A_1370 = arith.index_cast %add3A_1288 : i32 to index
        %get3A_1371 = arith.index_cast %get3A_1367 : i32 to index
        %get3A_1372 = arith.constant 0 : index
        %get3A_1373 = tpu.vector_load %arg8[%get3A_1368, %get3A_1369, %get3A_1370, %get3A_1371, %get3A_1372] {strides = array<i32>} : memref<3x2x128x2x16xi32, #tpu.memory_space<vmem>>, vector<1x1x1x1x16xi32>,
        %get3A_1374 = vector.shape_cast %get3A_1373 : vector<1x1x1x1x16xi32> to vector<16xi32>
        %shift_left3A_1375 = arith.constant 16 : i32
        %shift_left3A_1376 = vector.broadcast %shift_left3A_1375 : i32 to vector<16xi32>
        %shift_left3A_1377 = arith.shli %get3A_1374, %shift_left3A_1376 : vector<16xi32>
        %bitcast_convert_type3A_1378 = tpu.bitcast %shift_left3A_1377 : vector<16xi32> -> vector<16xf32>
        %and3A_1379 = arith.constant -65536 : i32
        %and3A_1380 = vector.broadcast %and3A_1379 : i32 to vector<16xi32>
        %and3A_1381 = arith.andi %get3A_1374, %and3A_1380 : vector<16xi32>
        %bitcast_convert_type3A_1382 = tpu.bitcast %and3A_1381 : vector<16xi32> -> vector<16xf32>
        %mul3A_1383 = vector.broadcast %squeeze3A_1365 : f32 to vector<16xf32>
        %mul3A_1384 = arith.mulf %mul3A_1383, %bitcast_convert_type3A_1378 : vector<16xf32>
        %add3A_1385 = arith.addf %add3A_1360, %mul3A_1384 : vector<16xf32>
        %mul3A_1386 = vector.broadcast %squeeze3A_1365 : f32 to vector<16xf32>
        %mul3A_1387 = arith.mulf %mul3A_1386, %bitcast_convert_type3A_1382 : vector<16xf32>
        %add3A_1388 = arith.addf %add3A_1363, %mul3A_1387 : vector<16xf32>
        %add3A_1389 = arith.constant 10 : i32
        %add3A_1390 = arith.addi %mul3A_343, %add3A_1389 : i32
        %slice3A_1391 = vector.extract_strided_slice %bitcast_convert_type3A {offsets = [10], sizes = [1], strides = [1]} : vector<16xf32> to vector<1xf32>
        %squeeze3A_1392 = vector.extract %slice3A_1391[0] : f32 from vector<1xf32>
        %get3A_1393 = arith.constant 0 : i32
        %get3A_1394 = arith.constant 0 : i32
        %get3A_1395 = arith.index_cast %rem3A_254 : i32 to index
        %get3A_1396 = arith.index_cast %get3A_1393 : i32 to index
        %get3A_1397 = arith.index_cast %add3A_1390 : i32 to index
        %get3A_1398 = arith.index_cast %get3A_1394 : i32 to index
        %get3A_1399 = arith.constant 0 : index
        %get3A_1400 = tpu.vector_load %arg8[%get3A_1395, %get3A_1396, %get3A_1397, %get3A_1398, %get3A_1399] {strides = array<i32>} : memref<3x2x128x2x16xi32, #tpu.memory_space<vmem>>, vector<1x1x1x1x16xi32>,
        %get3A_1401 = vector.shape_cast %get3A_1400 : vector<1x1x1x1x16xi32> to vector<16xi32>
        %shift_left3A_1402 = arith.constant 16 : i32
        %shift_left3A_1403 = vector.broadcast %shift_left3A_1402 : i32 to vector<16xi32>
        %shift_left3A_1404 = arith.shli %get3A_1401, %shift_left3A_1403 : vector<16xi32>
        %bitcast_convert_type3A_1405 = tpu.bitcast %shift_left3A_1404 : vector<16xi32> -> vector<16xf32>
        %and3A_1406 = arith.constant -65536 : i32
        %and3A_1407 = vector.broadcast %and3A_1406 : i32 to vector<16xi32>
        %and3A_1408 = arith.andi %get3A_1401, %and3A_1407 : vector<16xi32>
        %bitcast_convert_type3A_1409 = tpu.bitcast %and3A_1408 : vector<16xi32> -> vector<16xf32>
        %mul3A_1410 = vector.broadcast %squeeze3A_1392 : f32 to vector<16xf32>
        %mul3A_1411 = arith.mulf %mul3A_1410, %bitcast_convert_type3A_1405 : vector<16xf32>
        %add3A_1412 = arith.addf %add3A_1385, %mul3A_1411 : vector<16xf32>
        %mul3A_1413 = vector.broadcast %squeeze3A_1392 : f32 to vector<16xf32>
        %mul3A_1414 = arith.mulf %mul3A_1413, %bitcast_convert_type3A_1409 : vector<16xf32>
        %add3A_1415 = arith.addf %add3A_1388, %mul3A_1414 : vector<16xf32>
        %slice3A_1416 = vector.extract_strided_slice %bitcast_convert_type3A_353 {offsets = [10], sizes = [1], strides = [1]} : vector<16xf32> to vector<1xf32>
        %squeeze3A_1417 = vector.extract %slice3A_1416[0] : f32 from vector<1xf32>
        %get3A_1418 = arith.constant 0 : i32
        %get3A_1419 = arith.constant 1 : i32
        %get3A_1420 = arith.index_cast %rem3A_254 : i32 to index
        %get3A_1421 = arith.index_cast %get3A_1418 : i32 to index
        %get3A_1422 = arith.index_cast %add3A_1390 : i32 to index
        %get3A_1423 = arith.index_cast %get3A_1419 : i32 to index
        %get3A_1424 = arith.constant 0 : index
        %get3A_1425 = tpu.vector_load %arg8[%get3A_1420, %get3A_1421, %get3A_1422, %get3A_1423, %get3A_1424] {strides = array<i32>} : memref<3x2x128x2x16xi32, #tpu.memory_space<vmem>>, vector<1x1x1x1x16xi32>,
        %get3A_1426 = vector.shape_cast %get3A_1425 : vector<1x1x1x1x16xi32> to vector<16xi32>
        %shift_left3A_1427 = arith.constant 16 : i32
        %shift_left3A_1428 = vector.broadcast %shift_left3A_1427 : i32 to vector<16xi32>
        %shift_left3A_1429 = arith.shli %get3A_1426, %shift_left3A_1428 : vector<16xi32>
        %bitcast_convert_type3A_1430 = tpu.bitcast %shift_left3A_1429 : vector<16xi32> -> vector<16xf32>
        %and3A_1431 = arith.constant -65536 : i32
        %and3A_1432 = vector.broadcast %and3A_1431 : i32 to vector<16xi32>
        %and3A_1433 = arith.andi %get3A_1426, %and3A_1432 : vector<16xi32>
        %bitcast_convert_type3A_1434 = tpu.bitcast %and3A_1433 : vector<16xi32> -> vector<16xf32>
        %mul3A_1435 = vector.broadcast %squeeze3A_1417 : f32 to vector<16xf32>
        %mul3A_1436 = arith.mulf %mul3A_1435, %bitcast_convert_type3A_1430 : vector<16xf32>
        %add3A_1437 = arith.addf %add3A_1412, %mul3A_1436 : vector<16xf32>
        %mul3A_1438 = vector.broadcast %squeeze3A_1417 : f32 to vector<16xf32>
        %mul3A_1439 = arith.mulf %mul3A_1438, %bitcast_convert_type3A_1434 : vector<16xf32>
        %add3A_1440 = arith.addf %add3A_1415, %mul3A_1439 : vector<16xf32>
        %slice3A_1441 = vector.extract_strided_slice %bitcast_convert_type3A_363 {offsets = [10], sizes = [1], strides = [1]} : vector<16xf32> to vector<1xf32>
        %squeeze3A_1442 = vector.extract %slice3A_1441[0] : f32 from vector<1xf32>
        %get3A_1443 = arith.constant 1 : i32
        %get3A_1444 = arith.constant 0 : i32
        %get3A_1445 = arith.index_cast %rem3A_254 : i32 to index
        %get3A_1446 = arith.index_cast %get3A_1443 : i32 to index
        %get3A_1447 = arith.index_cast %add3A_1390 : i32 to index
        %get3A_1448 = arith.index_cast %get3A_1444 : i32 to index
        %get3A_1449 = arith.constant 0 : index
        %get3A_1450 = tpu.vector_load %arg8[%get3A_1445, %get3A_1446, %get3A_1447, %get3A_1448, %get3A_1449] {strides = array<i32>} : memref<3x2x128x2x16xi32, #tpu.memory_space<vmem>>, vector<1x1x1x1x16xi32>,
        %get3A_1451 = vector.shape_cast %get3A_1450 : vector<1x1x1x1x16xi32> to vector<16xi32>
        %shift_left3A_1452 = arith.constant 16 : i32
        %shift_left3A_1453 = vector.broadcast %shift_left3A_1452 : i32 to vector<16xi32>
        %shift_left3A_1454 = arith.shli %get3A_1451, %shift_left3A_1453 : vector<16xi32>
        %bitcast_convert_type3A_1455 = tpu.bitcast %shift_left3A_1454 : vector<16xi32> -> vector<16xf32>
        %and3A_1456 = arith.constant -65536 : i32
        %and3A_1457 = vector.broadcast %and3A_1456 : i32 to vector<16xi32>
        %and3A_1458 = arith.andi %get3A_1451, %and3A_1457 : vector<16xi32>
        %bitcast_convert_type3A_1459 = tpu.bitcast %and3A_1458 : vector<16xi32> -> vector<16xf32>
        %mul3A_1460 = vector.broadcast %squeeze3A_1442 : f32 to vector<16xf32>
        %mul3A_1461 = arith.mulf %mul3A_1460, %bitcast_convert_type3A_1455 : vector<16xf32>
        %add3A_1462 = arith.addf %add3A_1437, %mul3A_1461 : vector<16xf32>
        %mul3A_1463 = vector.broadcast %squeeze3A_1442 : f32 to vector<16xf32>
        %mul3A_1464 = arith.mulf %mul3A_1463, %bitcast_convert_type3A_1459 : vector<16xf32>
        %add3A_1465 = arith.addf %add3A_1440, %mul3A_1464 : vector<16xf32>
        %slice3A_1466 = vector.extract_strided_slice %bitcast_convert_type3A_367 {offsets = [10], sizes = [1], strides = [1]} : vector<16xf32> to vector<1xf32>
        %squeeze3A_1467 = vector.extract %slice3A_1466[0] : f32 from vector<1xf32>
        %get3A_1468 = arith.constant 1 : i32
        %get3A_1469 = arith.constant 1 : i32
        %get3A_1470 = arith.index_cast %rem3A_254 : i32 to index
        %get3A_1471 = arith.index_cast %get3A_1468 : i32 to index
        %get3A_1472 = arith.index_cast %add3A_1390 : i32 to index
        %get3A_1473 = arith.index_cast %get3A_1469 : i32 to index
        %get3A_1474 = arith.constant 0 : index
        %get3A_1475 = tpu.vector_load %arg8[%get3A_1470, %get3A_1471, %get3A_1472, %get3A_1473, %get3A_1474] {strides = array<i32>} : memref<3x2x128x2x16xi32, #tpu.memory_space<vmem>>, vector<1x1x1x1x16xi32>,
        %get3A_1476 = vector.shape_cast %get3A_1475 : vector<1x1x1x1x16xi32> to vector<16xi32>
        %shift_left3A_1477 = arith.constant 16 : i32
        %shift_left3A_1478 = vector.broadcast %shift_left3A_1477 : i32 to vector<16xi32>
        %shift_left3A_1479 = arith.shli %get3A_1476, %shift_left3A_1478 : vector<16xi32>
        %bitcast_convert_type3A_1480 = tpu.bitcast %shift_left3A_1479 : vector<16xi32> -> vector<16xf32>
        %and3A_1481 = arith.constant -65536 : i32
        %and3A_1482 = vector.broadcast %and3A_1481 : i32 to vector<16xi32>
        %and3A_1483 = arith.andi %get3A_1476, %and3A_1482 : vector<16xi32>
        %bitcast_convert_type3A_1484 = tpu.bitcast %and3A_1483 : vector<16xi32> -> vector<16xf32>
        %mul3A_1485 = vector.broadcast %squeeze3A_1467 : f32 to vector<16xf32>
        %mul3A_1486 = arith.mulf %mul3A_1485, %bitcast_convert_type3A_1480 : vector<16xf32>
        %add3A_1487 = arith.addf %add3A_1462, %mul3A_1486 : vector<16xf32>
        %mul3A_1488 = vector.broadcast %squeeze3A_1467 : f32 to vector<16xf32>
        %mul3A_1489 = arith.mulf %mul3A_1488, %bitcast_convert_type3A_1484 : vector<16xf32>
        %add3A_1490 = arith.addf %add3A_1465, %mul3A_1489 : vector<16xf32>
        %add3A_1491 = arith.constant 11 : i32
        %add3A_1492 = arith.addi %mul3A_343, %add3A_1491 : i32
        %slice3A_1493 = vector.extract_strided_slice %bitcast_convert_type3A {offsets = [11], sizes = [1], strides = [1]} : vector<16xf32> to vector<1xf32>
        %squeeze3A_1494 = vector.extract %slice3A_1493[0] : f32 from vector<1xf32>
        %get3A_1495 = arith.constant 0 : i32
        %get3A_1496 = arith.constant 0 : i32
        %get3A_1497 = arith.index_cast %rem3A_254 : i32 to index
        %get3A_1498 = arith.index_cast %get3A_1495 : i32 to index
        %get3A_1499 = arith.index_cast %add3A_1492 : i32 to index
        %get3A_1500 = arith.index_cast %get3A_1496 : i32 to index
        %get3A_1501 = arith.constant 0 : index
        %get3A_1502 = tpu.vector_load %arg8[%get3A_1497, %get3A_1498, %get3A_1499, %get3A_1500, %get3A_1501] {strides = array<i32>} : memref<3x2x128x2x16xi32, #tpu.memory_space<vmem>>, vector<1x1x1x1x16xi32>,
        %get3A_1503 = vector.shape_cast %get3A_1502 : vector<1x1x1x1x16xi32> to vector<16xi32>
        %shift_left3A_1504 = arith.constant 16 : i32
        %shift_left3A_1505 = vector.broadcast %shift_left3A_1504 : i32 to vector<16xi32>
        %shift_left3A_1506 = arith.shli %get3A_1503, %shift_left3A_1505 : vector<16xi32>
        %bitcast_convert_type3A_1507 = tpu.bitcast %shift_left3A_1506 : vector<16xi32> -> vector<16xf32>
        %and3A_1508 = arith.constant -65536 : i32
        %and3A_1509 = vector.broadcast %and3A_1508 : i32 to vector<16xi32>
        %and3A_1510 = arith.andi %get3A_1503, %and3A_1509 : vector<16xi32>
        %bitcast_convert_type3A_1511 = tpu.bitcast %and3A_1510 : vector<16xi32> -> vector<16xf32>
        %mul3A_1512 = vector.broadcast %squeeze3A_1494 : f32 to vector<16xf32>
        %mul3A_1513 = arith.mulf %mul3A_1512, %bitcast_convert_type3A_1507 : vector<16xf32>
        %add3A_1514 = arith.addf %add3A_1487, %mul3A_1513 : vector<16xf32>
        %mul3A_1515 = vector.broadcast %squeeze3A_1494 : f32 to vector<16xf32>
        %mul3A_1516 = arith.mulf %mul3A_1515, %bitcast_convert_type3A_1511 : vector<16xf32>
        %add3A_1517 = arith.addf %add3A_1490, %mul3A_1516 : vector<16xf32>
        %slice3A_1518 = vector.extract_strided_slice %bitcast_convert_type3A_353 {offsets = [11], sizes = [1], strides = [1]} : vector<16xf32> to vector<1xf32>
        %squeeze3A_1519 = vector.extract %slice3A_1518[0] : f32 from vector<1xf32>
        %get3A_1520 = arith.constant 0 : i32
        %get3A_1521 = arith.constant 1 : i32
        %get3A_1522 = arith.index_cast %rem3A_254 : i32 to index
        %get3A_1523 = arith.index_cast %get3A_1520 : i32 to index
        %get3A_1524 = arith.index_cast %add3A_1492 : i32 to index
        %get3A_1525 = arith.index_cast %get3A_1521 : i32 to index
        %get3A_1526 = arith.constant 0 : index
        %get3A_1527 = tpu.vector_load %arg8[%get3A_1522, %get3A_1523, %get3A_1524, %get3A_1525, %get3A_1526] {strides = array<i32>} : memref<3x2x128x2x16xi32, #tpu.memory_space<vmem>>, vector<1x1x1x1x16xi32>,
        %get3A_1528 = vector.shape_cast %get3A_1527 : vector<1x1x1x1x16xi32> to vector<16xi32>
        %shift_left3A_1529 = arith.constant 16 : i32
        %shift_left3A_1530 = vector.broadcast %shift_left3A_1529 : i32 to vector<16xi32>
        %shift_left3A_1531 = arith.shli %get3A_1528, %shift_left3A_1530 : vector<16xi32>
        %bitcast_convert_type3A_1532 = tpu.bitcast %shift_left3A_1531 : vector<16xi32> -> vector<16xf32>
        %and3A_1533 = arith.constant -65536 : i32
        %and3A_1534 = vector.broadcast %and3A_1533 : i32 to vector<16xi32>
        %and3A_1535 = arith.andi %get3A_1528, %and3A_1534 : vector<16xi32>
        %bitcast_convert_type3A_1536 = tpu.bitcast %and3A_1535 : vector<16xi32> -> vector<16xf32>
        %mul3A_1537 = vector.broadcast %squeeze3A_1519 : f32 to vector<16xf32>
        %mul3A_1538 = arith.mulf %mul3A_1537, %bitcast_convert_type3A_1532 : vector<16xf32>
        %add3A_1539 = arith.addf %add3A_1514, %mul3A_1538 : vector<16xf32>
        %mul3A_1540 = vector.broadcast %squeeze3A_1519 : f32 to vector<16xf32>
        %mul3A_1541 = arith.mulf %mul3A_1540, %bitcast_convert_type3A_1536 : vector<16xf32>
        %add3A_1542 = arith.addf %add3A_1517, %mul3A_1541 : vector<16xf32>
        %slice3A_1543 = vector.extract_strided_slice %bitcast_convert_type3A_363 {offsets = [11], sizes = [1], strides = [1]} : vector<16xf32> to vector<1xf32>
        %squeeze3A_1544 = vector.extract %slice3A_1543[0] : f32 from vector<1xf32>
        %get3A_1545 = arith.constant 1 : i32
        %get3A_1546 = arith.constant 0 : i32
        %get3A_1547 = arith.index_cast %rem3A_254 : i32 to index
        %get3A_1548 = arith.index_cast %get3A_1545 : i32 to index
        %get3A_1549 = arith.index_cast %add3A_1492 : i32 to index
        %get3A_1550 = arith.index_cast %get3A_1546 : i32 to index
        %get3A_1551 = arith.constant 0 : index
        %get3A_1552 = tpu.vector_load %arg8[%get3A_1547, %get3A_1548, %get3A_1549, %get3A_1550, %get3A_1551] {strides = array<i32>} : memref<3x2x128x2x16xi32, #tpu.memory_space<vmem>>, vector<1x1x1x1x16xi32>,
        %get3A_1553 = vector.shape_cast %get3A_1552 : vector<1x1x1x1x16xi32> to vector<16xi32>
        %shift_left3A_1554 = arith.constant 16 : i32
        %shift_left3A_1555 = vector.broadcast %shift_left3A_1554 : i32 to vector<16xi32>
        %shift_left3A_1556 = arith.shli %get3A_1553, %shift_left3A_1555 : vector<16xi32>
        %bitcast_convert_type3A_1557 = tpu.bitcast %shift_left3A_1556 : vector<16xi32> -> vector<16xf32>
        %and3A_1558 = arith.constant -65536 : i32
        %and3A_1559 = vector.broadcast %and3A_1558 : i32 to vector<16xi32>
        %and3A_1560 = arith.andi %get3A_1553, %and3A_1559 : vector<16xi32>
        %bitcast_convert_type3A_1561 = tpu.bitcast %and3A_1560 : vector<16xi32> -> vector<16xf32>
        %mul3A_1562 = vector.broadcast %squeeze3A_1544 : f32 to vector<16xf32>
        %mul3A_1563 = arith.mulf %mul3A_1562, %bitcast_convert_type3A_1557 : vector<16xf32>
        %add3A_1564 = arith.addf %add3A_1539, %mul3A_1563 : vector<16xf32>
        %mul3A_1565 = vector.broadcast %squeeze3A_1544 : f32 to vector<16xf32>
        %mul3A_1566 = arith.mulf %mul3A_1565, %bitcast_convert_type3A_1561 : vector<16xf32>
        %add3A_1567 = arith.addf %add3A_1542, %mul3A_1566 : vector<16xf32>
        %slice3A_1568 = vector.extract_strided_slice %bitcast_convert_type3A_367 {offsets = [11], sizes = [1], strides = [1]} : vector<16xf32> to vector<1xf32>
        %squeeze3A_1569 = vector.extract %slice3A_1568[0] : f32 from vector<1xf32>
        %get3A_1570 = arith.constant 1 : i32
        %get3A_1571 = arith.constant 1 : i32
        %get3A_1572 = arith.index_cast %rem3A_254 : i32 to index
        %get3A_1573 = arith.index_cast %get3A_1570 : i32 to index
        %get3A_1574 = arith.index_cast %add3A_1492 : i32 to index
        %get3A_1575 = arith.index_cast %get3A_1571 : i32 to index
        %get3A_1576 = arith.constant 0 : index
        %get3A_1577 = tpu.vector_load %arg8[%get3A_1572, %get3A_1573, %get3A_1574, %get3A_1575, %get3A_1576] {strides = array<i32>} : memref<3x2x128x2x16xi32, #tpu.memory_space<vmem>>, vector<1x1x1x1x16xi32>,
        %get3A_1578 = vector.shape_cast %get3A_1577 : vector<1x1x1x1x16xi32> to vector<16xi32>
        %shift_left3A_1579 = arith.constant 16 : i32
        %shift_left3A_1580 = vector.broadcast %shift_left3A_1579 : i32 to vector<16xi32>
        %shift_left3A_1581 = arith.shli %get3A_1578, %shift_left3A_1580 : vector<16xi32>
        %bitcast_convert_type3A_1582 = tpu.bitcast %shift_left3A_1581 : vector<16xi32> -> vector<16xf32>
        %and3A_1583 = arith.constant -65536 : i32
        %and3A_1584 = vector.broadcast %and3A_1583 : i32 to vector<16xi32>
        %and3A_1585 = arith.andi %get3A_1578, %and3A_1584 : vector<16xi32>
        %bitcast_convert_type3A_1586 = tpu.bitcast %and3A_1585 : vector<16xi32> -> vector<16xf32>
        %mul3A_1587 = vector.broadcast %squeeze3A_1569 : f32 to vector<16xf32>
        %mul3A_1588 = arith.mulf %mul3A_1587, %bitcast_convert_type3A_1582 : vector<16xf32>
        %add3A_1589 = arith.addf %add3A_1564, %mul3A_1588 : vector<16xf32>
        %mul3A_1590 = vector.broadcast %squeeze3A_1569 : f32 to vector<16xf32>
        %mul3A_1591 = arith.mulf %mul3A_1590, %bitcast_convert_type3A_1586 : vector<16xf32>
        %add3A_1592 = arith.addf %add3A_1567, %mul3A_1591 : vector<16xf32>
        %add3A_1593 = arith.constant 12 : i32
        %add3A_1594 = arith.addi %mul3A_343, %add3A_1593 : i32
        %slice3A_1595 = vector.extract_strided_slice %bitcast_convert_type3A {offsets = [12], sizes = [1], strides = [1]} : vector<16xf32> to vector<1xf32>
        %squeeze3A_1596 = vector.extract %slice3A_1595[0] : f32 from vector<1xf32>
        %get3A_1597 = arith.constant 0 : i32
        %get3A_1598 = arith.constant 0 : i32
        %get3A_1599 = arith.index_cast %rem3A_254 : i32 to index
        %get3A_1600 = arith.index_cast %get3A_1597 : i32 to index
        %get3A_1601 = arith.index_cast %add3A_1594 : i32 to index
        %get3A_1602 = arith.index_cast %get3A_1598 : i32 to index
        %get3A_1603 = arith.constant 0 : index
        %get3A_1604 = tpu.vector_load %arg8[%get3A_1599, %get3A_1600, %get3A_1601, %get3A_1602, %get3A_1603] {strides = array<i32>} : memref<3x2x128x2x16xi32, #tpu.memory_space<vmem>>, vector<1x1x1x1x16xi32>,
        %get3A_1605 = vector.shape_cast %get3A_1604 : vector<1x1x1x1x16xi32> to vector<16xi32>
        %shift_left3A_1606 = arith.constant 16 : i32
        %shift_left3A_1607 = vector.broadcast %shift_left3A_1606 : i32 to vector<16xi32>
        %shift_left3A_1608 = arith.shli %get3A_1605, %shift_left3A_1607 : vector<16xi32>
        %bitcast_convert_type3A_1609 = tpu.bitcast %shift_left3A_1608 : vector<16xi32> -> vector<16xf32>
        %and3A_1610 = arith.constant -65536 : i32
        %and3A_1611 = vector.broadcast %and3A_1610 : i32 to vector<16xi32>
        %and3A_1612 = arith.andi %get3A_1605, %and3A_1611 : vector<16xi32>
        %bitcast_convert_type3A_1613 = tpu.bitcast %and3A_1612 : vector<16xi32> -> vector<16xf32>
        %mul3A_1614 = vector.broadcast %squeeze3A_1596 : f32 to vector<16xf32>
        %mul3A_1615 = arith.mulf %mul3A_1614, %bitcast_convert_type3A_1609 : vector<16xf32>
        %add3A_1616 = arith.addf %add3A_1589, %mul3A_1615 : vector<16xf32>
        %mul3A_1617 = vector.broadcast %squeeze3A_1596 : f32 to vector<16xf32>
        %mul3A_1618 = arith.mulf %mul3A_1617, %bitcast_convert_type3A_1613 : vector<16xf32>
        %add3A_1619 = arith.addf %add3A_1592, %mul3A_1618 : vector<16xf32>
        %slice3A_1620 = vector.extract_strided_slice %bitcast_convert_type3A_353 {offsets = [12], sizes = [1], strides = [1]} : vector<16xf32> to vector<1xf32>
        %squeeze3A_1621 = vector.extract %slice3A_1620[0] : f32 from vector<1xf32>
        %get3A_1622 = arith.constant 0 : i32
        %get3A_1623 = arith.constant 1 : i32
        %get3A_1624 = arith.index_cast %rem3A_254 : i32 to index
        %get3A_1625 = arith.index_cast %get3A_1622 : i32 to index
        %get3A_1626 = arith.index_cast %add3A_1594 : i32 to index
        %get3A_1627 = arith.index_cast %get3A_1623 : i32 to index
        %get3A_1628 = arith.constant 0 : index
        %get3A_1629 = tpu.vector_load %arg8[%get3A_1624, %get3A_1625, %get3A_1626, %get3A_1627, %get3A_1628] {strides = array<i32>} : memref<3x2x128x2x16xi32, #tpu.memory_space<vmem>>, vector<1x1x1x1x16xi32>,
        %get3A_1630 = vector.shape_cast %get3A_1629 : vector<1x1x1x1x16xi32> to vector<16xi32>
        %shift_left3A_1631 = arith.constant 16 : i32
        %shift_left3A_1632 = vector.broadcast %shift_left3A_1631 : i32 to vector<16xi32>
        %shift_left3A_1633 = arith.shli %get3A_1630, %shift_left3A_1632 : vector<16xi32>
        %bitcast_convert_type3A_1634 = tpu.bitcast %shift_left3A_1633 : vector<16xi32> -> vector<16xf32>
        %and3A_1635 = arith.constant -65536 : i32
        %and3A_1636 = vector.broadcast %and3A_1635 : i32 to vector<16xi32>
        %and3A_1637 = arith.andi %get3A_1630, %and3A_1636 : vector<16xi32>
        %bitcast_convert_type3A_1638 = tpu.bitcast %and3A_1637 : vector<16xi32> -> vector<16xf32>
        %mul3A_1639 = vector.broadcast %squeeze3A_1621 : f32 to vector<16xf32>
        %mul3A_1640 = arith.mulf %mul3A_1639, %bitcast_convert_type3A_1634 : vector<16xf32>
        %add3A_1641 = arith.addf %add3A_1616, %mul3A_1640 : vector<16xf32>
        %mul3A_1642 = vector.broadcast %squeeze3A_1621 : f32 to vector<16xf32>
        %mul3A_1643 = arith.mulf %mul3A_1642, %bitcast_convert_type3A_1638 : vector<16xf32>
        %add3A_1644 = arith.addf %add3A_1619, %mul3A_1643 : vector<16xf32>
        %slice3A_1645 = vector.extract_strided_slice %bitcast_convert_type3A_363 {offsets = [12], sizes = [1], strides = [1]} : vector<16xf32> to vector<1xf32>
        %squeeze3A_1646 = vector.extract %slice3A_1645[0] : f32 from vector<1xf32>
        %get3A_1647 = arith.constant 1 : i32
        %get3A_1648 = arith.constant 0 : i32
        %get3A_1649 = arith.index_cast %rem3A_254 : i32 to index
        %get3A_1650 = arith.index_cast %get3A_1647 : i32 to index
        %get3A_1651 = arith.index_cast %add3A_1594 : i32 to index
        %get3A_1652 = arith.index_cast %get3A_1648 : i32 to index
        %get3A_1653 = arith.constant 0 : index
        %get3A_1654 = tpu.vector_load %arg8[%get3A_1649, %get3A_1650, %get3A_1651, %get3A_1652, %get3A_1653] {strides = array<i32>} : memref<3x2x128x2x16xi32, #tpu.memory_space<vmem>>, vector<1x1x1x1x16xi32>,
        %get3A_1655 = vector.shape_cast %get3A_1654 : vector<1x1x1x1x16xi32> to vector<16xi32>
        %shift_left3A_1656 = arith.constant 16 : i32
        %shift_left3A_1657 = vector.broadcast %shift_left3A_1656 : i32 to vector<16xi32>
        %shift_left3A_1658 = arith.shli %get3A_1655, %shift_left3A_1657 : vector<16xi32>
        %bitcast_convert_type3A_1659 = tpu.bitcast %shift_left3A_1658 : vector<16xi32> -> vector<16xf32>
        %and3A_1660 = arith.constant -65536 : i32
        %and3A_1661 = vector.broadcast %and3A_1660 : i32 to vector<16xi32>
        %and3A_1662 = arith.andi %get3A_1655, %and3A_1661 : vector<16xi32>
        %bitcast_convert_type3A_1663 = tpu.bitcast %and3A_1662 : vector<16xi32> -> vector<16xf32>
        %mul3A_1664 = vector.broadcast %squeeze3A_1646 : f32 to vector<16xf32>
        %mul3A_1665 = arith.mulf %mul3A_1664, %bitcast_convert_type3A_1659 : vector<16xf32>
        %add3A_1666 = arith.addf %add3A_1641, %mul3A_1665 : vector<16xf32>
        %mul3A_1667 = vector.broadcast %squeeze3A_1646 : f32 to vector<16xf32>
        %mul3A_1668 = arith.mulf %mul3A_1667, %bitcast_convert_type3A_1663 : vector<16xf32>
        %add3A_1669 = arith.addf %add3A_1644, %mul3A_1668 : vector<16xf32>
        %slice3A_1670 = vector.extract_strided_slice %bitcast_convert_type3A_367 {offsets = [12], sizes = [1], strides = [1]} : vector<16xf32> to vector<1xf32>
        %squeeze3A_1671 = vector.extract %slice3A_1670[0] : f32 from vector<1xf32>
        %get3A_1672 = arith.constant 1 : i32
        %get3A_1673 = arith.constant 1 : i32
        %get3A_1674 = arith.index_cast %rem3A_254 : i32 to index
        %get3A_1675 = arith.index_cast %get3A_1672 : i32 to index
        %get3A_1676 = arith.index_cast %add3A_1594 : i32 to index
        %get3A_1677 = arith.index_cast %get3A_1673 : i32 to index
        %get3A_1678 = arith.constant 0 : index
        %get3A_1679 = tpu.vector_load %arg8[%get3A_1674, %get3A_1675, %get3A_1676, %get3A_1677, %get3A_1678] {strides = array<i32>} : memref<3x2x128x2x16xi32, #tpu.memory_space<vmem>>, vector<1x1x1x1x16xi32>,
        %get3A_1680 = vector.shape_cast %get3A_1679 : vector<1x1x1x1x16xi32> to vector<16xi32>
        %shift_left3A_1681 = arith.constant 16 : i32
        %shift_left3A_1682 = vector.broadcast %shift_left3A_1681 : i32 to vector<16xi32>
        %shift_left3A_1683 = arith.shli %get3A_1680, %shift_left3A_1682 : vector<16xi32>
        %bitcast_convert_type3A_1684 = tpu.bitcast %shift_left3A_1683 : vector<16xi32> -> vector<16xf32>
        %and3A_1685 = arith.constant -65536 : i32
        %and3A_1686 = vector.broadcast %and3A_1685 : i32 to vector<16xi32>
        %and3A_1687 = arith.andi %get3A_1680, %and3A_1686 : vector<16xi32>
        %bitcast_convert_type3A_1688 = tpu.bitcast %and3A_1687 : vector<16xi32> -> vector<16xf32>
        %mul3A_1689 = vector.broadcast %squeeze3A_1671 : f32 to vector<16xf32>
        %mul3A_1690 = arith.mulf %mul3A_1689, %bitcast_convert_type3A_1684 : vector<16xf32>
        %add3A_1691 = arith.addf %add3A_1666, %mul3A_1690 : vector<16xf32>
        %mul3A_1692 = vector.broadcast %squeeze3A_1671 : f32 to vector<16xf32>
        %mul3A_1693 = arith.mulf %mul3A_1692, %bitcast_convert_type3A_1688 : vector<16xf32>
        %add3A_1694 = arith.addf %add3A_1669, %mul3A_1693 : vector<16xf32>
        %add3A_1695 = arith.constant 13 : i32
        %add3A_1696 = arith.addi %mul3A_343, %add3A_1695 : i32
        %slice3A_1697 = vector.extract_strided_slice %bitcast_convert_type3A {offsets = [13], sizes = [1], strides = [1]} : vector<16xf32> to vector<1xf32>
        %squeeze3A_1698 = vector.extract %slice3A_1697[0] : f32 from vector<1xf32>
        %get3A_1699 = arith.constant 0 : i32
        %get3A_1700 = arith.constant 0 : i32
        %get3A_1701 = arith.index_cast %rem3A_254 : i32 to index
        %get3A_1702 = arith.index_cast %get3A_1699 : i32 to index
        %get3A_1703 = arith.index_cast %add3A_1696 : i32 to index
        %get3A_1704 = arith.index_cast %get3A_1700 : i32 to index
        %get3A_1705 = arith.constant 0 : index
        %get3A_1706 = tpu.vector_load %arg8[%get3A_1701, %get3A_1702, %get3A_1703, %get3A_1704, %get3A_1705] {strides = array<i32>} : memref<3x2x128x2x16xi32, #tpu.memory_space<vmem>>, vector<1x1x1x1x16xi32>,
        %get3A_1707 = vector.shape_cast %get3A_1706 : vector<1x1x1x1x16xi32> to vector<16xi32>
        %shift_left3A_1708 = arith.constant 16 : i32
        %shift_left3A_1709 = vector.broadcast %shift_left3A_1708 : i32 to vector<16xi32>
        %shift_left3A_1710 = arith.shli %get3A_1707, %shift_left3A_1709 : vector<16xi32>
        %bitcast_convert_type3A_1711 = tpu.bitcast %shift_left3A_1710 : vector<16xi32> -> vector<16xf32>
        %and3A_1712 = arith.constant -65536 : i32
        %and3A_1713 = vector.broadcast %and3A_1712 : i32 to vector<16xi32>
        %and3A_1714 = arith.andi %get3A_1707, %and3A_1713 : vector<16xi32>
        %bitcast_convert_type3A_1715 = tpu.bitcast %and3A_1714 : vector<16xi32> -> vector<16xf32>
        %mul3A_1716 = vector.broadcast %squeeze3A_1698 : f32 to vector<16xf32>
        %mul3A_1717 = arith.mulf %mul3A_1716, %bitcast_convert_type3A_1711 : vector<16xf32>
        %add3A_1718 = arith.addf %add3A_1691, %mul3A_1717 : vector<16xf32>
        %mul3A_1719 = vector.broadcast %squeeze3A_1698 : f32 to vector<16xf32>
        %mul3A_1720 = arith.mulf %mul3A_1719, %bitcast_convert_type3A_1715 : vector<16xf32>
        %add3A_1721 = arith.addf %add3A_1694, %mul3A_1720 : vector<16xf32>
        %slice3A_1722 = vector.extract_strided_slice %bitcast_convert_type3A_353 {offsets = [13], sizes = [1], strides = [1]} : vector<16xf32> to vector<1xf32>
        %squeeze3A_1723 = vector.extract %slice3A_1722[0] : f32 from vector<1xf32>
        %get3A_1724 = arith.constant 0 : i32
        %get3A_1725 = arith.constant 1 : i32
        %get3A_1726 = arith.index_cast %rem3A_254 : i32 to index
        %get3A_1727 = arith.index_cast %get3A_1724 : i32 to index
        %get3A_1728 = arith.index_cast %add3A_1696 : i32 to index
        %get3A_1729 = arith.index_cast %get3A_1725 : i32 to index
        %get3A_1730 = arith.constant 0 : index
        %get3A_1731 = tpu.vector_load %arg8[%get3A_1726, %get3A_1727, %get3A_1728, %get3A_1729, %get3A_1730] {strides = array<i32>} : memref<3x2x128x2x16xi32, #tpu.memory_space<vmem>>, vector<1x1x1x1x16xi32>,
        %get3A_1732 = vector.shape_cast %get3A_1731 : vector<1x1x1x1x16xi32> to vector<16xi32>
        %shift_left3A_1733 = arith.constant 16 : i32
        %shift_left3A_1734 = vector.broadcast %shift_left3A_1733 : i32 to vector<16xi32>
        %shift_left3A_1735 = arith.shli %get3A_1732, %shift_left3A_1734 : vector<16xi32>
        %bitcast_convert_type3A_1736 = tpu.bitcast %shift_left3A_1735 : vector<16xi32> -> vector<16xf32>
        %and3A_1737 = arith.constant -65536 : i32
        %and3A_1738 = vector.broadcast %and3A_1737 : i32 to vector<16xi32>
        %and3A_1739 = arith.andi %get3A_1732, %and3A_1738 : vector<16xi32>
        %bitcast_convert_type3A_1740 = tpu.bitcast %and3A_1739 : vector<16xi32> -> vector<16xf32>
        %mul3A_1741 = vector.broadcast %squeeze3A_1723 : f32 to vector<16xf32>
        %mul3A_1742 = arith.mulf %mul3A_1741, %bitcast_convert_type3A_1736 : vector<16xf32>
        %add3A_1743 = arith.addf %add3A_1718, %mul3A_1742 : vector<16xf32>
        %mul3A_1744 = vector.broadcast %squeeze3A_1723 : f32 to vector<16xf32>
        %mul3A_1745 = arith.mulf %mul3A_1744, %bitcast_convert_type3A_1740 : vector<16xf32>
        %add3A_1746 = arith.addf %add3A_1721, %mul3A_1745 : vector<16xf32>
        %slice3A_1747 = vector.extract_strided_slice %bitcast_convert_type3A_363 {offsets = [13], sizes = [1], strides = [1]} : vector<16xf32> to vector<1xf32>
        %squeeze3A_1748 = vector.extract %slice3A_1747[0] : f32 from vector<1xf32>
        %get3A_1749 = arith.constant 1 : i32
        %get3A_1750 = arith.constant 0 : i32
        %get3A_1751 = arith.index_cast %rem3A_254 : i32 to index
        %get3A_1752 = arith.index_cast %get3A_1749 : i32 to index
        %get3A_1753 = arith.index_cast %add3A_1696 : i32 to index
        %get3A_1754 = arith.index_cast %get3A_1750 : i32 to index
        %get3A_1755 = arith.constant 0 : index
        %get3A_1756 = tpu.vector_load %arg8[%get3A_1751, %get3A_1752, %get3A_1753, %get3A_1754, %get3A_1755] {strides = array<i32>} : memref<3x2x128x2x16xi32, #tpu.memory_space<vmem>>, vector<1x1x1x1x16xi32>,
        %get3A_1757 = vector.shape_cast %get3A_1756 : vector<1x1x1x1x16xi32> to vector<16xi32>
        %shift_left3A_1758 = arith.constant 16 : i32
        %shift_left3A_1759 = vector.broadcast %shift_left3A_1758 : i32 to vector<16xi32>
        %shift_left3A_1760 = arith.shli %get3A_1757, %shift_left3A_1759 : vector<16xi32>
        %bitcast_convert_type3A_1761 = tpu.bitcast %shift_left3A_1760 : vector<16xi32> -> vector<16xf32>
        %and3A_1762 = arith.constant -65536 : i32
        %and3A_1763 = vector.broadcast %and3A_1762 : i32 to vector<16xi32>
        %and3A_1764 = arith.andi %get3A_1757, %and3A_1763 : vector<16xi32>
        %bitcast_convert_type3A_1765 = tpu.bitcast %and3A_1764 : vector<16xi32> -> vector<16xf32>
        %mul3A_1766 = vector.broadcast %squeeze3A_1748 : f32 to vector<16xf32>
        %mul3A_1767 = arith.mulf %mul3A_1766, %bitcast_convert_type3A_1761 : vector<16xf32>
        %add3A_1768 = arith.addf %add3A_1743, %mul3A_1767 : vector<16xf32>
        %mul3A_1769 = vector.broadcast %squeeze3A_1748 : f32 to vector<16xf32>
        %mul3A_1770 = arith.mulf %mul3A_1769, %bitcast_convert_type3A_1765 : vector<16xf32>
        %add3A_1771 = arith.addf %add3A_1746, %mul3A_1770 : vector<16xf32>
        %slice3A_1772 = vector.extract_strided_slice %bitcast_convert_type3A_367 {offsets = [13], sizes = [1], strides = [1]} : vector<16xf32> to vector<1xf32>
        %squeeze3A_1773 = vector.extract %slice3A_1772[0] : f32 from vector<1xf32>
        %get3A_1774 = arith.constant 1 : i32
        %get3A_1775 = arith.constant 1 : i32
        %get3A_1776 = arith.index_cast %rem3A_254 : i32 to index
        %get3A_1777 = arith.index_cast %get3A_1774 : i32 to index
        %get3A_1778 = arith.index_cast %add3A_1696 : i32 to index
        %get3A_1779 = arith.index_cast %get3A_1775 : i32 to index
        %get3A_1780 = arith.constant 0 : index
        %get3A_1781 = tpu.vector_load %arg8[%get3A_1776, %get3A_1777, %get3A_1778, %get3A_1779, %get3A_1780] {strides = array<i32>} : memref<3x2x128x2x16xi32, #tpu.memory_space<vmem>>, vector<1x1x1x1x16xi32>,
        %get3A_1782 = vector.shape_cast %get3A_1781 : vector<1x1x1x1x16xi32> to vector<16xi32>
        %shift_left3A_1783 = arith.constant 16 : i32
        %shift_left3A_1784 = vector.broadcast %shift_left3A_1783 : i32 to vector<16xi32>
        %shift_left3A_1785 = arith.shli %get3A_1782, %shift_left3A_1784 : vector<16xi32>
        %bitcast_convert_type3A_1786 = tpu.bitcast %shift_left3A_1785 : vector<16xi32> -> vector<16xf32>
        %and3A_1787 = arith.constant -65536 : i32
        %and3A_1788 = vector.broadcast %and3A_1787 : i32 to vector<16xi32>
        %and3A_1789 = arith.andi %get3A_1782, %and3A_1788 : vector<16xi32>
        %bitcast_convert_type3A_1790 = tpu.bitcast %and3A_1789 : vector<16xi32> -> vector<16xf32>
        %mul3A_1791 = vector.broadcast %squeeze3A_1773 : f32 to vector<16xf32>
        %mul3A_1792 = arith.mulf %mul3A_1791, %bitcast_convert_type3A_1786 : vector<16xf32>
        %add3A_1793 = arith.addf %add3A_1768, %mul3A_1792 : vector<16xf32>
        %mul3A_1794 = vector.broadcast %squeeze3A_1773 : f32 to vector<16xf32>
        %mul3A_1795 = arith.mulf %mul3A_1794, %bitcast_convert_type3A_1790 : vector<16xf32>
        %add3A_1796 = arith.addf %add3A_1771, %mul3A_1795 : vector<16xf32>
        %add3A_1797 = arith.constant 14 : i32
        %add3A_1798 = arith.addi %mul3A_343, %add3A_1797 : i32
        %slice3A_1799 = vector.extract_strided_slice %bitcast_convert_type3A {offsets = [14], sizes = [1], strides = [1]} : vector<16xf32> to vector<1xf32>
        %squeeze3A_1800 = vector.extract %slice3A_1799[0] : f32 from vector<1xf32>
        %get3A_1801 = arith.constant 0 : i32
        %get3A_1802 = arith.constant 0 : i32
        %get3A_1803 = arith.index_cast %rem3A_254 : i32 to index
        %get3A_1804 = arith.index_cast %get3A_1801 : i32 to index
        %get3A_1805 = arith.index_cast %add3A_1798 : i32 to index
        %get3A_1806 = arith.index_cast %get3A_1802 : i32 to index
        %get3A_1807 = arith.constant 0 : index
        %get3A_1808 = tpu.vector_load %arg8[%get3A_1803, %get3A_1804, %get3A_1805, %get3A_1806, %get3A_1807] {strides = array<i32>} : memref<3x2x128x2x16xi32, #tpu.memory_space<vmem>>, vector<1x1x1x1x16xi32>,
        %get3A_1809 = vector.shape_cast %get3A_1808 : vector<1x1x1x1x16xi32> to vector<16xi32>
        %shift_left3A_1810 = arith.constant 16 : i32
        %shift_left3A_1811 = vector.broadcast %shift_left3A_1810 : i32 to vector<16xi32>
        %shift_left3A_1812 = arith.shli %get3A_1809, %shift_left3A_1811 : vector<16xi32>
        %bitcast_convert_type3A_1813 = tpu.bitcast %shift_left3A_1812 : vector<16xi32> -> vector<16xf32>
        %and3A_1814 = arith.constant -65536 : i32
        %and3A_1815 = vector.broadcast %and3A_1814 : i32 to vector<16xi32>
        %and3A_1816 = arith.andi %get3A_1809, %and3A_1815 : vector<16xi32>
        %bitcast_convert_type3A_1817 = tpu.bitcast %and3A_1816 : vector<16xi32> -> vector<16xf32>
        %mul3A_1818 = vector.broadcast %squeeze3A_1800 : f32 to vector<16xf32>
        %mul3A_1819 = arith.mulf %mul3A_1818, %bitcast_convert_type3A_1813 : vector<16xf32>
        %add3A_1820 = arith.addf %add3A_1793, %mul3A_1819 : vector<16xf32>
        %mul3A_1821 = vector.broadcast %squeeze3A_1800 : f32 to vector<16xf32>
        %mul3A_1822 = arith.mulf %mul3A_1821, %bitcast_convert_type3A_1817 : vector<16xf32>
        %add3A_1823 = arith.addf %add3A_1796, %mul3A_1822 : vector<16xf32>
        %slice3A_1824 = vector.extract_strided_slice %bitcast_convert_type3A_353 {offsets = [14], sizes = [1], strides = [1]} : vector<16xf32> to vector<1xf32>
        %squeeze3A_1825 = vector.extract %slice3A_1824[0] : f32 from vector<1xf32>
        %get3A_1826 = arith.constant 0 : i32
        %get3A_1827 = arith.constant 1 : i32
        %get3A_1828 = arith.index_cast %rem3A_254 : i32 to index
        %get3A_1829 = arith.index_cast %get3A_1826 : i32 to index
        %get3A_1830 = arith.index_cast %add3A_1798 : i32 to index
        %get3A_1831 = arith.index_cast %get3A_1827 : i32 to index
        %get3A_1832 = arith.constant 0 : index
        %get3A_1833 = tpu.vector_load %arg8[%get3A_1828, %get3A_1829, %get3A_1830, %get3A_1831, %get3A_1832] {strides = array<i32>} : memref<3x2x128x2x16xi32, #tpu.memory_space<vmem>>, vector<1x1x1x1x16xi32>,
        %get3A_1834 = vector.shape_cast %get3A_1833 : vector<1x1x1x1x16xi32> to vector<16xi32>
        %shift_left3A_1835 = arith.constant 16 : i32
        %shift_left3A_1836 = vector.broadcast %shift_left3A_1835 : i32 to vector<16xi32>
        %shift_left3A_1837 = arith.shli %get3A_1834, %shift_left3A_1836 : vector<16xi32>
        %bitcast_convert_type3A_1838 = tpu.bitcast %shift_left3A_1837 : vector<16xi32> -> vector<16xf32>
        %and3A_1839 = arith.constant -65536 : i32
        %and3A_1840 = vector.broadcast %and3A_1839 : i32 to vector<16xi32>
        %and3A_1841 = arith.andi %get3A_1834, %and3A_1840 : vector<16xi32>
        %bitcast_convert_type3A_1842 = tpu.bitcast %and3A_1841 : vector<16xi32> -> vector<16xf32>
        %mul3A_1843 = vector.broadcast %squeeze3A_1825 : f32 to vector<16xf32>
        %mul3A_1844 = arith.mulf %mul3A_1843, %bitcast_convert_type3A_1838 : vector<16xf32>
        %add3A_1845 = arith.addf %add3A_1820, %mul3A_1844 : vector<16xf32>
        %mul3A_1846 = vector.broadcast %squeeze3A_1825 : f32 to vector<16xf32>
        %mul3A_1847 = arith.mulf %mul3A_1846, %bitcast_convert_type3A_1842 : vector<16xf32>
        %add3A_1848 = arith.addf %add3A_1823, %mul3A_1847 : vector<16xf32>
        %slice3A_1849 = vector.extract_strided_slice %bitcast_convert_type3A_363 {offsets = [14], sizes = [1], strides = [1]} : vector<16xf32> to vector<1xf32>
        %squeeze3A_1850 = vector.extract %slice3A_1849[0] : f32 from vector<1xf32>
        %get3A_1851 = arith.constant 1 : i32
        %get3A_1852 = arith.constant 0 : i32
        %get3A_1853 = arith.index_cast %rem3A_254 : i32 to index
        %get3A_1854 = arith.index_cast %get3A_1851 : i32 to index
        %get3A_1855 = arith.index_cast %add3A_1798 : i32 to index
        %get3A_1856 = arith.index_cast %get3A_1852 : i32 to index
        %get3A_1857 = arith.constant 0 : index
        %get3A_1858 = tpu.vector_load %arg8[%get3A_1853, %get3A_1854, %get3A_1855, %get3A_1856, %get3A_1857] {strides = array<i32>} : memref<3x2x128x2x16xi32, #tpu.memory_space<vmem>>, vector<1x1x1x1x16xi32>,
        %get3A_1859 = vector.shape_cast %get3A_1858 : vector<1x1x1x1x16xi32> to vector<16xi32>
        %shift_left3A_1860 = arith.constant 16 : i32
        %shift_left3A_1861 = vector.broadcast %shift_left3A_1860 : i32 to vector<16xi32>
        %shift_left3A_1862 = arith.shli %get3A_1859, %shift_left3A_1861 : vector<16xi32>
        %bitcast_convert_type3A_1863 = tpu.bitcast %shift_left3A_1862 : vector<16xi32> -> vector<16xf32>
        %and3A_1864 = arith.constant -65536 : i32
        %and3A_1865 = vector.broadcast %and3A_1864 : i32 to vector<16xi32>
        %and3A_1866 = arith.andi %get3A_1859, %and3A_1865 : vector<16xi32>
        %bitcast_convert_type3A_1867 = tpu.bitcast %and3A_1866 : vector<16xi32> -> vector<16xf32>
        %mul3A_1868 = vector.broadcast %squeeze3A_1850 : f32 to vector<16xf32>
        %mul3A_1869 = arith.mulf %mul3A_1868, %bitcast_convert_type3A_1863 : vector<16xf32>
        %add3A_1870 = arith.addf %add3A_1845, %mul3A_1869 : vector<16xf32>
        %mul3A_1871 = vector.broadcast %squeeze3A_1850 : f32 to vector<16xf32>
        %mul3A_1872 = arith.mulf %mul3A_1871, %bitcast_convert_type3A_1867 : vector<16xf32>
        %add3A_1873 = arith.addf %add3A_1848, %mul3A_1872 : vector<16xf32>
        %slice3A_1874 = vector.extract_strided_slice %bitcast_convert_type3A_367 {offsets = [14], sizes = [1], strides = [1]} : vector<16xf32> to vector<1xf32>
        %squeeze3A_1875 = vector.extract %slice3A_1874[0] : f32 from vector<1xf32>
        %get3A_1876 = arith.constant 1 : i32
        %get3A_1877 = arith.constant 1 : i32
        %get3A_1878 = arith.index_cast %rem3A_254 : i32 to index
        %get3A_1879 = arith.index_cast %get3A_1876 : i32 to index
        %get3A_1880 = arith.index_cast %add3A_1798 : i32 to index
        %get3A_1881 = arith.index_cast %get3A_1877 : i32 to index
        %get3A_1882 = arith.constant 0 : index
        %get3A_1883 = tpu.vector_load %arg8[%get3A_1878, %get3A_1879, %get3A_1880, %get3A_1881, %get3A_1882] {strides = array<i32>} : memref<3x2x128x2x16xi32, #tpu.memory_space<vmem>>, vector<1x1x1x1x16xi32>,
        %get3A_1884 = vector.shape_cast %get3A_1883 : vector<1x1x1x1x16xi32> to vector<16xi32>
        %shift_left3A_1885 = arith.constant 16 : i32
        %shift_left3A_1886 = vector.broadcast %shift_left3A_1885 : i32 to vector<16xi32>
        %shift_left3A_1887 = arith.shli %get3A_1884, %shift_left3A_1886 : vector<16xi32>
        %bitcast_convert_type3A_1888 = tpu.bitcast %shift_left3A_1887 : vector<16xi32> -> vector<16xf32>
        %and3A_1889 = arith.constant -65536 : i32
        %and3A_1890 = vector.broadcast %and3A_1889 : i32 to vector<16xi32>
        %and3A_1891 = arith.andi %get3A_1884, %and3A_1890 : vector<16xi32>
        %bitcast_convert_type3A_1892 = tpu.bitcast %and3A_1891 : vector<16xi32> -> vector<16xf32>
        %mul3A_1893 = vector.broadcast %squeeze3A_1875 : f32 to vector<16xf32>
        %mul3A_1894 = arith.mulf %mul3A_1893, %bitcast_convert_type3A_1888 : vector<16xf32>
        %add3A_1895 = arith.addf %add3A_1870, %mul3A_1894 : vector<16xf32>
        %mul3A_1896 = vector.broadcast %squeeze3A_1875 : f32 to vector<16xf32>
        %mul3A_1897 = arith.mulf %mul3A_1896, %bitcast_convert_type3A_1892 : vector<16xf32>
        %add3A_1898 = arith.addf %add3A_1873, %mul3A_1897 : vector<16xf32>
        %add3A_1899 = arith.constant 15 : i32
        %add3A_1900 = arith.addi %mul3A_343, %add3A_1899 : i32
        %slice3A_1901 = vector.extract_strided_slice %bitcast_convert_type3A {offsets = [15], sizes = [1], strides = [1]} : vector<16xf32> to vector<1xf32>
        %squeeze3A_1902 = vector.extract %slice3A_1901[0] : f32 from vector<1xf32>
        %get3A_1903 = arith.constant 0 : i32
        %get3A_1904 = arith.constant 0 : i32
        %get3A_1905 = arith.index_cast %rem3A_254 : i32 to index
        %get3A_1906 = arith.index_cast %get3A_1903 : i32 to index
        %get3A_1907 = arith.index_cast %add3A_1900 : i32 to index
        %get3A_1908 = arith.index_cast %get3A_1904 : i32 to index
        %get3A_1909 = arith.constant 0 : index
        %get3A_1910 = tpu.vector_load %arg8[%get3A_1905, %get3A_1906, %get3A_1907, %get3A_1908, %get3A_1909] {strides = array<i32>} : memref<3x2x128x2x16xi32, #tpu.memory_space<vmem>>, vector<1x1x1x1x16xi32>,
        %get3A_1911 = vector.shape_cast %get3A_1910 : vector<1x1x1x1x16xi32> to vector<16xi32>
        %shift_left3A_1912 = arith.constant 16 : i32
        %shift_left3A_1913 = vector.broadcast %shift_left3A_1912 : i32 to vector<16xi32>
        %shift_left3A_1914 = arith.shli %get3A_1911, %shift_left3A_1913 : vector<16xi32>
        %bitcast_convert_type3A_1915 = tpu.bitcast %shift_left3A_1914 : vector<16xi32> -> vector<16xf32>
        %and3A_1916 = arith.constant -65536 : i32
        %and3A_1917 = vector.broadcast %and3A_1916 : i32 to vector<16xi32>
        %and3A_1918 = arith.andi %get3A_1911, %and3A_1917 : vector<16xi32>
        %bitcast_convert_type3A_1919 = tpu.bitcast %and3A_1918 : vector<16xi32> -> vector<16xf32>
        %mul3A_1920 = vector.broadcast %squeeze3A_1902 : f32 to vector<16xf32>
        %mul3A_1921 = arith.mulf %mul3A_1920, %bitcast_convert_type3A_1915 : vector<16xf32>
        %add3A_1922 = arith.addf %add3A_1895, %mul3A_1921 : vector<16xf32>
        %mul3A_1923 = vector.broadcast %squeeze3A_1902 : f32 to vector<16xf32>
        %mul3A_1924 = arith.mulf %mul3A_1923, %bitcast_convert_type3A_1919 : vector<16xf32>
        %add3A_1925 = arith.addf %add3A_1898, %mul3A_1924 : vector<16xf32>
        %slice3A_1926 = vector.extract_strided_slice %bitcast_convert_type3A_353 {offsets = [15], sizes = [1], strides = [1]} : vector<16xf32> to vector<1xf32>
        %squeeze3A_1927 = vector.extract %slice3A_1926[0] : f32 from vector<1xf32>
        %get3A_1928 = arith.constant 0 : i32
        %get3A_1929 = arith.constant 1 : i32
        %get3A_1930 = arith.index_cast %rem3A_254 : i32 to index
        %get3A_1931 = arith.index_cast %get3A_1928 : i32 to index
        %get3A_1932 = arith.index_cast %add3A_1900 : i32 to index
        %get3A_1933 = arith.index_cast %get3A_1929 : i32 to index
        %get3A_1934 = arith.constant 0 : index
        %get3A_1935 = tpu.vector_load %arg8[%get3A_1930, %get3A_1931, %get3A_1932, %get3A_1933, %get3A_1934] {strides = array<i32>} : memref<3x2x128x2x16xi32, #tpu.memory_space<vmem>>, vector<1x1x1x1x16xi32>,
        %get3A_1936 = vector.shape_cast %get3A_1935 : vector<1x1x1x1x16xi32> to vector<16xi32>
        %shift_left3A_1937 = arith.constant 16 : i32
        %shift_left3A_1938 = vector.broadcast %shift_left3A_1937 : i32 to vector<16xi32>
        %shift_left3A_1939 = arith.shli %get3A_1936, %shift_left3A_1938 : vector<16xi32>
        %bitcast_convert_type3A_1940 = tpu.bitcast %shift_left3A_1939 : vector<16xi32> -> vector<16xf32>
        %and3A_1941 = arith.constant -65536 : i32
        %and3A_1942 = vector.broadcast %and3A_1941 : i32 to vector<16xi32>
        %and3A_1943 = arith.andi %get3A_1936, %and3A_1942 : vector<16xi32>
        %bitcast_convert_type3A_1944 = tpu.bitcast %and3A_1943 : vector<16xi32> -> vector<16xf32>
        %mul3A_1945 = vector.broadcast %squeeze3A_1927 : f32 to vector<16xf32>
        %mul3A_1946 = arith.mulf %mul3A_1945, %bitcast_convert_type3A_1940 : vector<16xf32>
        %add3A_1947 = arith.addf %add3A_1922, %mul3A_1946 : vector<16xf32>
        %mul3A_1948 = vector.broadcast %squeeze3A_1927 : f32 to vector<16xf32>
        %mul3A_1949 = arith.mulf %mul3A_1948, %bitcast_convert_type3A_1944 : vector<16xf32>
        %add3A_1950 = arith.addf %add3A_1925, %mul3A_1949 : vector<16xf32>
        %slice3A_1951 = vector.extract_strided_slice %bitcast_convert_type3A_363 {offsets = [15], sizes = [1], strides = [1]} : vector<16xf32> to vector<1xf32>
        %squeeze3A_1952 = vector.extract %slice3A_1951[0] : f32 from vector<1xf32>
        %get3A_1953 = arith.constant 1 : i32
        %get3A_1954 = arith.constant 0 : i32
        %get3A_1955 = arith.index_cast %rem3A_254 : i32 to index
        %get3A_1956 = arith.index_cast %get3A_1953 : i32 to index
        %get3A_1957 = arith.index_cast %add3A_1900 : i32 to index
        %get3A_1958 = arith.index_cast %get3A_1954 : i32 to index
        %get3A_1959 = arith.constant 0 : index
        %get3A_1960 = tpu.vector_load %arg8[%get3A_1955, %get3A_1956, %get3A_1957, %get3A_1958, %get3A_1959] {strides = array<i32>} : memref<3x2x128x2x16xi32, #tpu.memory_space<vmem>>, vector<1x1x1x1x16xi32>,
        %get3A_1961 = vector.shape_cast %get3A_1960 : vector<1x1x1x1x16xi32> to vector<16xi32>
        %shift_left3A_1962 = arith.constant 16 : i32
        %shift_left3A_1963 = vector.broadcast %shift_left3A_1962 : i32 to vector<16xi32>
        %shift_left3A_1964 = arith.shli %get3A_1961, %shift_left3A_1963 : vector<16xi32>
        %bitcast_convert_type3A_1965 = tpu.bitcast %shift_left3A_1964 : vector<16xi32> -> vector<16xf32>
        %and3A_1966 = arith.constant -65536 : i32
        %and3A_1967 = vector.broadcast %and3A_1966 : i32 to vector<16xi32>
        %and3A_1968 = arith.andi %get3A_1961, %and3A_1967 : vector<16xi32>
        %bitcast_convert_type3A_1969 = tpu.bitcast %and3A_1968 : vector<16xi32> -> vector<16xf32>
        %mul3A_1970 = vector.broadcast %squeeze3A_1952 : f32 to vector<16xf32>
        %mul3A_1971 = arith.mulf %mul3A_1970, %bitcast_convert_type3A_1965 : vector<16xf32>
        %add3A_1972 = arith.addf %add3A_1947, %mul3A_1971 : vector<16xf32>
        %mul3A_1973 = vector.broadcast %squeeze3A_1952 : f32 to vector<16xf32>
        %mul3A_1974 = arith.mulf %mul3A_1973, %bitcast_convert_type3A_1969 : vector<16xf32>
        %add3A_1975 = arith.addf %add3A_1950, %mul3A_1974 : vector<16xf32>
        %slice3A_1976 = vector.extract_strided_slice %bitcast_convert_type3A_367 {offsets = [15], sizes = [1], strides = [1]} : vector<16xf32> to vector<1xf32>
        %squeeze3A_1977 = vector.extract %slice3A_1976[0] : f32 from vector<1xf32>
        %get3A_1978 = arith.constant 1 : i32
        %get3A_1979 = arith.constant 1 : i32
        %get3A_1980 = arith.index_cast %rem3A_254 : i32 to index
        %get3A_1981 = arith.index_cast %get3A_1978 : i32 to index
        %get3A_1982 = arith.index_cast %add3A_1900 : i32 to index
        %get3A_1983 = arith.index_cast %get3A_1979 : i32 to index
        %get3A_1984 = arith.constant 0 : index
        %get3A_1985 = tpu.vector_load %arg8[%get3A_1980, %get3A_1981, %get3A_1982, %get3A_1983, %get3A_1984] {strides = array<i32>} : memref<3x2x128x2x16xi32, #tpu.memory_space<vmem>>, vector<1x1x1x1x16xi32>,
        %get3A_1986 = vector.shape_cast %get3A_1985 : vector<1x1x1x1x16xi32> to vector<16xi32>
        %shift_left3A_1987 = arith.constant 16 : i32
        %shift_left3A_1988 = vector.broadcast %shift_left3A_1987 : i32 to vector<16xi32>
        %shift_left3A_1989 = arith.shli %get3A_1986, %shift_left3A_1988 : vector<16xi32>
        %bitcast_convert_type3A_1990 = tpu.bitcast %shift_left3A_1989 : vector<16xi32> -> vector<16xf32>
        %and3A_1991 = arith.constant -65536 : i32
        %and3A_1992 = vector.broadcast %and3A_1991 : i32 to vector<16xi32>
        %and3A_1993 = arith.andi %get3A_1986, %and3A_1992 : vector<16xi32>
        %bitcast_convert_type3A_1994 = tpu.bitcast %and3A_1993 : vector<16xi32> -> vector<16xf32>
        %mul3A_1995 = vector.broadcast %squeeze3A_1977 : f32 to vector<16xf32>
        %mul3A_1996 = arith.mulf %mul3A_1995, %bitcast_convert_type3A_1990 : vector<16xf32>
        %add3A_1997 = arith.addf %add3A_1972, %mul3A_1996 : vector<16xf32>
        %mul3A_1998 = vector.broadcast %squeeze3A_1977 : f32 to vector<16xf32>
        %mul3A_1999 = arith.mulf %mul3A_1998, %bitcast_convert_type3A_1994 : vector<16xf32>
        %add3A_2000 = arith.addf %add3A_1975, %mul3A_1999 : vector<16xf32>
        %mul3A_2001 = arith.constant 32 : i32
        %mul3A_2002 = arith.muli %scan3A_341, %mul3A_2001 : i32
        %swap3A = arith.index_cast %rem3A_270 : i32 to index
        %swap3A_2003 = arith.index_cast %mul3A_2002 : i32 to index
        %swap3A_2004 = tpu.vector_load %arg9[%swap3A, %swap3A_2003] {strides = array<i32>} : memref<2x256xf32, #tpu.memory_space<vmem>>, vector<1x16xf32>,
        %swap3A_2005 = vector.shape_cast %swap3A_2004 : vector<1x16xf32> to vector<16xf32>
        %swap3A_2006 = vector.shape_cast %add3A_1997 : vector<16xf32> to vector<1x16xf32>
        tpu.vector_store %arg9[%swap3A, %swap3A_2003], %swap3A_2006 {strides = array<i32>} : memref<2x256xf32, #tpu.memory_space<vmem>>, vector<1x16xf32>,
        %mul3A_2007 = arith.constant 32 : i32
        %mul3A_2008 = arith.muli %scan3A_341, %mul3A_2007 : i32
        %add3A_2009 = arith.constant 16 : i32
        %add3A_2010 = arith.addi %mul3A_2008, %add3A_2009 : i32
        %swap3A_2011 = arith.index_cast %rem3A_270 : i32 to index
        %swap3A_2012 = arith.index_cast %add3A_2010 : i32 to index
        %swap3A_2013 = tpu.vector_load %arg9[%swap3A_2011, %swap3A_2012] {strides = array<i32>} : memref<2x256xf32, #tpu.memory_space<vmem>>, vector<1x16xf32>,
        %swap3A_2014 = vector.shape_cast %swap3A_2013 : vector<1x16xf32> to vector<16xf32>
        %swap3A_2015 = vector.shape_cast %add3A_2000 : vector<16xf32> to vector<1x16xf32>
        tpu.vector_store %arg9[%swap3A_2011, %swap3A_2012], %swap3A_2015 {strides = array<i32>} : memref<2x256xf32, #tpu.memory_space<vmem>>, vector<1x16xf32>,
      }
      %scan3A_324 = arith.constant 8 : i32
      %gt3A = arith.constant 0 : i32
      %gt3A_325 = arith.cmpi sgt, %scan3A_251, %gt3A : i32
      %convert_element_type3A_326 = arith.extui %gt3A_325 : i1 to i32
      %cond3A_327 = arith.constant 0 : i32
      %cond3A_328 = arith.cmpi ne, %convert_element_type3A_326, %cond3A_327 : i32
      scf.if %cond3A_328 {
        %sub3A_341 = arith.constant 1 : i32
        %sub3A_342 = arith.subi %add3A_252, %sub3A_341 : i32
        %dma_wait3A_343 = arith.constant 0 : i32
        %dma_wait3A_344 = tpu.memref_slice %arg9[%rem3A_274, %dma_wait3A_343] : memref<2x256xf32, #tpu.memory_space<vmem>> -> memref<1x256xf32, #tpu.memory_space<vmem>>
        %dma_wait3A_345 = tpu.memref_squeeze %dma_wait3A_344 : memref<1x256xf32, #tpu.memory_space<vmem>> -> memref<256xf32, #tpu.memory_space<vmem>>
        %dma_wait3A_346 = arith.constant 0 : i32
        %dma_wait3A_347 = tpu.memref_slice %arg5[%sub3A_342, %dma_wait3A_346] : memref<10880x256xf32, #tpu.memory_space<hbm>> -> memref<1x256xf32, #tpu.memory_space<hbm>>
        %dma_wait3A_348 = tpu.memref_squeeze %dma_wait3A_347 : memref<1x256xf32, #tpu.memory_space<hbm>> -> memref<256xf32, #tpu.memory_space<hbm>>
        %dma_wait3A_349 = arith.constant 0 : i32
        %dma_wait3A_350 = tpu.memref_slice %arg5[%sub3A_342, %dma_wait3A_349] : memref<10880x256xf32, #tpu.memory_space<hbm>> -> memref<1x256xf32, #tpu.memory_space<hbm>>
        %dma_wait3A_351 = tpu.memref_squeeze %dma_wait3A_350 : memref<1x256xf32, #tpu.memory_space<hbm>> -> memref<256xf32, #tpu.memory_space<hbm>>
        %dma_wait3A_352 = arith.constant 0 : i32
        %dma_wait3A_353 = tpu.memref_slice %arg9[%rem3A_274, %dma_wait3A_352] : memref<2x256xf32, #tpu.memory_space<vmem>> -> memref<1x256xf32, #tpu.memory_space<vmem>>
        %dma_wait3A_354 = tpu.memref_squeeze %dma_wait3A_353 : memref<1x256xf32, #tpu.memory_space<vmem>> -> memref<256xf32, #tpu.memory_space<vmem>>
        tpu.wait_dma2 semaphore(%arg13 : memref<!tpu.dma_semaphore, #tpu.memory_space<semaphore_mem>>) src(%dma_wait3A_354 : memref<256xf32, #tpu.memory_space<vmem>>) dst(%dma_wait3A_351 : memref<256xf32, #tpu.memory_space<hbm>>)
      } else {
      }
      %dma_start3A_329 = arith.constant 0 : i32
      %dma_start3A_330 = tpu.memref_slice %arg9[%rem3A_270, %dma_start3A_329] : memref<2x256xf32, #tpu.memory_space<vmem>> -> memref<1x256xf32, #tpu.memory_space<vmem>>
      %dma_start3A_331 = tpu.memref_squeeze %dma_start3A_330 : memref<1x256xf32, #tpu.memory_space<vmem>> -> memref<256xf32, #tpu.memory_space<vmem>>
      %dma_start3A_332 = arith.constant 0 : i32
      %dma_start3A_333 = tpu.memref_slice %arg5[%add3A_252, %dma_start3A_332] : memref<10880x256xf32, #tpu.memory_space<hbm>> -> memref<1x256xf32, #tpu.memory_space<hbm>>
      %dma_start3A_334 = tpu.memref_squeeze %dma_start3A_333 : memref<1x256xf32, #tpu.memory_space<hbm>> -> memref<256xf32, #tpu.memory_space<hbm>>
      %dma_start3A_335 = arith.constant 0 : i32
      %dma_start3A_336 = tpu.memref_slice %arg5[%add3A_252, %dma_start3A_335] : memref<10880x256xf32, #tpu.memory_space<hbm>> -> memref<1x256xf32, #tpu.memory_space<hbm>>
      %dma_start3A_337 = tpu.memref_squeeze %dma_start3A_336 : memref<1x256xf32, #tpu.memory_space<hbm>> -> memref<256xf32, #tpu.memory_space<hbm>>
      %dma_start3A_338 = arith.constant 0 : i32
      %dma_start3A_339 = tpu.memref_slice %arg9[%rem3A_270, %dma_start3A_338] : memref<2x256xf32, #tpu.memory_space<vmem>> -> memref<1x256xf32, #tpu.memory_space<vmem>>
      %dma_start3A_340 = tpu.memref_squeeze %dma_start3A_339 : memref<1x256xf32, #tpu.memory_space<vmem>> -> memref<256xf32, #tpu.memory_space<vmem>>
      tpu.enqueue_dma source(%dma_start3A_340 : memref<256xf32, #tpu.memory_space<vmem>>) target(%dma_start3A_337 : memref<256xf32, #tpu.memory_space<hbm>>) target_semaphore(%arg13 : memref<!tpu.dma_semaphore, #tpu.memory_space<semaphore_mem>>)
    }
    %scan3A_232 = arith.constant 340 : i32
    %rem3A_233 = arith.constant 339 : i32
    %rem3A_234 = arith.constant 2 : i32
    %rem3A_235 = arith.remsi %rem3A_233, %rem3A_234 : i32
    %add3A_236 = arith.constant 340 : i32
    %add3A_237 = arith.addi %add3A, %add3A_236 : i32
    %sub3A = arith.constant 1 : i32
    %sub3A_238 = arith.subi %add3A_237, %sub3A : i32
    %dma_wait3A_239 = arith.constant 0 : i32
    %dma_wait3A_240 = tpu.memref_slice %arg9[%rem3A_235, %dma_wait3A_239] : memref<2x256xf32, #tpu.memory_space<vmem>> -> memref<1x256xf32, #tpu.memory_space<vmem>>
    %dma_wait3A_241 = tpu.memref_squeeze %dma_wait3A_240 : memref<1x256xf32, #tpu.memory_space<vmem>> -> memref<256xf32, #tpu.memory_space<vmem>>
    %dma_wait3A_242 = arith.constant 0 : i32
    %dma_wait3A_243 = tpu.memref_slice %arg5[%sub3A_238, %dma_wait3A_242] : memref<10880x256xf32, #tpu.memory_space<hbm>> -> memref<1x256xf32, #tpu.memory_space<hbm>>
    %dma_wait3A_244 = tpu.memref_squeeze %dma_wait3A_243 : memref<1x256xf32, #tpu.memory_space<hbm>> -> memref<256xf32, #tpu.memory_space<hbm>>
    %dma_wait3A_245 = arith.constant 0 : i32
    %dma_wait3A_246 = tpu.memref_slice %arg5[%sub3A_238, %dma_wait3A_245] : memref<10880x256xf32, #tpu.memory_space<hbm>> -> memref<1x256xf32, #tpu.memory_space<hbm>>
    %dma_wait3A_247 = tpu.memref_squeeze %dma_wait3A_246 : memref<1x256xf32, #tpu.memory_space<hbm>> -> memref<256xf32, #tpu.memory_space<hbm>>
    %dma_wait3A_248 = arith.constant 0 : i32
    %dma_wait3A_249 = tpu.memref_slice %arg9[%rem3A_235, %dma_wait3A_248] : memref<2x256xf32, #tpu.memory_space<vmem>> -> memref<1x256xf32, #tpu.memory_space<vmem>>
    %dma_wait3A_250 = tpu.memref_squeeze %dma_wait3A_249 : memref<1x256xf32, #tpu.memory_space<vmem>> -> memref<256xf32, #tpu.memory_space<vmem>>
    tpu.wait_dma2 semaphore(%arg13 : memref<!tpu.dma_semaphore, #tpu.memory_space<semaphore_mem>>) src(%dma_wait3A_250 : memref<256xf32, #tpu.memory_space<vmem>>) dst(%dma_wait3A_247 : memref<256xf32, #tpu.memory_space<hbm>>)
    return
  }
}

module attributes {stable_mosaic.version = 14 : i64} {
  func.func @_stage_a_body(%arg0: i32, %arg1: memref<544x256xf32, #tpu.memory_space<vmem>>, %arg2: memref<544x1xf32, #tpu.memory_space<vmem>>, %arg3: memref<544x1xf32, #tpu.memory_space<vmem>>, %arg4: memref<256x128xf32, #tpu.memory_space<vmem>>, %arg5: memref<256x128xf32, #tpu.memory_space<vmem>>, %arg6: memref<1x128xf32, #tpu.memory_space<vmem>>, %arg7: memref<1x128xf32, #tpu.memory_space<vmem>>, %arg8: memref<256x128xf32, #tpu.memory_space<vmem>>, %arg9: memref<1x128xf32, #tpu.memory_space<vmem>>, %arg10: memref<128x8xf32, #tpu.memory_space<vmem>>, %arg11: memref<8x128xf32, #tpu.memory_space<vmem>>, %arg12: memref<4x128xf32, #tpu.memory_space<vmem>>, %arg13: memref<544x256xi32, #tpu.memory_space<vmem>>, %arg14: memref<544x256xi32, #tpu.memory_space<vmem>>) attributes {dimension_semantics = [#tpu.dimension_semantics<arbitrary>], iteration_bounds = array<i64: 20>, scalar_prefetch = 0 : i64, scratch_operands = 0 : i64, tpu.core_type = #tpu.core_type<tc>, window_params = [{transform_indices = @transform_0, window_bounds = array<i64: 544, 256>}, {transform_indices = @transform_1, window_bounds = array<i64: 544, 1>}, {transform_indices = @transform_2, window_bounds = array<i64: 544, 1>}, {pipeline_mode = #tpu.pipeline_mode<synchronous>, transform_indices = @transform_3, window_bounds = array<i64: 256, 128>}, {pipeline_mode = #tpu.pipeline_mode<synchronous>, transform_indices = @transform_4, window_bounds = array<i64: 256, 128>}, {pipeline_mode = #tpu.pipeline_mode<synchronous>, transform_indices = @transform_5, window_bounds = array<i64: 1, 128>}, {pipeline_mode = #tpu.pipeline_mode<synchronous>, transform_indices = @transform_6, window_bounds = array<i64: 1, 128>}, {pipeline_mode = #tpu.pipeline_mode<synchronous>, transform_indices = @transform_7, window_bounds = array<i64: 256, 128>}, {pipeline_mode = #tpu.pipeline_mode<synchronous>, transform_indices = @transform_8, window_bounds = array<i64: 1, 128>}, {pipeline_mode = #tpu.pipeline_mode<synchronous>, transform_indices = @transform_9, window_bounds = array<i64: 128, 8>}, {pipeline_mode = #tpu.pipeline_mode<synchronous>, transform_indices = @transform_10, window_bounds = array<i64: 8, 128>}, {pipeline_mode = #tpu.pipeline_mode<synchronous>, transform_indices = @transform_11, window_bounds = array<i64: 4, 128>}, {transform_indices = @transform_12, window_bounds = array<i64: 544, 256>}, {transform_indices = @transform_13, window_bounds = array<i64: 544, 256>}]} {
    %get3A = arith.constant 0 : index
    %get3A_0 = arith.constant 0 : index
    %get3A_1 = vector.load %arg1[%get3A, %get3A_0] : memref<544x256xf32, #tpu.memory_space<vmem>>, vector<544x256xf32>
    %get3A_2 = arith.constant 0 : index
    %get3A_3 = arith.constant 0 : index
    %get3A_4 = vector.load %arg4[%get3A_2, %get3A_3] : memref<256x128xf32, #tpu.memory_space<vmem>>, vector<256x128xf32>
    %dot_general3A = arith.constant dense<0.000000e+00> : vector<544x128xf32>
    %dot_general3A_5 = tpu.matmul %get3A_1, %get3A_4, %dot_general3A {dimension_numbers = #tpu.dot_dimension_numbers<[1], [0], [0], [1], [0, 0, 1, 1], [], []>, transpose_lhs_hint = false} : vector<544x256xf32>, vector<256x128xf32>, vector<544x128xf32> -> vector<544x128xf32>
    %get3A_6 = arith.constant 0 : index
    %get3A_7 = arith.constant 0 : index
    %get3A_8 = vector.load %arg6[%get3A_6, %get3A_7] : memref<1x128xf32, #tpu.memory_space<vmem>>, vector<1x128xf32>
    %add3A = vector.broadcast %get3A_8 : vector<1x128xf32> to vector<544x128xf32>
    %add3A_9 = arith.addf %dot_general3A_5, %add3A : vector<544x128xf32>
    %get3A_10 = arith.constant 0 : index
    %get3A_11 = arith.constant 0 : index
    %get3A_12 = vector.load %arg5[%get3A_10, %get3A_11] : memref<256x128xf32, #tpu.memory_space<vmem>>, vector<256x128xf32>
    %dot_general3A_13 = arith.constant dense<0.000000e+00> : vector<544x128xf32>
    %dot_general3A_14 = tpu.matmul %get3A_1, %get3A_12, %dot_general3A_13 {dimension_numbers = #tpu.dot_dimension_numbers<[1], [0], [0], [1], [0, 0, 1, 1], [], []>, transpose_lhs_hint = false} : vector<544x256xf32>, vector<256x128xf32>, vector<544x128xf32> -> vector<544x128xf32>
    %get3A_15 = arith.constant 0 : index
    %get3A_16 = arith.constant 0 : index
    %get3A_17 = vector.load %arg7[%get3A_15, %get3A_16] : memref<1x128xf32, #tpu.memory_space<vmem>>, vector<1x128xf32>
    %add3A_18 = vector.broadcast %get3A_17 : vector<1x128xf32> to vector<544x128xf32>
    %add3A_19 = arith.addf %dot_general3A_14, %add3A_18 : vector<544x128xf32>
    %get3A_20 = arith.constant 0 : index
    %get3A_21 = arith.constant 0 : index
    %get3A_22 = vector.load %arg8[%get3A_20, %get3A_21] : memref<256x128xf32, #tpu.memory_space<vmem>>, vector<256x128xf32>
    %dot_general3A_23 = arith.constant dense<0.000000e+00> : vector<544x128xf32>
    %dot_general3A_24 = tpu.matmul %get3A_1, %get3A_22, %dot_general3A_23 {dimension_numbers = #tpu.dot_dimension_numbers<[1], [0], [0], [1], [0, 0, 1, 1], [], []>, transpose_lhs_hint = false} : vector<544x256xf32>, vector<256x128xf32>, vector<544x128xf32> -> vector<544x128xf32>
    %get3A_25 = arith.constant 0 : index
    %get3A_26 = arith.constant 0 : index
    %get3A_27 = vector.load %arg9[%get3A_25, %get3A_26] : memref<1x128xf32, #tpu.memory_space<vmem>>, vector<1x128xf32>
    %add3A_28 = vector.broadcast %get3A_27 : vector<1x128xf32> to vector<544x128xf32>
    %add3A_29 = arith.addf %dot_general3A_24, %add3A_28 : vector<544x128xf32>
    %exp3A = math.exp %add3A_29 : vector<544x128xf32>
    %get3A_30 = arith.constant 0 : index
    %get3A_31 = arith.constant 0 : index
    %get3A_32 = vector.load %arg10[%get3A_30, %get3A_31] : memref<128x8xf32, #tpu.memory_space<vmem>>, vector<128x8xf32>
    %dot_general3A_33 = arith.constant dense<0.000000e+00> : vector<544x8xf32>
    %dot_general3A_34 = tpu.matmul %exp3A, %get3A_32, %dot_general3A_33 {dimension_numbers = #tpu.dot_dimension_numbers<[1], [0], [0], [1], [0, 0, 1, 1], [], []>, transpose_lhs_hint = false} : vector<544x128xf32>, vector<128x8xf32>, vector<544x8xf32> -> vector<544x8xf32>
    %get3A_35 = arith.constant 0 : index
    %get3A_36 = arith.constant 0 : index
    %get3A_37 = vector.load %arg11[%get3A_35, %get3A_36] : memref<8x128xf32, #tpu.memory_space<vmem>>, vector<8x128xf32>
    %dot_general3A_38 = arith.constant dense<0.000000e+00> : vector<544x128xf32>
    %dot_general3A_39 = tpu.matmul %dot_general3A_34, %get3A_37, %dot_general3A_38 {dimension_numbers = #tpu.dot_dimension_numbers<[1], [0], [0], [1], [0, 0, 1, 1], [], []>, transpose_lhs_hint = false} : vector<544x8xf32>, vector<8x128xf32>, vector<544x128xf32> -> vector<544x128xf32>
    %div3A = arith.divf %exp3A, %dot_general3A_39 : vector<544x128xf32>
    %get3A_40 = arith.constant 0 : index
    %get3A_41 = arith.constant 0 : index
    %get3A_42 = vector.load %arg12[%get3A_40, %get3A_41] : memref<4x128xf32, #tpu.memory_space<vmem>>, vector<1x128xf32>
    %get3A_43 = arith.constant 1 : index
    %get3A_44 = arith.constant 0 : index
    %get3A_45 = vector.load %arg12[%get3A_43, %get3A_44] : memref<4x128xf32, #tpu.memory_space<vmem>>, vector<1x128xf32>
    %get3A_46 = arith.constant 0 : index
    %get3A_47 = arith.constant 0 : index
    %get3A_48 = vector.load %arg2[%get3A_46, %get3A_47] : memref<544x1xf32, #tpu.memory_space<vmem>>, vector<544x1xf32>
    %mul3A = vector.broadcast %get3A_48 : vector<544x1xf32> to vector<544x128xf32>
    %mul3A_49 = vector.broadcast %get3A_42 : vector<1x128xf32> to vector<544x128xf32>
    %mul3A_50 = arith.mulf %mul3A, %mul3A_49 : vector<544x128xf32>
    %add3A_51 = arith.addf %mul3A_50, %add3A_9 : vector<544x128xf32>
    %sub3A = arith.constant 5.000000e-01 : f32
    %sub3A_52 = vector.broadcast %sub3A : f32 to vector<544x128xf32>
    %sub3A_53 = arith.subf %add3A_51, %sub3A_52 : vector<544x128xf32>
    %get3A_54 = arith.constant 0 : index
    %get3A_55 = arith.constant 0 : index
    %get3A_56 = vector.load %arg3[%get3A_54, %get3A_55] : memref<544x1xf32, #tpu.memory_space<vmem>>, vector<544x1xf32>
    %mul3A_57 = vector.broadcast %get3A_56 : vector<544x1xf32> to vector<544x128xf32>
    %mul3A_58 = vector.broadcast %get3A_45 : vector<1x128xf32> to vector<544x128xf32>
    %mul3A_59 = arith.mulf %mul3A_57, %mul3A_58 : vector<544x128xf32>
    %add3A_60 = arith.addf %mul3A_59, %add3A_19 : vector<544x128xf32>
    %sub3A_61 = arith.constant 5.000000e-01 : f32
    %sub3A_62 = vector.broadcast %sub3A_61 : f32 to vector<544x128xf32>
    %sub3A_63 = arith.subf %add3A_60, %sub3A_62 : vector<544x128xf32>
    %floor3A = math.floor %sub3A_53 : vector<544x128xf32>
    %floor3A_64 = math.floor %sub3A_63 : vector<544x128xf32>
    %sub3A_65 = arith.subf %sub3A_53, %floor3A : vector<544x128xf32>
    %sub3A_66 = arith.subf %sub3A_63, %floor3A_64 : vector<544x128xf32>
    %get3A_67 = arith.constant 2 : index
    %get3A_68 = arith.constant 0 : index
    %get3A_69 = vector.load %arg12[%get3A_67, %get3A_68] : memref<4x128xf32, #tpu.memory_space<vmem>>, vector<1x128xf32>
    %convert_element_type3A = arith.fptosi %get3A_69 : vector<1x128xf32> to vector<1x128xi32>
    %get3A_70 = arith.constant 3 : index
    %get3A_71 = arith.constant 0 : index
    %get3A_72 = vector.load %arg12[%get3A_70, %get3A_71] : memref<4x128xf32, #tpu.memory_space<vmem>>, vector<1x128xf32>
    %convert_element_type3A_73 = arith.fptosi %get3A_72 : vector<1x128xf32> to vector<1x128xi32>
    %convert_element_type3A_74 = arith.fptosi %get3A_42 : vector<1x128xf32> to vector<1x128xi32>
    %sub3A_75 = arith.constant 2.000000e+00 : f32
    %sub3A_76 = vector.broadcast %sub3A_75 : f32 to vector<1x128xf32>
    %sub3A_77 = arith.subf %get3A_42, %sub3A_76 : vector<1x128xf32>
    %jit3A = arith.constant 0.000000e+00 : f32
    %max3A = vector.broadcast %jit3A : f32 to vector<544x128xf32>
    %max3A_78 = arith.maximumf %max3A, %floor3A : vector<544x128xf32>
    %min3A = vector.broadcast %sub3A_77 : vector<1x128xf32> to vector<544x128xf32>
    %min3A_79 = arith.minimumf %min3A, %max3A_78 : vector<544x128xf32>
    %sub3A_80 = arith.constant 1.000000e+00 : f32
    %sub3A_81 = vector.broadcast %sub3A_80 : f32 to vector<1x128xf32>
    %sub3A_82 = arith.subf %get3A_42, %sub3A_81 : vector<1x128xf32>
    %jit3A_83 = arith.constant 0.000000e+00 : f32
    %max3A_84 = vector.broadcast %jit3A_83 : f32 to vector<544x128xf32>
    %max3A_85 = arith.maximumf %max3A_84, %floor3A : vector<544x128xf32>
    %min3A_86 = vector.broadcast %sub3A_82 : vector<1x128xf32> to vector<544x128xf32>
    %min3A_87 = arith.minimumf %min3A_86, %max3A_85 : vector<544x128xf32>
    %add3A_88 = arith.constant 1.000000e+00 : f32
    %add3A_89 = vector.broadcast %add3A_88 : f32 to vector<544x128xf32>
    %add3A_90 = arith.addf %floor3A, %add3A_89 : vector<544x128xf32>
    %sub3A_91 = arith.constant 1.000000e+00 : f32
    %sub3A_92 = vector.broadcast %sub3A_91 : f32 to vector<1x128xf32>
    %sub3A_93 = arith.subf %get3A_42, %sub3A_92 : vector<1x128xf32>
    %jit3A_94 = arith.constant 0.000000e+00 : f32
    %max3A_95 = vector.broadcast %jit3A_94 : f32 to vector<544x128xf32>
    %max3A_96 = arith.maximumf %max3A_95, %add3A_90 : vector<544x128xf32>
    %min3A_97 = vector.broadcast %sub3A_93 : vector<1x128xf32> to vector<544x128xf32>
    %min3A_98 = arith.minimumf %min3A_97, %max3A_96 : vector<544x128xf32>
    %ge3A = arith.constant 0.000000e+00 : f32
    %ge3A_99 = vector.broadcast %ge3A : f32 to vector<544x128xf32>
    %ge3A_100 = arith.cmpf oge, %floor3A, %ge3A_99 : vector<544x128xf32>
    %sub3A_101 = arith.constant 1.000000e+00 : f32
    %sub3A_102 = vector.broadcast %sub3A_101 : f32 to vector<1x128xf32>
    %sub3A_103 = arith.subf %get3A_42, %sub3A_102 : vector<1x128xf32>
    %le3A = vector.broadcast %sub3A_103 : vector<1x128xf32> to vector<544x128xf32>
    %le3A_104 = arith.cmpf ole, %floor3A, %le3A : vector<544x128xf32>
    %and3A = arith.andi %ge3A_100, %le3A_104 : vector<544x128xi1>
    %convert_element_type3A_105 = arith.extui %and3A : vector<544x128xi1> to vector<544x128xi32>
    %convert_element_type3A_106 = arith.sitofp %convert_element_type3A_105 : vector<544x128xi32> to vector<544x128xf32>
    %add3A_107 = arith.constant 1.000000e+00 : f32
    %add3A_108 = vector.broadcast %add3A_107 : f32 to vector<544x128xf32>
    %add3A_109 = arith.addf %floor3A, %add3A_108 : vector<544x128xf32>
    %ge3A_110 = arith.constant 0.000000e+00 : f32
    %ge3A_111 = vector.broadcast %ge3A_110 : f32 to vector<544x128xf32>
    %ge3A_112 = arith.cmpf oge, %add3A_109, %ge3A_111 : vector<544x128xf32>
    %add3A_113 = arith.constant 1.000000e+00 : f32
    %add3A_114 = vector.broadcast %add3A_113 : f32 to vector<544x128xf32>
    %add3A_115 = arith.addf %floor3A, %add3A_114 : vector<544x128xf32>
    %sub3A_116 = arith.constant 1.000000e+00 : f32
    %sub3A_117 = vector.broadcast %sub3A_116 : f32 to vector<1x128xf32>
    %sub3A_118 = arith.subf %get3A_42, %sub3A_117 : vector<1x128xf32>
    %le3A_119 = vector.broadcast %sub3A_118 : vector<1x128xf32> to vector<544x128xf32>
    %le3A_120 = arith.cmpf ole, %add3A_115, %le3A_119 : vector<544x128xf32>
    %and3A_121 = arith.andi %ge3A_112, %le3A_120 : vector<544x128xi1>
    %convert_element_type3A_122 = arith.extui %and3A_121 : vector<544x128xi1> to vector<544x128xi32>
    %convert_element_type3A_123 = arith.sitofp %convert_element_type3A_122 : vector<544x128xi32> to vector<544x128xf32>
    %eq3A = arith.cmpf oeq, %min3A_87, %min3A_79 : vector<544x128xf32>
    %convert_element_type3A_124 = arith.extui %eq3A : vector<544x128xi1> to vector<544x128xi32>
    %convert_element_type3A_125 = arith.sitofp %convert_element_type3A_124 : vector<544x128xi32> to vector<544x128xf32>
    %add3A_126 = arith.constant 1.000000e+00 : f32
    %add3A_127 = vector.broadcast %add3A_126 : f32 to vector<544x128xf32>
    %add3A_128 = arith.addf %min3A_79, %add3A_127 : vector<544x128xf32>
    %eq3A_129 = arith.cmpf oeq, %min3A_87, %add3A_128 : vector<544x128xf32>
    %convert_element_type3A_130 = arith.extui %eq3A_129 : vector<544x128xi1> to vector<544x128xi32>
    %convert_element_type3A_131 = arith.sitofp %convert_element_type3A_130 : vector<544x128xi32> to vector<544x128xf32>
    %eq3A_132 = arith.cmpf oeq, %min3A_98, %min3A_79 : vector<544x128xf32>
    %convert_element_type3A_133 = arith.extui %eq3A_132 : vector<544x128xi1> to vector<544x128xi32>
    %convert_element_type3A_134 = arith.sitofp %convert_element_type3A_133 : vector<544x128xi32> to vector<544x128xf32>
    %add3A_135 = arith.constant 1.000000e+00 : f32
    %add3A_136 = vector.broadcast %add3A_135 : f32 to vector<544x128xf32>
    %add3A_137 = arith.addf %min3A_79, %add3A_136 : vector<544x128xf32>
    %eq3A_138 = arith.cmpf oeq, %min3A_98, %add3A_137 : vector<544x128xf32>
    %convert_element_type3A_139 = arith.extui %eq3A_138 : vector<544x128xi1> to vector<544x128xi32>
    %convert_element_type3A_140 = arith.sitofp %convert_element_type3A_139 : vector<544x128xi32> to vector<544x128xf32>
    %convert_element_type3A_141 = arith.fptosi %min3A_79 : vector<544x128xf32> to vector<544x128xi32>
    %add3A_142 = arith.constant 0.000000e+00 : f32
    %add3A_143 = vector.broadcast %add3A_142 : f32 to vector<544x128xf32>
    %add3A_144 = arith.addf %floor3A_64, %add3A_143 : vector<544x128xf32>
    %ge3A_145 = arith.constant 0.000000e+00 : f32
    %ge3A_146 = vector.broadcast %ge3A_145 : f32 to vector<544x128xf32>
    %ge3A_147 = arith.cmpf oge, %add3A_144, %ge3A_146 : vector<544x128xf32>
    %sub3A_148 = arith.constant 1.000000e+00 : f32
    %sub3A_149 = vector.broadcast %sub3A_148 : f32 to vector<1x128xf32>
    %sub3A_150 = arith.subf %get3A_45, %sub3A_149 : vector<1x128xf32>
    %le3A_151 = vector.broadcast %sub3A_150 : vector<1x128xf32> to vector<544x128xf32>
    %le3A_152 = arith.cmpf ole, %add3A_144, %le3A_151 : vector<544x128xf32>
    %and3A_153 = arith.andi %ge3A_147, %le3A_152 : vector<544x128xi1>
    %convert_element_type3A_154 = arith.extui %and3A_153 : vector<544x128xi1> to vector<544x128xi32>
    %convert_element_type3A_155 = arith.sitofp %convert_element_type3A_154 : vector<544x128xi32> to vector<544x128xf32>
    %sub3A_156 = arith.constant 1.000000e+00 : f32
    %sub3A_157 = vector.broadcast %sub3A_156 : f32 to vector<1x128xf32>
    %sub3A_158 = arith.subf %get3A_45, %sub3A_157 : vector<1x128xf32>
    %jit3A_159 = arith.constant 0.000000e+00 : f32
    %max3A_160 = vector.broadcast %jit3A_159 : f32 to vector<544x128xf32>
    %max3A_161 = arith.maximumf %max3A_160, %add3A_144 : vector<544x128xf32>
    %min3A_162 = vector.broadcast %sub3A_158 : vector<1x128xf32> to vector<544x128xf32>
    %min3A_163 = arith.minimumf %min3A_162, %max3A_161 : vector<544x128xf32>
    %convert_element_type3A_164 = arith.fptosi %min3A_163 : vector<544x128xf32> to vector<544x128xi32>
    %sub3A_165 = arith.constant 1.000000e+00 : f32
    %sub3A_166 = vector.broadcast %sub3A_165 : f32 to vector<544x128xf32>
    %sub3A_167 = arith.subf %sub3A_166, %sub3A_66 : vector<544x128xf32>
    %mul3A_168 = arith.mulf %div3A, %sub3A_167 : vector<544x128xf32>
    %sub3A_169 = arith.constant 1.000000e+00 : f32
    %sub3A_170 = vector.broadcast %sub3A_169 : f32 to vector<544x128xf32>
    %sub3A_171 = arith.subf %sub3A_170, %sub3A_65 : vector<544x128xf32>
    %mul3A_172 = arith.mulf %mul3A_168, %sub3A_171 : vector<544x128xf32>
    %mul3A_173 = arith.mulf %mul3A_172, %convert_element_type3A_106 : vector<544x128xf32>
    %mul3A_174 = arith.mulf %mul3A_173, %convert_element_type3A_155 : vector<544x128xf32>
    %mul3A_175 = arith.mulf %mul3A_168, %sub3A_65 : vector<544x128xf32>
    %mul3A_176 = arith.mulf %mul3A_175, %convert_element_type3A_123 : vector<544x128xf32>
    %mul3A_177 = arith.mulf %mul3A_176, %convert_element_type3A_155 : vector<544x128xf32>
    %mul3A_178 = arith.mulf %mul3A_174, %convert_element_type3A_125 : vector<544x128xf32>
    %mul3A_179 = arith.mulf %mul3A_177, %convert_element_type3A_134 : vector<544x128xf32>
    %add3A_180 = arith.addf %mul3A_178, %mul3A_179 : vector<544x128xf32>
    %mul3A_181 = arith.mulf %mul3A_174, %convert_element_type3A_131 : vector<544x128xf32>
    %mul3A_182 = arith.mulf %mul3A_177, %convert_element_type3A_140 : vector<544x128xf32>
    %add3A_183 = arith.addf %mul3A_181, %mul3A_182 : vector<544x128xf32>
    %mul3A_184 = vector.broadcast %convert_element_type3A_74 : vector<1x128xi32> to vector<544x128xi32>
    %mul3A_185 = arith.muli %convert_element_type3A_164, %mul3A_184 : vector<544x128xi32>
    %add3A_186 = vector.broadcast %convert_element_type3A : vector<1x128xi32> to vector<544x128xi32>
    %add3A_187 = arith.addi %add3A_186, %mul3A_185 : vector<544x128xi32>
    %add3A_188 = arith.addi %add3A_187, %convert_element_type3A_141 : vector<544x128xi32>
    %and3A_189 = arith.constant 1 : i32
    %and3A_190 = vector.broadcast %and3A_189 : i32 to vector<544x128xi32>
    %and3A_191 = arith.andi %add3A_188, %and3A_190 : vector<544x128xi32>
    %mul3A_192 = arith.constant 21760 : i32
    %mul3A_193 = vector.broadcast %mul3A_192 : i32 to vector<544x128xi32>
    %mul3A_194 = arith.muli %and3A_191, %mul3A_193 : vector<544x128xi32>
    %mul3A_195 = arith.constant 2720 : i32
    %mul3A_196 = vector.broadcast %mul3A_195 : i32 to vector<1x128xi32>
    %mul3A_197 = arith.muli %convert_element_type3A_73, %mul3A_196 : vector<1x128xi32>
    %add3A_198 = vector.broadcast %mul3A_197 : vector<1x128xi32> to vector<544x128xi32>
    %add3A_199 = arith.addi %mul3A_194, %add3A_198 : vector<544x128xi32>
    %shift_right_logical3A = arith.constant 1 : i32
    %shift_right_logical3A_200 = vector.broadcast %shift_right_logical3A : i32 to vector<544x128xi32>
    %shift_right_logical3A_201 = arith.shrui %add3A_188, %shift_right_logical3A_200 : vector<544x128xi32>
    %add3A_202 = arith.addi %add3A_199, %shift_right_logical3A_201 : vector<544x128xi32>
    %add3A_203 = arith.constant 1.000000e+00 : f32
    %add3A_204 = vector.broadcast %add3A_203 : f32 to vector<544x128xf32>
    %add3A_205 = arith.addf %floor3A_64, %add3A_204 : vector<544x128xf32>
    %ge3A_206 = arith.constant 0.000000e+00 : f32
    %ge3A_207 = vector.broadcast %ge3A_206 : f32 to vector<544x128xf32>
    %ge3A_208 = arith.cmpf oge, %add3A_205, %ge3A_207 : vector<544x128xf32>
    %sub3A_209 = arith.constant 1.000000e+00 : f32
    %sub3A_210 = vector.broadcast %sub3A_209 : f32 to vector<1x128xf32>
    %sub3A_211 = arith.subf %get3A_45, %sub3A_210 : vector<1x128xf32>
    %le3A_212 = vector.broadcast %sub3A_211 : vector<1x128xf32> to vector<544x128xf32>
    %le3A_213 = arith.cmpf ole, %add3A_205, %le3A_212 : vector<544x128xf32>
    %and3A_214 = arith.andi %ge3A_208, %le3A_213 : vector<544x128xi1>
    %convert_element_type3A_215 = arith.extui %and3A_214 : vector<544x128xi1> to vector<544x128xi32>
    %convert_element_type3A_216 = arith.sitofp %convert_element_type3A_215 : vector<544x128xi32> to vector<544x128xf32>
    %sub3A_217 = arith.constant 1.000000e+00 : f32
    %sub3A_218 = vector.broadcast %sub3A_217 : f32 to vector<1x128xf32>
    %sub3A_219 = arith.subf %get3A_45, %sub3A_218 : vector<1x128xf32>
    %jit3A_220 = arith.constant 0.000000e+00 : f32
    %max3A_221 = vector.broadcast %jit3A_220 : f32 to vector<544x128xf32>
    %max3A_222 = arith.maximumf %max3A_221, %add3A_205 : vector<544x128xf32>
    %min3A_223 = vector.broadcast %sub3A_219 : vector<1x128xf32> to vector<544x128xf32>
    %min3A_224 = arith.minimumf %min3A_223, %max3A_222 : vector<544x128xf32>
    %convert_element_type3A_225 = arith.fptosi %min3A_224 : vector<544x128xf32> to vector<544x128xi32>
    %mul3A_226 = arith.mulf %div3A, %sub3A_66 : vector<544x128xf32>
    %sub3A_227 = arith.constant 1.000000e+00 : f32
    %sub3A_228 = vector.broadcast %sub3A_227 : f32 to vector<544x128xf32>
    %sub3A_229 = arith.subf %sub3A_228, %sub3A_65 : vector<544x128xf32>
    %mul3A_230 = arith.mulf %mul3A_226, %sub3A_229 : vector<544x128xf32>
    %mul3A_231 = arith.mulf %mul3A_230, %convert_element_type3A_106 : vector<544x128xf32>
    %mul3A_232 = arith.mulf %mul3A_231, %convert_element_type3A_216 : vector<544x128xf32>
    %mul3A_233 = arith.mulf %mul3A_226, %sub3A_65 : vector<544x128xf32>
    %mul3A_234 = arith.mulf %mul3A_233, %convert_element_type3A_123 : vector<544x128xf32>
    %mul3A_235 = arith.mulf %mul3A_234, %convert_element_type3A_216 : vector<544x128xf32>
    %mul3A_236 = arith.mulf %mul3A_232, %convert_element_type3A_125 : vector<544x128xf32>
    %mul3A_237 = arith.mulf %mul3A_235, %convert_element_type3A_134 : vector<544x128xf32>
    %add3A_238 = arith.addf %mul3A_236, %mul3A_237 : vector<544x128xf32>
    %mul3A_239 = arith.mulf %mul3A_232, %convert_element_type3A_131 : vector<544x128xf32>
    %mul3A_240 = arith.mulf %mul3A_235, %convert_element_type3A_140 : vector<544x128xf32>
    %add3A_241 = arith.addf %mul3A_239, %mul3A_240 : vector<544x128xf32>
    %mul3A_242 = vector.broadcast %convert_element_type3A_74 : vector<1x128xi32> to vector<544x128xi32>
    %mul3A_243 = arith.muli %convert_element_type3A_225, %mul3A_242 : vector<544x128xi32>
    %add3A_244 = vector.broadcast %convert_element_type3A : vector<1x128xi32> to vector<544x128xi32>
    %add3A_245 = arith.addi %add3A_244, %mul3A_243 : vector<544x128xi32>
    %add3A_246 = arith.addi %add3A_245, %convert_element_type3A_141 : vector<544x128xi32>
    %and3A_247 = arith.constant 1 : i32
    %and3A_248 = vector.broadcast %and3A_247 : i32 to vector<544x128xi32>
    %and3A_249 = arith.andi %add3A_246, %and3A_248 : vector<544x128xi32>
    %mul3A_250 = arith.constant 21760 : i32
    %mul3A_251 = vector.broadcast %mul3A_250 : i32 to vector<544x128xi32>
    %mul3A_252 = arith.muli %and3A_249, %mul3A_251 : vector<544x128xi32>
    %mul3A_253 = arith.constant 2720 : i32
    %mul3A_254 = vector.broadcast %mul3A_253 : i32 to vector<1x128xi32>
    %mul3A_255 = arith.muli %convert_element_type3A_73, %mul3A_254 : vector<1x128xi32>
    %add3A_256 = vector.broadcast %mul3A_255 : vector<1x128xi32> to vector<544x128xi32>
    %add3A_257 = arith.addi %mul3A_252, %add3A_256 : vector<544x128xi32>
    %shift_right_logical3A_258 = arith.constant 1 : i32
    %shift_right_logical3A_259 = vector.broadcast %shift_right_logical3A_258 : i32 to vector<544x128xi32>
    %shift_right_logical3A_260 = arith.shrui %add3A_246, %shift_right_logical3A_259 : vector<544x128xi32>
    %add3A_261 = arith.addi %add3A_257, %shift_right_logical3A_260 : vector<544x128xi32>
    %concatenate3A = tpu.concatenate %add3A_202, %add3A_261 in 1 : vector<544x128xi32>, vector<544x128xi32> -> vector<544x256xi32>
    %swap3A = arith.constant 0 : index
    %swap3A_262 = arith.constant 0 : index
    %swap3A_263 = vector.load %arg13[%swap3A, %swap3A_262] : memref<544x256xi32, #tpu.memory_space<vmem>>, vector<544x256xi32>
    tpu.vector_store %arg13[%swap3A, %swap3A_262], %concatenate3A {strides = array<i32>} : memref<544x256xi32, #tpu.memory_space<vmem>>, vector<544x256xi32>,
    %convert_element_type3A_264 = arith.truncf %add3A_180 : vector<544x128xf32> to vector<544x128xbf16>
    %convert_element_type3A_265 = arith.extf %convert_element_type3A_264 : vector<544x128xbf16> to vector<544x128xf32>
    %bitcast_convert_type3A = tpu.bitcast %convert_element_type3A_265 : vector<544x128xf32> -> vector<544x128xi32>
    %convert_element_type3A_266 = arith.truncf %add3A_183 : vector<544x128xf32> to vector<544x128xbf16>
    %convert_element_type3A_267 = arith.extf %convert_element_type3A_266 : vector<544x128xbf16> to vector<544x128xf32>
    %bitcast_convert_type3A_268 = tpu.bitcast %convert_element_type3A_267 : vector<544x128xf32> -> vector<544x128xi32>
    %shift_right_logical3A_269 = arith.constant 16 : i32
    %shift_right_logical3A_270 = vector.broadcast %shift_right_logical3A_269 : i32 to vector<544x128xi32>
    %shift_right_logical3A_271 = arith.shrui %bitcast_convert_type3A, %shift_right_logical3A_270 : vector<544x128xi32>
    %and3A_272 = arith.constant -65536 : i32
    %and3A_273 = vector.broadcast %and3A_272 : i32 to vector<544x128xi32>
    %and3A_274 = arith.andi %bitcast_convert_type3A_268, %and3A_273 : vector<544x128xi32>
    %or3A = arith.ori %shift_right_logical3A_271, %and3A_274 : vector<544x128xi32>
    %bitcast_convert_type3A_275 = tpu.bitcast %or3A : vector<544x128xi32> -> vector<544x128xi32>
    %convert_element_type3A_276 = arith.truncf %add3A_238 : vector<544x128xf32> to vector<544x128xbf16>
    %convert_element_type3A_277 = arith.extf %convert_element_type3A_276 : vector<544x128xbf16> to vector<544x128xf32>
    %bitcast_convert_type3A_278 = tpu.bitcast %convert_element_type3A_277 : vector<544x128xf32> -> vector<544x128xi32>
    %convert_element_type3A_279 = arith.truncf %add3A_241 : vector<544x128xf32> to vector<544x128xbf16>
    %convert_element_type3A_280 = arith.extf %convert_element_type3A_279 : vector<544x128xbf16> to vector<544x128xf32>
    %bitcast_convert_type3A_281 = tpu.bitcast %convert_element_type3A_280 : vector<544x128xf32> -> vector<544x128xi32>
    %shift_right_logical3A_282 = arith.constant 16 : i32
    %shift_right_logical3A_283 = vector.broadcast %shift_right_logical3A_282 : i32 to vector<544x128xi32>
    %shift_right_logical3A_284 = arith.shrui %bitcast_convert_type3A_278, %shift_right_logical3A_283 : vector<544x128xi32>
    %and3A_285 = arith.constant -65536 : i32
    %and3A_286 = vector.broadcast %and3A_285 : i32 to vector<544x128xi32>
    %and3A_287 = arith.andi %bitcast_convert_type3A_281, %and3A_286 : vector<544x128xi32>
    %or3A_288 = arith.ori %shift_right_logical3A_284, %and3A_287 : vector<544x128xi32>
    %bitcast_convert_type3A_289 = tpu.bitcast %or3A_288 : vector<544x128xi32> -> vector<544x128xi32>
    %concatenate3A_290 = tpu.concatenate %bitcast_convert_type3A_275, %bitcast_convert_type3A_289 in 1 : vector<544x128xi32>, vector<544x128xi32> -> vector<544x256xi32>
    %swap3A_291 = arith.constant 0 : index
    %swap3A_292 = arith.constant 0 : index
    %swap3A_293 = vector.load %arg14[%swap3A_291, %swap3A_292] : memref<544x256xi32, #tpu.memory_space<vmem>>, vector<544x256xi32>
    tpu.vector_store %arg14[%swap3A_291, %swap3A_292], %concatenate3A_290 {strides = array<i32>} : memref<544x256xi32, #tpu.memory_space<vmem>>, vector<544x256xi32>,
    return
  }
  func.func @transform_0(%arg0: i32) -> (i32, i32) {
    %c0_i32 = arith.constant 0 : i32
    %c0_i32_0 = arith.constant 0 : i32
    return %arg0, %c0_i32 : i32, i32
  }
  func.func @transform_1(%arg0: i32) -> (i32, i32) {
    %c0_i32 = arith.constant 0 : i32
    %c0_i32_0 = arith.constant 0 : i32
    return %arg0, %c0_i32 : i32, i32
  }
  func.func @transform_2(%arg0: i32) -> (i32, i32) {
    %c0_i32 = arith.constant 0 : i32
    %c0_i32_0 = arith.constant 0 : i32
    return %arg0, %c0_i32 : i32, i32
  }
  func.func @transform_3(%arg0: i32) -> (i32, i32) {
    %c0_i32 = arith.constant 0 : i32
    %c0_i32_0 = arith.constant 0 : i32
    %c0_i32_1 = arith.constant 0 : i32
    return %c0_i32, %c0_i32_0 : i32, i32
  }
  func.func @transform_4(%arg0: i32) -> (i32, i32) {
    %c0_i32 = arith.constant 0 : i32
    %c0_i32_0 = arith.constant 0 : i32
    %c0_i32_1 = arith.constant 0 : i32
    return %c0_i32, %c0_i32_0 : i32, i32
  }
  func.func @transform_5(%arg0: i32) -> (i32, i32) {
    %c0_i32 = arith.constant 0 : i32
    %c0_i32_0 = arith.constant 0 : i32
    %c0_i32_1 = arith.constant 0 : i32
    return %c0_i32, %c0_i32_0 : i32, i32
  }
  func.func @transform_6(%arg0: i32) -> (i32, i32) {
    %c0_i32 = arith.constant 0 : i32
    %c0_i32_0 = arith.constant 0 : i32
    %c0_i32_1 = arith.constant 0 : i32
    return %c0_i32, %c0_i32_0 : i32, i32
  }
  func.func @transform_7(%arg0: i32) -> (i32, i32) {
    %c0_i32 = arith.constant 0 : i32
    %c0_i32_0 = arith.constant 0 : i32
    %c0_i32_1 = arith.constant 0 : i32
    return %c0_i32, %c0_i32_0 : i32, i32
  }
  func.func @transform_8(%arg0: i32) -> (i32, i32) {
    %c0_i32 = arith.constant 0 : i32
    %c0_i32_0 = arith.constant 0 : i32
    %c0_i32_1 = arith.constant 0 : i32
    return %c0_i32, %c0_i32_0 : i32, i32
  }
  func.func @transform_9(%arg0: i32) -> (i32, i32) {
    %c0_i32 = arith.constant 0 : i32
    %c0_i32_0 = arith.constant 0 : i32
    %c0_i32_1 = arith.constant 0 : i32
    return %c0_i32, %c0_i32_0 : i32, i32
  }
  func.func @transform_10(%arg0: i32) -> (i32, i32) {
    %c0_i32 = arith.constant 0 : i32
    %c0_i32_0 = arith.constant 0 : i32
    %c0_i32_1 = arith.constant 0 : i32
    return %c0_i32, %c0_i32_0 : i32, i32
  }
  func.func @transform_11(%arg0: i32) -> (i32, i32) {
    %c0_i32 = arith.constant 0 : i32
    %c0_i32_0 = arith.constant 0 : i32
    %c0_i32_1 = arith.constant 0 : i32
    return %c0_i32, %c0_i32_0 : i32, i32
  }
  func.func @transform_12(%arg0: i32) -> (i32, i32) {
    %c0_i32 = arith.constant 0 : i32
    %c0_i32_0 = arith.constant 0 : i32
    return %arg0, %c0_i32 : i32, i32
  }
  func.func @transform_13(%arg0: i32) -> (i32, i32) {
    %c0_i32 = arith.constant 0 : i32
    %c0_i32_0 = arith.constant 0 : i32
    return %arg0, %c0_i32 : i32, i32
  }
}

module attributes {stable_mosaic.version = 14 : i64} {
  func.func @_pack_body(%arg0: i32, %arg1: memref<544x256xf32, #tpu.memory_space<vmem>>, %arg2: memref<256x128xf32, #tpu.memory_space<vmem>>, %arg3: memref<256x128xf32, #tpu.memory_space<vmem>>, %arg4: memref<544x128xi32, #tpu.memory_space<vmem>>) attributes {dimension_semantics = [#tpu.dimension_semantics<arbitrary>], iteration_bounds = array<i64: 20>, scalar_prefetch = 0 : i64, scratch_operands = 0 : i64, tpu.core_type = #tpu.core_type<tc>, window_params = [{transform_indices = @transform_0, window_bounds = array<i64: 544, 256>}, {pipeline_mode = #tpu.pipeline_mode<synchronous>, transform_indices = @transform_1, window_bounds = array<i64: 256, 128>}, {pipeline_mode = #tpu.pipeline_mode<synchronous>, transform_indices = @transform_2, window_bounds = array<i64: 256, 128>}, {transform_indices = @transform_3, window_bounds = array<i64: 544, 128>}]} {
    %get3A = arith.constant 0 : index
    %get3A_0 = arith.constant 0 : index
    %get3A_1 = vector.load %arg1[%get3A, %get3A_0] : memref<544x256xf32, #tpu.memory_space<vmem>>, vector<544x256xf32>
    %get3A_2 = arith.constant 0 : index
    %get3A_3 = arith.constant 0 : index
    %get3A_4 = vector.load %arg2[%get3A_2, %get3A_3] : memref<256x128xf32, #tpu.memory_space<vmem>>, vector<256x128xf32>
    %dot_general3A = arith.constant dense<0.000000e+00> : vector<544x128xf32>
    %dot_general3A_5 = tpu.matmul %get3A_1, %get3A_4, %dot_general3A {dimension_numbers = #tpu.dot_dimension_numbers<[1], [0], [0], [1], [0, 0, 1, 1], [], []>, transpose_lhs_hint = false} : vector<544x256xf32>, vector<256x128xf32>, vector<544x128xf32> -> vector<544x128xf32>
    %get3A_6 = arith.constant 0 : index
    %get3A_7 = arith.constant 0 : index
    %get3A_8 = vector.load %arg3[%get3A_6, %get3A_7] : memref<256x128xf32, #tpu.memory_space<vmem>>, vector<256x128xf32>
    %dot_general3A_9 = arith.constant dense<0.000000e+00> : vector<544x128xf32>
    %dot_general3A_10 = tpu.matmul %get3A_1, %get3A_8, %dot_general3A_9 {dimension_numbers = #tpu.dot_dimension_numbers<[1], [0], [0], [1], [0, 0, 1, 1], [], []>, transpose_lhs_hint = false} : vector<544x256xf32>, vector<256x128xf32>, vector<544x128xf32> -> vector<544x128xf32>
    %convert_element_type3A = arith.truncf %dot_general3A_5 : vector<544x128xf32> to vector<544x128xbf16>
    %convert_element_type3A_11 = arith.extf %convert_element_type3A : vector<544x128xbf16> to vector<544x128xf32>
    %bitcast_convert_type3A = tpu.bitcast %convert_element_type3A_11 : vector<544x128xf32> -> vector<544x128xi32>
    %convert_element_type3A_12 = arith.truncf %dot_general3A_10 : vector<544x128xf32> to vector<544x128xbf16>
    %convert_element_type3A_13 = arith.extf %convert_element_type3A_12 : vector<544x128xbf16> to vector<544x128xf32>
    %bitcast_convert_type3A_14 = tpu.bitcast %convert_element_type3A_13 : vector<544x128xf32> -> vector<544x128xi32>
    %shift_right_logical3A = arith.constant 16 : i32
    %shift_right_logical3A_15 = vector.broadcast %shift_right_logical3A : i32 to vector<544x128xi32>
    %shift_right_logical3A_16 = arith.shrui %bitcast_convert_type3A, %shift_right_logical3A_15 : vector<544x128xi32>
    %or3A = arith.ori %bitcast_convert_type3A_14, %shift_right_logical3A_16 : vector<544x128xi32>
    %bitcast_convert_type3A_17 = tpu.bitcast %or3A : vector<544x128xi32> -> vector<544x128xi32>
    %swap3A = arith.constant 0 : index
    %swap3A_18 = arith.constant 0 : index
    %swap3A_19 = vector.load %arg4[%swap3A, %swap3A_18] : memref<544x128xi32, #tpu.memory_space<vmem>>, vector<544x128xi32>
    tpu.vector_store %arg4[%swap3A, %swap3A_18], %bitcast_convert_type3A_17 {strides = array<i32>} : memref<544x128xi32, #tpu.memory_space<vmem>>, vector<544x128xi32>,
    return
  }
  func.func @transform_0(%arg0: i32) -> (i32, i32) {
    %c0_i32 = arith.constant 0 : i32
    %c0_i32_0 = arith.constant 0 : i32
    return %arg0, %c0_i32 : i32, i32
  }
  func.func @transform_1(%arg0: i32) -> (i32, i32) {
    %c0_i32 = arith.constant 0 : i32
    %c0_i32_0 = arith.constant 0 : i32
    %c0_i32_1 = arith.constant 0 : i32
    return %c0_i32, %c0_i32_0 : i32, i32
  }
  func.func @transform_2(%arg0: i32) -> (i32, i32) {
    %c0_i32 = arith.constant 0 : i32
    %c0_i32_0 = arith.constant 0 : i32
    %c0_i32_1 = arith.constant 0 : i32
    return %c0_i32, %c0_i32_0 : i32, i32
  }
  func.func @transform_3(%arg0: i32) -> (i32, i32) {
    %c0_i32 = arith.constant 0 : i32
    %c0_i32_0 = arith.constant 0 : i32
    return %arg0, %c0_i32 : i32, i32
  }
}

module attributes {stable_mosaic.version = 14 : i64} {
  func.func @_stage_c_body(%arg0: i32, %arg1: memref<544x256xf32, #tpu.memory_space<vmem>>, %arg2: memref<256x256xf32, #tpu.memory_space<vmem>>, %arg3: memref<1x256xf32, #tpu.memory_space<vmem>>, %arg4: memref<544x256xf32, #tpu.memory_space<vmem>>) attributes {dimension_semantics = [#tpu.dimension_semantics<arbitrary>], iteration_bounds = array<i64: 20>, scalar_prefetch = 0 : i64, scratch_operands = 0 : i64, tpu.core_type = #tpu.core_type<tc>, window_params = [{transform_indices = @transform_0, window_bounds = array<i64: 544, 256>}, {pipeline_mode = #tpu.pipeline_mode<synchronous>, transform_indices = @transform_1, window_bounds = array<i64: 256, 256>}, {pipeline_mode = #tpu.pipeline_mode<synchronous>, transform_indices = @transform_2, window_bounds = array<i64: 1, 256>}, {transform_indices = @transform_3, window_bounds = array<i64: 544, 256>}]} {
    %get3A = arith.constant 0 : index
    %get3A_0 = arith.constant 0 : index
    %get3A_1 = vector.load %arg1[%get3A, %get3A_0] : memref<544x256xf32, #tpu.memory_space<vmem>>, vector<544x256xf32>
    %get3A_2 = arith.constant 0 : index
    %get3A_3 = arith.constant 0 : index
    %get3A_4 = vector.load %arg2[%get3A_2, %get3A_3] : memref<256x256xf32, #tpu.memory_space<vmem>>, vector<256x256xf32>
    %dot_general3A = arith.constant dense<0.000000e+00> : vector<544x256xf32>
    %dot_general3A_5 = tpu.matmul %get3A_1, %get3A_4, %dot_general3A {dimension_numbers = #tpu.dot_dimension_numbers<[1], [0], [0], [1], [0, 0, 1, 1], [], []>, transpose_lhs_hint = false} : vector<544x256xf32>, vector<256x256xf32>, vector<544x256xf32> -> vector<544x256xf32>
    %get3A_6 = arith.constant 0 : index
    %get3A_7 = arith.constant 0 : index
    %get3A_8 = vector.load %arg3[%get3A_6, %get3A_7] : memref<1x256xf32, #tpu.memory_space<vmem>>, vector<1x256xf32>
    %add3A = vector.broadcast %get3A_8 : vector<1x256xf32> to vector<544x256xf32>
    %add3A_9 = arith.addf %dot_general3A_5, %add3A : vector<544x256xf32>
    %swap3A = arith.constant 0 : index
    %swap3A_10 = arith.constant 0 : index
    %swap3A_11 = vector.load %arg4[%swap3A, %swap3A_10] : memref<544x256xf32, #tpu.memory_space<vmem>>, vector<544x256xf32>
    tpu.vector_store %arg4[%swap3A, %swap3A_10], %add3A_9 {strides = array<i32>} : memref<544x256xf32, #tpu.memory_space<vmem>>, vector<544x256xf32>,
    return
  }
  func.func @transform_0(%arg0: i32) -> (i32, i32) {
    %c0_i32 = arith.constant 0 : i32
    %c0_i32_0 = arith.constant 0 : i32
    return %arg0, %c0_i32 : i32, i32
  }
  func.func @transform_1(%arg0: i32) -> (i32, i32) {
    %c0_i32 = arith.constant 0 : i32
    %c0_i32_0 = arith.constant 0 : i32
    %c0_i32_1 = arith.constant 0 : i32
    return %c0_i32, %c0_i32_0 : i32, i32
  }
  func.func @transform_2(%arg0: i32) -> (i32, i32) {
    %c0_i32 = arith.constant 0 : i32
    %c0_i32_0 = arith.constant 0 : i32
    %c0_i32_1 = arith.constant 0 : i32
    return %c0_i32, %c0_i32_0 : i32, i32
  }
  func.func @transform_3(%arg0: i32) -> (i32, i32) {
    %c0_i32 = arith.constant 0 : i32
    %c0_i32_0 = arith.constant 0 : i32
    return %arg0, %c0_i32 : i32, i32
  }
}

</mosaic_0001>

<sc_bundles>
// kernel: kernel.6.cloned.1.call-start
scs
__scs_entry_jumppad:
0x0: {  	(pc) =	sbr.rel $0x88, $3  }
0x1: {  	(tag) =	ssettag $0x0;
	lr =	simm.s32 $0x1  }
0x2: {  	[smem:$0x3F98] =	sst lr;
	_ =	strace $0xD0000000  }
0x3: {  	_ = 	snop  }
0x4: {  	_ = 	snop  }
0x5: {  	_ = 	snop  }
0x6: {  	_ = 	snop  }
0x7: {  	_ = 	snop  }
__scs_overlays_trampoline_lowered:
0x8: {  	[smem:$0x3FA7] =	sst s0  }
0x9: {  	[smem:$0x3FA8] =	sst s1  }
0xa: {  	[smem:$0x3FA9] =	sst s2  }
0xb: {  	[smem:$0x3FAA] =	sst s3  }
0xc: {  	[smem:$0x3FAB] =	sst s4  }
0xd: {  	[smem:$0x3FAC] =	sst s5  }
0xe: {  	[smem:$0x3FAD] =	sst s6  }
0xf: {  	[smem:$0x3FAE] =	sst s7  }
0x10: {  	[smem:$0x3FAF] =	sst s8  }
0x11: {  	[smem:$0x3FB0] =	sst s9;
	s0 =	simm.s32 @!p0 $0x0  }
0x12: {  	s1 =	sld [smem:$0x3F96];
	s0 =	simm.s32 @p0 $0x1  }
0x13: {  	[smem:$0x3FB1] =	sst s0;
	s0 =	simm.s32 @!p1 $0x0  }
0x14: {  	s2 =	sld [smem:$0x3F95];
	s0 =	simm.s32 @p1 $0x1  }
0x15: {  	[smem:$0x3FB2] =	sst s0;
	s0 =	simm.s32 @!p2 $0x0  }
0x16: {  	s3 =	sld [smem:$0x3FDB];
	s0 =	simm.s32 @p2 $0x1  }
0x17: {  	s4 =	simm.s32 $0x1BF5;
	[smem:$0x3FB4] =	sst s0  }
0x18: {  	s0 =	sld [smem:$0x3F97];
	_ =	swait.ge [sflag:s4], $0x0  }
0x19: {  	s7 =	sld [smem:$0x3F98]  }
0x1a: {  	s8 =	sadd.s32 $0xFFFFE003, lr  }
0x1b: {  	s9 =	sadd.s32 $0xFFFFFEF7, lr;
	s5 =	simm.s32 $0xFFFFFFFF;
	p2 =	slt.u32 s8, $0xFFFFF086  }
0x1c: {  	p1 =	slt.u32 s9, $0xF7A;
	s5 =	simm.s32 @!p2 $0x0  }
0x1d: {  	s5 =	simm.s32 @p1 $0x1;
	p0 =	seq.s32 s7, s2  }
0x1e: {  	s7 =	smul.u32 @!p0 $0xF7A, s2;
	p2 =	seq.s32 @!p0 s5, $0x0  }
0x1f: {  	s9 =	smul.u32 $0xF7A, s1;
	s8 =	simm.s32 @!p0 $0x1BF5;
	p2 =	por !p2, p0  }
0x20: {  	[sflag:s8] =	ssyncset.s32 @!p0 $0xFFFFF086;
	s6 =	sadd.s32 @!p0 s3, s7;
	s7 =	simm.s32 @!p0 $0x108  }
0x21: {  	s3 =	sadd.s32 s3, s9;
	s6 =	sadd.s32 @!p0 $0x88, s6;
	s7 =	simm.s32 @p2 $0x1082  }
0x22: {  	[simem:s7], [sflag:s8] =	dma.local @!p0 [hbm:s6], $0xF7A  }
0x23: {  	s9 =	sor.u32 $0xD0000000, s2;
	s6 =	simm.s32 $0x108;
	_ =	swait.ge @!p0 [sflag:s8], $0x0  }
0x24: {  	s3 =	sadd.s32 $0x88, s3;
	s6 =	simm.s32 @!p1 $0x1082;
	[sflag:s4] =	ssyncset.s32 $0xFFFFF086  }
0x25: {  	[simem:s6], [sflag:s4] =	dma.local [hbm:s3], $0xF7A  }
0x26: {  	[smem:$0x3F98] =	sst s1;
	(tag) =	ssettag s2;
	_ =	strace s9  }
0x27: {  	s1 =	sld [smem:$0x3FA8]  }
0x28: {  	s2 =	sld [smem:$0x3FA9]  }
0x29: {  	s4 =	sld [smem:$0x3FAB]  }
0x2a: {  	p0 =	seq.s32 s5, $0x0;
	s5 =	sld [smem:$0x3FAC]  }
0x2b: {  	s6 =	sld [smem:$0x3FAD]  }
0x2c: {  	s7 =	sld [smem:$0x3FAE]  }
0x2d: {  	s3 =	simm.s32 $0x108;
	s8 =	sld [smem:$0x3FAF]  }
0x2e: {  	s3 =	simm.s32 @!p0 $0x1082;
	s9 =	sld [smem:$0x3FB0]  }
0x2f: {  	lr =	sadd.s32 s0, s3;
	s0 =	sld [smem:$0x3FA7]  }
0x30: {  	s3 =	sld [smem:$0x3FAA]  }
0x31: {  	[smem:$0x3FB3] =	sst s10  }
0x32: {  	s10 =	sld [smem:$0x3FB1];
	_ =	sdelay $0x3  }
0x33: {  	p0 =	seq.s32 s10, $0x1;
	s10 =	sld [smem:$0x3FB3];
	_ =	sdelay $0x3  }
0x34: {  	[smem:$0x3FB3] =	sst s10  }
0x35: {  	s10 =	sld [smem:$0x3FB2];
	_ =	sdelay $0x3  }
0x36: {  	p1 =	seq.s32 s10, $0x1;
	s10 =	sld [smem:$0x3FB3];
	_ =	sdelay $0x3  }
0x37: {  	[smem:$0x3FB3] =	sst s10  }
0x38: {  	s10 =	sld [smem:$0x3FB4]  }
0x39: {  	_ = 	snop;
	(pc) =	sbr.ind lr, $3  }
0x3a: {  	_ = 	snop  }
0x3b: {  	_ = 	snop  }
0x3c: {  	p2 =	seq.s32 s10, $0x1;
	s10 =	sld [smem:$0x3FB3]  }
0x3d: {  	_ =	shalt  }
0x3e: {  	_ =	shalt  }
0x3f: {  	_ =	shalt  }
0x40: {  	_ =	shalt  }
0x41: {  	_ =	shalt  }
0x42: {  	_ =	shalt  }
0x43: {  	_ =	shalt  }
0x44: {  	_ =	shalt  }
0x45: {  	_ =	shalt  }
0x46: {  	_ =	shalt  }
0x47: {  	_ =	shalt  }
0x48: {  	_ =	shalt  }
0x49: {  	_ =	shalt  }
0x4a: {  	_ =	shalt  }
0x4b: {  	_ =	shalt  }
0x4c: {  	_ =	shalt  }
0x4d: {  	_ =	shalt  }
0x4e: {  	_ =	shalt  }
0x4f: {  	_ =	shalt  }
0x50: {  	_ =	shalt  }
0x51: {  	_ =	shalt  }
0x52: {  	_ =	shalt  }
0x53: {  	_ =	shalt  }
0x54: {  	_ =	shalt  }
0x55: {  	_ =	shalt  }
0x56: {  	_ =	shalt  }
0x57: {  	_ =	shalt  }
0x58: {  	_ =	shalt  }
0x59: {  	_ =	shalt  }
0x5a: {  	_ =	shalt  }
0x5b: {  	_ =	shalt  }
0x5c: {  	_ =	shalt  }
0x5d: {  	_ =	shalt  }
0x5e: {  	_ =	shalt  }
0x5f: {  	_ =	shalt  }
0x60: {  	_ =	shalt  }
0x61: {  	_ =	shalt  }
0x62: {  	_ =	shalt  }
0x63: {  	_ =	shalt  }
0x64: {  	_ =	shalt  }
0x65: {  	_ =	shalt  }
0x66: {  	_ =	shalt  }
0x67: {  	_ =	shalt  }
0x68: {  	_ =	shalt  }
0x69: {  	_ =	shalt  }
0x6a: {  	_ =	shalt  }
0x6b: {  	_ =	shalt  }
0x6c: {  	_ =	shalt  }
0x6d: {  	_ =	shalt  }
0x6e: {  	_ =	shalt  }
0x6f: {  	_ =	shalt  }
0x70: {  	_ =	shalt  }
0x71: {  	_ =	shalt  }
0x72: {  	_ =	shalt  }
0x73: {  	_ =	shalt  }
0x74: {  	_ =	shalt  }
0x75: {  	_ =	shalt  }
0x76: {  	_ =	shalt  }
0x77: {  	_ =	shalt  }
0x78: {  	_ =	shalt  }
0x79: {  	_ =	shalt  }
0x7a: {  	_ =	shalt  }
0x7b: {  	_ =	shalt  }
0x7c: {  	_ =	shalt  }
0x7d: {  	_ =	shalt  }
0x7e: {  	_ =	shalt  }
0x7f: {  	_ =	shalt  }
0x80: {  	_ =	shalt  }
0x81: {  	_ =	shalt  }
0x82: {  	_ =	shalt  }
0x83: {  	_ =	shalt  }
0x84: {  	_ =	shalt  }
0x85: {  	_ =	shalt  }
0x86: {  	_ =	shalt  }
0x87: {  	_ =	shalt  }
.Lfunc_end0:
.L_simem_size_0:
called_computation_lowered:
.L_overlay_start_0:
0x88: {  	s2 =	sld [smem:$0x3FD9]  }
0x89: {  	s3 =	sld [smem:$0x3FFE];
	_ =	sdelay $0x1  }
0x8a: {  	s1 =	srdreg.scid  }
0x8b: {  	s0 =	sand.u32 $0x1, s1  }
0x8c: {  	s17 =	sshll.u32 s0, $0xA;
	s2 =	sadd.s32 s3, s2  }
0x8d: {  	s2 =	sadd.s32 s2, s17  }
0x8e: {  	[smem:$0x3FBF] =	sst s2  }
0x8f: {  	_ = 	snop  }
0x90: {  	s2 =	sld [smem:$0x3FD0];
	(tm) =	ssettm $0x1  }
0x91: {  	s18 =	sld [smem:$0x3FFB];
	_ =	sdelay $0x3  }
0x92: {  	_ =	strace s18  }
0x93: {  	s3 =	sld [smem:$0x3FFC];
	_ =	sdelay $0x3  }
0x94: {  	_ =	strace s3  }
0x95: {  	s3 =	sld [smem:$0x3FFD];
	_ =	sdelay $0x3  }
0x96: {  	_ =	strace s3  }
0x97: {  	_ =	strace $0x8FFFFFFF  }
0x98: {  	s19 =	sld [smem:$0x3FDB];
	_ =	sdelay $0x1  }
0x99: {  	s4 =	simm.s32 $_scs_section_size  }
0x9a: {  	s5 =	simm.s32 $_size__tile_overlayer_lowered;
	s6 =	simm.s32 $_tile_overlayer_lowered  }
0x9b: {  	s22 =	simm.s32 $0x1BFF;
	s21 =	sshll.u32 s6, $0x1;
	s3 =	sadd.s32 s4, s19  }
0x9c: {  	s7 =	simm.s32 $0x0;
	s20 =	sshll.u32 s5, $0x1;
	s5 =	sadd.s32 s21, s3  }
0x9d: {  	[timem:s7], [sflag:s22] =	dma.local [hbm:s5], s20  }
0x9e: {  	_ =	swait.ge [sflag:s22], s20  }
0x9f: {  	s4 =	ssub.s32 $0x0, s20;
	[sflag:s22] =	ssyncset.done $0x0  }
0xa0: {  	[sflag:s22] =	ssyncadd.s32 s4;
	_ =	sdelay $0x1  }
0xa1: {  	s23 =	simm.s32 $0x1B8B  }
0xa2: {  	_ =	swait.ge [sflag:s23], $0x1  }
0xa3: {  	[sflag:s23] =	ssyncset.done $0x0  }
0xa4: {  	s25 =	simm.s32 $0x1B8E;
	s24 =	sld [smem:$0x3FFE];
	[sflag:s23] =	ssyncadd.s32 $0xFFFFFFFF  }
0xa5: {  	s26 =	simm.s32 $execute0_lowered;
	[smem:$0x3FD2] =	sst s25  }
0xa6: {  	s5 =	sshll.u32 s26, $0x1;
	_ =	strace $0x80000046;
	[dreg:$0x1] =	wrdreg $0xFFFFFFFF  }
0xa7: {  	s28 =	simm.s32 $_size_execute0_lowered;
	s3 =	sadd.s32 s3, s5;
	[dreg:$0x0] =	wrdreg $0x0  }
0xa8: {  	s5 =	sshll.u32 s28, $0x1;
	[dreg:$0x2] =	wrdreg s3  }
0xa9: {  	[dreg:$0x3] =	wrdreg s5  }
0xaa: {  	[dreg:$0x4] =	wrdreg $0xC0  }
0xab: {  	_ =	task [dreg:s7], $0x5FFFF  }
0xac: {  	[dreg:$0x1] =	wrdreg $0xFFFFFFFF  }
0xad: {  	[dreg:$0x0] =	wrdreg $0x60  }
0xae: {  	[dreg:$0x2] =	wrdreg s24  }
0xaf: {  	[dreg:$0x3] =	wrdreg s2  }
0xb0: {  	[dreg:$0x4] =	wrdreg $0x6A000  }
0xb1: {  	[dreg:$0x5] =	wrdreg $0x9  }
0xb2: {  	_ =	task.clear_ibuf [dreg:s7], $0x6FFFF;
	_ =	strace $0x90000046  }
0xb3: {  	s29 =	simm.s32 $0x9;
	_ =	strace $0x80000048  }
0xb4: {  	_ =	swait.ge [sflag:s29], $0x1  }
0xb5: {  	[sflag:s29] =	ssyncadd.s32 $0xFFFFFFFF  }
0xb6: {  	_ =	strace $0x90000048  }
0xb7: {  	_ =	sfence  }
0xb8: {  	s30 =	sld [smem:$0x0];
	_ =	sdelay $0x2  }
0xb9: {  	s31 =	sshll.u32 s1, $0xD;
	s1 =	sshrl.u32 s1, $0x2  }
0xba: {  	s3 =	sand.u32 $0x4000, s31;
	s1 =	sadd.s32 s1, s30  }
0xbb: {  	s0 =	sor.u32 s3, s0;
	s1 =	sshll.u32 s1, $0x11  }
0xbc: {  	s0 =	sor.u32 s1, s0  }
0xbd: {  	s0 =	sadd.s32 $0x8F2B, s0  }
0xbe: {  	[sflag:s0] =	ssyncadd.remote.s32 $0x1  }
0xbf: {  	_ =	sfence.sel $0xFFFF  }
0xc0: {  	[dreg:$0x0] =	wrdreg $0xFFFFFFFF;
	(pc) =	sbr.abs _section_cstart, $3  }
0xc1: {  	[dreg:$0x1] =	wrdreg $0xFFFFFFFF  }
0xc2: {  	_ =	task.clear_ibuf [dreg:s7], $0x2FFFF;
	_ =	strace $0x9FFFFFFF  }
0xc3: {  	(tm) =	ssettm $0x7FFFFFFF  }
tec
execute0_lowered:
.L_overlay_start_1:
0x0: {  	(tag) =	ssettag $0x1  }
0x1: {  	s0 =	rddreg [dreg:$0x0]  }
0x2: {  	s1 =	rddreg [dreg:$0x1]  }
0x3: {  	s2 =	rddreg [dreg:$0x2]  }
0x4: {  	s4 =	simm.s32 $0x0;
	s3 =	srdreg.scid;
	s28 =	simm.s32 $0x0  }
0x5: {  	[smem:$0x7FF] =	sst s4;
	s5 =	sand.u32 $0x1, s3;
	s3 =	stileid.u32  }
0x6: {  	s9 =	sadd.s32 $0x57800, s0;
	s6 =	sadd.s32 $0x82000, s0;
	s7 =	smul.u32 $0x1540, s5  }
0x7: {  	_ =	strace $0x80000047;
	s8 =	smul.u32 $0x154, s3;
	s10 =	ssub.s32 $0x2, s5  }
0x8: {  	s11 =	sand.u32 $0x7, s3;
	s12 =	smul.u32 $0xAA000, s5;
	s5 =	sadd.s32 $0x2800, s0  }
0x9: {  	s23 =	sshll.u32 s3, $0x4;
	p0 =	sgt.u32 s3, $0x7;
	s13 =	sshrl.u32 s10, $0x1  }
0xa: {  	s14 =	smul.u32 $0x55000, s11;
	s21 =	sshll.u32 s11, $0x4;
	s20 =	ssub.s32 s10, s13  }
0xb: {  	s7 =	sadd.s32 s8, s7;
	s10 =	sor.u32 s12, s21;
	s11 =	sor.u32 s23, s12  }
0xc: {  	s23 =	simm.s32 $0x80;
	s22 =	sshrl.u32 s14, $0x2;
	s10 =	sshrl.u32 s10, $0x3  }
0xd: {  	s11 =	sshrl.u32 s11, $0x3;
	s25 =	sshll.u32 s7, $0x5;
	s18 =	smax.u32 s20, $0x1  }
0xe: {  	s8 =	sadd.s32 s22, s2;
	s10 =	sadd.s32 s10, s9;
	s9 =	sadd.s32 s9, s11  }
0xf: {  	s26 =	sadd.s32 s1, s25;
	s29 =	sadd.s32 s5, s25;
	s30 =	sor.u32 $0x20, s25  }
0x10: {  	s22 =	simm.s32 $0x1;
	s19 =	sadd.s32 $0xAA000, s8;
	[dreg:$0x6] =	wrdreg s9  }
0x11: {  	s24 =	sadd.s32 $0x10, s10;
	s12 =	sadd.s32 $0xAA010, s8;
	[dreg:$0x7] =	wrdreg s26  }
0x12: {  	s10 =	sadd.s32 $0x20, s10;
	[dreg:$0x8] =	wrdreg s29;
	s31 =	sadd.s32 s1, s30  }
0x13: {  	s15 =	sadd.s32 s5, s30;
	s9 =	sor.u32 $0x40, s25;
	[dreg:$0x4] =	wrdreg s24  }
0x14: {  	s26 =	simm.s32 $0x100;
	s25 =	simm.s32 $0x3;
	[dreg:$0x5] =	wrdreg s10  }
0x15: {  	[dreg:$0x9] =	wrdreg s31;
	s16 =	sadd.s32 s1, s9;
	s17 =	sadd.s32 s5, s9  }
0x16: {  	s19 =	sshrl.u32 @p0 s19, $0x3;
	s20 =	sshrl.u32 @p0 s12, $0x3;
	s24 =	simm.s32 $0x2  }
.LBB2_1:
0x17: {  	s0 =	sshll.u32 @p0 s3, $0x6;
	s9 =	simm.s32 @p0 $0x1;
	s10 =	simm.s32 @p0 $0x4  }
0x18: {  	s11 =	simm.s32 @p0 $0x20;
	s12 =	rddreg [dreg:$0x4];
	s0 =	sor.u32 @p0 $0x1C04, s0  }
0x19: {  	[spmem:s19@s10], [sflag:s0] =	dma.strided @p0 [hbm:s12@s11], $0x153E, s9, $0x2   }
0x1a: {  	_ =	swait.ge @p0 [sflag:s10], $0x153E  }
0x1b: {  	[sflag:s10] =	ssyncset.done @p0 $0x0  }
0x1c: {  	s12 =	rddreg [dreg:$0x5];
	[sflag:s10] =	ssyncadd.s32 @p0 $0xFFFFEAC2  }
0x1d: {  	[spmem:s20@s10], [sflag:s0] =	dma.strided @p0 [hbm:s12@s11], $0x153E, s9, $0x2   }
0x1e: {  	s0 =	sshll.u32 @!p0 s3, $0x6  }
0x1f: {  	s9 =	sshrl.u32 @!p0 s8, $0x3;
	s11 =	simm.s32 @!p0 $0x2;
	_ =	swait.ge @p0 [sflag:s10], $0x153E  }
0x20: {  	s12 =	simm.s32 @!p0 $0x10;
	s0 =	sor.u32 @!p0 $0x1C04, s0;
	[sflag:s10] =	ssyncset.done @p0 $0x0  }
0x21: {  	s13 =	rddreg [dreg:$0x6];
	[sflag:s10] =	ssyncadd.s32 @p0 $0xFFFFEAC2;
	s10 =	simm.s32 @!p0 $0x1  }
0x22: {  	[spmem:s9@s11], [sflag:s0] =	dma.strided @!p0 [hbm:s13@s12], $0x2A80, s10, $0x2   }
0x23: {  	s0 =	simm.s32 @!p0 $0x4  }
0x24: {  	_ =	swait.ge @!p0 [sflag:s0], $0x2A80  }
0x25: {  	[sflag:s0] =	ssyncset.done @!p0 $0x0  }
0x26: {  	[sflag:s0] =	ssyncadd.s32 @!p0 $0xFFFFD580  }
0x27: {  	[bflag:$0x0] =	sbarrier.arrive $0xFFFF  }
0x28: {  	s11 =	rddreg [dreg:$0x7]  }
0x29: {  	[tilespmem:s4], [sflag:$0x1] =	stream.linear.gather [hbm4b:s11+s4], $0x100, $0x38;
	[tilespmem:$0x1BE00] =	vst v63  }
0x2a: {  	s13 =	simm.s32 $0x400;
	s12 =	rddreg [dreg:$0x8]  }
0x2b: {  	[tilespmem:s13], [sflag:$0x1] =	stream.linear.gather [hbm4b:s12+s4], $0x100, $0x38;
	[tilespmem:$0x1BE00] =	vst v63  }
0x2c: {  	_ =	swait.ge [sflag:s22], $0x100  }
0x2d: {  	[sflag:s22] =	ssyncset.done $0x0  }
0x2e: {  	[sflag:s22] =	ssyncadd.s32 $0xFFFFFF00  }
0x2f: {  	_ =	swait.ge [sflag:s22], $0x100  }
0x30: {  	[sflag:s22] =	ssyncset.done $0x0  }
0x31: {  	s14 =	simm.s32 $0x800;
	[sflag:s22] =	ssyncadd.s32 $0xFFFFFF00  }
0x32: {  	[tilespmem:s14], [sflag:$0x2] =	stream.indirect.gather [spmem:s2], $0x20, s4, s23, $0xb8;
	[tilespmem:$0x1BE00] =	vst v63  }
0x33: {  	s21 =	simm.s32 $0x1800  }
0x34: {  	[tilespmem:s21], [sflag:$0x2] =	stream.indirect.gather [spmem:s2], $0x20, s23, s23, $0xb8;
	[tilespmem:$0x1BE00] =	vst v63  }
0x35: {  	s9 =	rddreg [dreg:$0x9]  }
0x36: {  	[tilespmem:s26], [sflag:$0x1] =	stream.linear.gather [hbm4b:s9+s4], $0x100, $0x38;
	[tilespmem:$0x1BE00] =	vst v63  }
0x37: {  	s10 =	simm.s32 $0x500  }
0x38: {  	[tilespmem:s10], [sflag:$0x1] =	stream.linear.gather [hbm4b:s15+s4], $0x100, $0x38;
	[tilespmem:$0x1BE00] =	vst v63  }
0x39: {  	_ =	swait.ge [sflag:s22], $0x100  }
0x3a: {  	[sflag:s22] =	ssyncset.done $0x0  }
0x3b: {  	[sflag:s22] =	ssyncadd.s32 $0xFFFFFF00  }
0x3c: {  	_ =	swait.ge [sflag:s22], $0x100  }
0x3d: {  	[sflag:s22] =	ssyncset.done $0x0  }
0x3e: {  	s11 =	simm.s32 $0x2800;
	[sflag:s22] =	ssyncadd.s32 $0xFFFFFF00  }
0x3f: {  	[tilespmem:s11], [sflag:$0x2] =	stream.indirect.gather [spmem:s2], $0x20, s26, s23, $0xb8;
	[tilespmem:$0x1BE00] =	vst v63  }
0x40: {  	p1 =	por $0x0, $0x0;
	s12 =	simm.s32 $0x180;
	s13 =	simm.s32 $0x3800  }
0x41: {  	[tilespmem:s13], [sflag:$0x2] =	stream.indirect.gather [spmem:s2], $0x20, s12, s23, $0xb8;
	[tilespmem:$0x1BE00] =	vst v63  }
0x42: {  	s29 =	simm.s32 $0x0;
	s30 =	simm.s32 $0x0;
	s14 =	simm.s32 $0x200  }
0x43: {  	[tilespmem:s14], [sflag:$0x1] =	stream.linear.gather [hbm4b:s16+s4], $0x100, $0x38;
	[tilespmem:$0x1BE00] =	vst v63  }
0x44: {  	s31 =	simm.s32 $0x0;
	s0 =	simm.s32 $0x0;
	s21 =	simm.s32 $0x600  }
0x45: {  	[tilespmem:s21], [sflag:$0x1] =	stream.linear.gather [hbm4b:s17+s4], $0x100, $0x38;
	[tilespmem:$0x1BE00] =	vst v63  }
.LBB2_2:
0x46: {  	p2 =	sgt.u32 s0, $0x151  }
0x47: {  	s9 =	sadd.s32 @!p2 $0x2, s0  }
0x48: {  	s10 =	smul.u32 @!p2 $0xAAAB, s9;
	_ =	sdelay $0x1  }
0x49: {  	s11 =	simm.s32 @!p2 $0x1;
	s10 =	sshrl.u32 @!p2 s10, $0x11  }
0x4a: {  	_ =	swait.ge @!p2 [sflag:s11], $0x100;
	s10 =	smul.u32 @!p2 $0x3, s10  }
0x4b: {  	[sflag:s11] =	ssyncset.done @!p2 $0x0  }
0x4c: {  	[sflag:s11] =	ssyncadd.s32 @!p2 $0xFFFFFF00;
	s10 =	ssub.s32 @!p2 s9, s10  }
0x4d: {  	s12 =	simm.s32 @!p2 $0x80;
	_ =	swait.ge @!p2 [sflag:s11], $0x100;
	s10 =	sshll.u32 @!p2 s10, $0xD  }
0x4e: {  	[sflag:s11] =	ssyncset.done @!p2 $0x0;
	s9 =	sshll.u32 @!p2 s9, $0x8;
	s10 =	sand.u32 @!p2 $0xE000, s10  }
0x4f: {  	[sflag:s11] =	ssyncadd.s32 @!p2 $0xFFFFFF00;
	s9 =	sand.u32 @!p2 $0x300, s9;
	s11 =	sor.u32 @!p2 $0x800, s10  }
0x50: {  	[tilespmem:s11], [sflag:$0x2] =	stream.indirect.gather @!p2 [spmem:s2], $0x20, s9, s12, $0xb8;
	[tilespmem:$0x1BE00] =	vst v63  }
0x51: {  	s21 =	sadd.s32 s7, s0;
	p3 =	seq.s32 @!p2 s0, $0x151;
	s11 =	simm.s32 $0x1  }
0x52: {  	s10 =	sor.u32 @!p2 $0x1800, s10;
	s9 =	sor.u32 @!p2 $0x80, s9;
	s11 =	simm.s32 @!p1 $0x0  }
0x53: {  	[tilespmem:s10], [sflag:$0x2] =	stream.indirect.gather @!p2 [spmem:s2], $0x20, s9, s12, $0xb8;
	[tilespmem:$0x1BE00] =	vst v63  }
0x54: {  	s14 =	sand.u32 $0xFFFF, s29;
	s9 =	sshll.u32 s11, $0x8;
	p2 =	por p3, p2  }
0x55: {  	s10 =	smul.u32 $0xAAAB, s14;
	s11 =	sshll.u32 @!p2 s21, $0x5;
	s12 =	sshll.u32 @!p2 s0, $0x8  }
0x56: {  	s14 =	simm.s32 @!p2 $0x0;
	s11 =	sadd.s32 @!p2 $0x60, s11;
	s12 =	sadd.s32 @!p2 $0x300, s12  }
0x57: {  	s10 =	sshrl.u32 s10, $0x11;
	s12 =	sand.u32 @!p2 $0x300, s12;
	s13 =	sadd.s32 @!p2 s1, s11  }
0x58: {  	[tilespmem:s12], [sflag:$0x1] =	stream.linear.gather @!p2 [hbm4b:s13+s14], $0x100, $0x38;
	[tilespmem:$0x1BE00] =	vst v63  }
0x59: {  	s11 =	sadd.s32 @!p2 s5, s11;
	s10 =	smul.u32 $0x6000, s10;
	s12 =	sor.u32 @!p2 $0x400, s12  }
0x5a: {  	[tilespmem:s12], [sflag:$0x1] =	stream.linear.gather @!p2 [hbm4b:s11+s14], $0x100, $0x38;
	[tilespmem:$0x1BE00] =	vst v63  }
0x5b: {  	s9 =	sor.u32 $0x6810, s9;
	_ =	swait.ge [sflag:s24], $0x1000  }
0x5c: {  	s13 =	sand.u32 $0x3, s31;
	s10 =	ssub.s32 s30, s10;
	[sflag:s24] =	ssyncset.done $0x0  }
0x5d: {  	s11 =	sshll.u32 s13, $0x8;
	s10 =	sand.u32 $0xFFFF, s10;
	[sflag:s24] =	ssyncadd.s32 $0xFFFFF000  }
0x5e: {  	s14 =	sshll.u32 s0, $0x8;
	s12 =	simm.s32 $0x0;
	_ =	swait.ge [sflag:s24], $0x1000  }
0x5f: {  	s13 =	sor.u32 $0x400, s11;
	s14 =	sand.u32 $0x100, s14;
	[sflag:s24] =	ssyncset.done $0x0  }
0x60: {  	s11 =	sadd.s32 $0x1800, s10;
	s10 =	sor.u32 $0x6800, s14;
	v0 =	vmov s13;
	[sflag:s24] =	ssyncadd.s32 $0xFFFFF000  }
.LBB2_3:
0x61: {  	v2 =	vld [tilespmem:s11+$0xFFFFF000]  }
0x62: {  	v6 =	vld [tilespmem:s11+$0xFFFFF010]  }
0x63: {  	v8 =	vld [tilespmem:s11+$0x0]  }
0x64: {  	v12 =	vld [tilespmem:s11+$0x10]  }
0x65: {  	v37 =	vld [tilespmem:s11+$0xFFFFF020]  }
0x66: {  	v40 =	vld [tilespmem:s11+$0xFFFFF030]  }
0x67: {  	v44 =	vld [tilespmem:s11+$0x20]  }
0x68: {  	s13 =	sshra.s32 s12, $0x2;
	v48 =	vld [tilespmem:s11+$0x30]  }
0x69: {  	v1 =	vld.idx.msk [tilespmem:v0+s13+$0x0 ss:$0x1], $0xffff;
	v9 =	vand.u32 $0xFFFF0000, v2  }
0x6a: {  	v5 =	vld.idx.msk [tilespmem:v0+s13+$0x80 ss:$0x1], $0xffff;
	v33 =	vshll.u32 v6, $0x10;
	v6 =	vand.u32 $0xFFFF0000, v6;
	v36 =	vshll.u32 v8, $0x10  }
0x6b: {  	v53 =	vld [tilespmem:s11+$0xFFFFF040];
	v8 =	vand.u32 $0xFFFF0000, v8;
	v39 =	vshll.u32 v12, $0x10;
	v41 =	vand.u32 $0xFFFF0000, v12  }
0x6c: {  	v57 =	vld [tilespmem:s11+$0xFFFFF050];
	v43 =	vshll.u32 v37, $0x10;
	v47 =	vshll.u32 v40, $0x10;
	v50 =	vand.u32 $0xFFFF0000, v40  }
0x6d: {  	v52 =	vshll.u32 v44, $0x10;
	v12 =	vand.u32 $0xFFFF0000, v44;
	v56 =	vshll.u32 v48, $0x10  }
0x6e: {  	v62 =	vld [tilespmem:s11+$0x40];
	v59 =	vand.u32 $0xFFFF0000, v48;
	v4 =	vshll.u32 v1, $0x10;
	v3 =	vand.u32 $0xFFFF0000, v1  }
0x6f: {  	v18 =	vld [tilespmem:s11+$0x50];
	v1 =	vshll.u32 v2, $0x10;
	v2 =	vshll.u32 v5, $0x10;
	v7 =	vbroadcast v4, $0x0  }
0x70: {  	v61 =	vshll.u32 v53, $0x10;
	v11 =	vbroadcast v3, $0x0;
	v35 =	vbroadcast v2, $0x0  }
0x71: {  	v23 =	vld [tilespmem:s11+$0xFFFFF060];
	v17 =	vshll.u32 v57, $0x10;
	v42 =	vbroadcast v4, $0x1;
	v45 =	vbroadcast v3, $0x1  }
0x72: {  	v32 =	vld [tilespmem:s11+$0x60];
	v20 =	vand.u32 $0xFFFF0000, v57;
	v51 =	vbroadcast v2, $0x1;
	v60 =	vbroadcast v4, $0x2  }
0x73: {  	v22 =	vshll.u32 v62, $0x10;
	v63 =	vbroadcast v3, $0x2;
	v21 =	vbroadcast v2, $0x2  }
0x74: {  	v26 =	vshll.u32 v18, $0x10;
	v30 =	vbroadcast v4, $0x3;
	v48 =	vbroadcast v4, $0x4  }
0x75: {  	v29 =	vand.u32 $0xFFFF0000, v18;
	v57 =	vbroadcast v2, $0x4;
	v18 =	vbroadcast v4, $0x5  }
0x76: {  	v31 =	vshll.u32 v23, $0x10;
	v10 =	vmul.f32 v1, v7;
	v7 =	vmul.f32 v9, v7  }
0x77: {  	v40 =	vshll.u32 v32, $0x10;
	v9 =	vmul.f32 v33, v11;
	v6 =	vmul.f32 v6, v11  }
0x78: {  	v1 =	vand.u32 $0xFFFF0000, v5;
	v38 =	vmul.f32 v8, v35;
	v49 =	vmul.f32 v47, v45  }
0x79: {  	v11 =	vand.u32 $0xFFFF0000, v37;
	v55 =	vmul.f32 v12, v51;
	v19 =	vmul.f32 v17, v63  }
0x7a: {  	v12 =	vand.u32 $0xFFFF0000, v23;
	v33 =	vbroadcast v3, $0x3;
	v13 =	vbroadcast v1, $0x0  }
0x7b: {  	v46 =	vmul.f32 v11, v42;
	v54 =	vbroadcast v1, $0x1;
	v11 =	vand.u32 $0xFFFF0000, v62  }
0x7c: {  	v27 =	vld [tilespmem:s11+$0xFFFFF070];
	v24 =	vbroadcast v1, $0x2;
	v34 =	vadd.f32 $0.0e+00, v10;
	v25 =	vmul.f32 v11, v21  }
0x7d: {  	v10 =	vand.u32 $0xFFFF0000, v53;
	v8 =	vmul.f32 v39, v13;
	v58 =	vmul.f32 v56, v54  }
0x7e: {  	v7 =	vadd.f32 $0.0e+00, v7;
	v16 =	vmul.f32 v10, v60;
	v28 =	vmul.f32 v26, v24  }
0x7f: {  	v39 =	vbroadcast v2, $0x3;
	v5 =	vadd.f32 v9, v34;
	v9 =	vmul.f32 v36, v35  }
0x80: {  	v10 =	vand.u32 $0xFFFF0000, v32;
	v6 =	vadd.f32 v6, v7;
	v7 =	vmul.f32 v41, v13;
	v36 =	vld [tilespmem:s11+$0x70]  }
0x81: {  	v34 =	vmul.f32 v12, v30;
	v35 =	vshll.u32 v27, $0x10;
	v41 =	vld [tilespmem:s11+$0xFFFFF080];
	v5 =	vadd.f32 v9, v5  }
0x82: {  	v37 =	vmul.f32 v35, v33;
	v6 =	vadd.f32 v38, v6;
	v38 =	vand.u32 $0xFFFF0000, v27  }
0x83: {  	v27 =	vbroadcast v2, $0x5;
	v5 =	vadd.f32 v8, v5;
	v8 =	vmul.f32 v43, v42  }
0x84: {  	v6 =	vadd.f32 v7, v6;
	v7 =	vmul.f32 v50, v45;
	v42 =	vbroadcast v1, $0x3  }
0x85: {  	v43 =	vmul.f32 v10, v39;
	v45 =	vld [tilespmem:s11+$0xFFFFF090];
	v44 =	vshll.u32 v36, $0x10;
	v47 =	vand.u32 $0xFFFF0000, v36  }
0x86: {  	v11 =	vand.u32 $0xFFFF0000, v41;
	v36 =	vbroadcast v4, $0x6;
	v5 =	vadd.f32 v8, v5  }
0x87: {  	v50 =	vld [tilespmem:s11+$0x80];
	v6 =	vadd.f32 v46, v6;
	v8 =	vmul.f32 v52, v51;
	v46 =	vmul.f32 v44, v42  }
0x88: {  	v51 =	vbroadcast v3, $0x4;
	v52 =	vmul.f32 v11, v48;
	v5 =	vadd.f32 v49, v5  }
0x89: {  	v6 =	vadd.f32 v7, v6;
	v7 =	vmul.f32 v59, v54;
	v49 =	vshll.u32 v41, $0x10;
	v54 =	vld [tilespmem:s11+$0x90]  }
0x8a: {  	v59 =	vld [tilespmem:s11+$0xFFFFF0A0];
	v53 =	vshll.u32 v45, $0x10;
	v56 =	vand.u32 $0xFFFF0000, v45;
	v45 =	vbroadcast v2, $0x6  }
0x8b: {  	v5 =	vadd.f32 v8, v5;
	v6 =	vadd.f32 v55, v6;
	v8 =	vmul.f32 v61, v60  }
0x8c: {  	v12 =	vand.u32 $0xFFFF0000, v50;
	v55 =	vmul.f32 v53, v51;
	v60 =	vbroadcast v1, $0x4  }
0x8d: {  	v61 =	vmul.f32 v12, v57;
	v5 =	vadd.f32 v58, v5;
	v6 =	vadd.f32 v7, v6  }
0x8e: {  	v7 =	vmul.f32 v20, v63;
	v63 =	vld [tilespmem:s11+$0xFFFFF0B0];
	v62 =	vshll.u32 v54, $0x10;
	v17 =	vand.u32 $0xFFFF0000, v54  }
0x8f: {  	v20 =	vld [tilespmem:s11+$0xA0];
	v10 =	vand.u32 $0xFFFF0000, v59;
	v54 =	vbroadcast v4, $0x7;
	v5 =	vadd.f32 v8, v5  }
0x90: {  	v6 =	vadd.f32 v16, v6;
	v8 =	vmul.f32 v22, v21;
	v16 =	vmul.f32 v62, v60  }
0x91: {  	v58 =	vshll.u32 v50, $0x10;
	v21 =	vbroadcast v3, $0x5;
	v22 =	vmul.f32 v10, v18  }
0x92: {  	v5 =	vadd.f32 v19, v5;
	v6 =	vadd.f32 v7, v6;
	v7 =	vmul.f32 v29, v24  }
0x93: {  	v19 =	vshll.u32 v59, $0x10;
	v24 =	vld [tilespmem:s11+$0xB0];
	v23 =	vshll.u32 v63, $0x10;
	v26 =	vand.u32 $0xFFFF0000, v63  }
0x94: {  	v11 =	vand.u32 $0xFFFF0000, v20;
	v63 =	vbroadcast v2, $0x7;
	v5 =	vadd.f32 v8, v5  }
0x95: {  	v29 =	vld [tilespmem:s11+$0xFFFFF0C0];
	v6 =	vadd.f32 v25, v6;
	v8 =	vmul.f32 v31, v30;
	v25 =	vmul.f32 v23, v21  }
0x96: {  	v30 =	vbroadcast v1, $0x5;
	v31 =	vmul.f32 v11, v27;
	v5 =	vadd.f32 v28, v5  }
0x97: {  	v6 =	vadd.f32 v7, v6;
	v7 =	vmul.f32 v38, v33;
	v28 =	vshll.u32 v20, $0x10;
	v33 =	vld [tilespmem:s11+$0xFFFFF0D0]  }
0x98: {  	v38 =	vld [tilespmem:s11+$0xC0];
	v32 =	vshll.u32 v24, $0x10;
	v35 =	vand.u32 $0xFFFF0000, v24;
	v24 =	vbroadcast v4, $0x8  }
0x99: {  	v5 =	vadd.f32 v8, v5;
	v6 =	vadd.f32 v34, v6;
	v8 =	vmul.f32 v40, v39  }
0x9a: {  	v12 =	vand.u32 $0xFFFF0000, v29;
	v34 =	vmul.f32 v32, v30;
	v39 =	vbroadcast v3, $0x6  }
0x9b: {  	v40 =	vmul.f32 v12, v36;
	v5 =	vadd.f32 v37, v5;
	v6 =	vadd.f32 v7, v6  }
0x9c: {  	v7 =	vmul.f32 v47, v42;
	v42 =	vld [tilespmem:s11+$0xD0];
	v41 =	vshll.u32 v33, $0x10;
	v44 =	vand.u32 $0xFFFF0000, v33  }
0x9d: {  	v47 =	vld [tilespmem:s11+$0xFFFFF0E0];
	v10 =	vand.u32 $0xFFFF0000, v38;
	v33 =	vbroadcast v2, $0x8;
	v5 =	vadd.f32 v8, v5  }
0x9e: {  	v6 =	vadd.f32 v43, v6;
	v8 =	vmul.f32 v49, v48;
	v43 =	vmul.f32 v41, v39  }
0x9f: {  	v37 =	vshll.u32 v29, $0x10;
	v48 =	vbroadcast v1, $0x6;
	v49 =	vmul.f32 v10, v45  }
0xa0: {  	v5 =	vadd.f32 v46, v5;
	v6 =	vadd.f32 v7, v6;
	v7 =	vmul.f32 v56, v51  }
0xa1: {  	v46 =	vshll.u32 v38, $0x10;
	v51 =	vld [tilespmem:s11+$0xFFFFF0F0];
	v50 =	vshll.u32 v42, $0x10;
	v53 =	vand.u32 $0xFFFF0000, v42  }
0xa2: {  	v56 =	vld [tilespmem:s11+$0xE0];
	v11 =	vand.u32 $0xFFFF0000, v47;
	v42 =	vbroadcast v4, $0x9;
	v5 =	vadd.f32 v8, v5  }
0xa3: {  	v6 =	vadd.f32 v52, v6;
	v8 =	vmul.f32 v58, v57;
	v52 =	vmul.f32 v50, v48  }
0xa4: {  	v57 =	vbroadcast v3, $0x7;
	v58 =	vmul.f32 v11, v54;
	v5 =	vadd.f32 v55, v5  }
0xa5: {  	v6 =	vadd.f32 v7, v6;
	v7 =	vmul.f32 v17, v60;
	v55 =	vshll.u32 v47, $0x10  }
0xa6: {  	v60 =	vld [tilespmem:s11+$0xF0];
	v59 =	vshll.u32 v51, $0x10;
	v62 =	vand.u32 $0xFFFF0000, v51;
	v5 =	vadd.f32 v8, v5  }
0xa7: {  	v17 =	vld [tilespmem:s11+$0xFFFFF100];
	v12 =	vand.u32 $0xFFFF0000, v56;
	v51 =	vbroadcast v2, $0x9;
	v6 =	vadd.f32 v61, v6  }
0xa8: {  	v8 =	vmul.f32 v19, v18;
	v61 =	vmul.f32 v59, v57;
	v5 =	vadd.f32 v16, v5  }
0xa9: {  	v18 =	vbroadcast v1, $0x7;
	v19 =	vmul.f32 v12, v63;
	v6 =	vadd.f32 v7, v6  }
0xaa: {  	v7 =	vmul.f32 v26, v21;
	v16 =	vshll.u32 v56, $0x10;
	v5 =	vadd.f32 v8, v5  }
0xab: {  	v21 =	vld [tilespmem:s11+$0xFFFFF110];
	v20 =	vshll.u32 v60, $0x10;
	v23 =	vand.u32 $0xFFFF0000, v60;
	v6 =	vadd.f32 v22, v6  }
0xac: {  	v26 =	vld [tilespmem:s11+$0x100];
	v10 =	vand.u32 $0xFFFF0000, v17;
	v8 =	vmul.f32 v28, v27;
	v5 =	vadd.f32 v25, v5  }
0xad: {  	v60 =	vbroadcast v4, $0xA;
	v22 =	vmul.f32 v20, v18;
	v6 =	vadd.f32 v7, v6  }
0xae: {  	v27 =	vbroadcast v3, $0x8;
	v28 =	vmul.f32 v10, v24;
	v5 =	vadd.f32 v8, v5  }
0xaf: {  	v7 =	vmul.f32 v35, v30;
	v25 =	vshll.u32 v17, $0x10;
	v6 =	vadd.f32 v31, v6  }
0xb0: {  	v30 =	vld [tilespmem:s11+$0x110];
	v29 =	vshll.u32 v21, $0x10;
	v8 =	vmul.f32 v37, v36;
	v5 =	vadd.f32 v34, v5  }
0xb1: {  	v35 =	vld [tilespmem:s11+$0xFFFFF120];
	v32 =	vand.u32 $0xFFFF0000, v21;
	v11 =	vand.u32 $0xFFFF0000, v26;
	v6 =	vadd.f32 v7, v6  }
0xb2: {  	v21 =	vbroadcast v2, $0xA;
	v31 =	vmul.f32 v29, v27;
	v5 =	vadd.f32 v8, v5  }
0xb3: {  	v36 =	vbroadcast v1, $0x8;
	v7 =	vmul.f32 v44, v39;
	v6 =	vadd.f32 v40, v6  }
0xb4: {  	v37 =	vmul.f32 v11, v33;
	v8 =	vmul.f32 v46, v45;
	v5 =	vadd.f32 v43, v5  }
0xb5: {  	v34 =	vshll.u32 v26, $0x10;
	v39 =	vld [tilespmem:s11+$0xFFFFF130];
	v38 =	vshll.u32 v30, $0x10;
	v6 =	vadd.f32 v7, v6  }
0xb6: {  	v41 =	vand.u32 $0xFFFF0000, v30;
	v12 =	vand.u32 $0xFFFF0000, v35;
	v5 =	vadd.f32 v8, v5  }
0xb7: {  	v44 =	vld [tilespmem:s11+$0x120];
	v30 =	vbroadcast v4, $0xB;
	v7 =	vmul.f32 v53, v48;
	v6 =	vadd.f32 v49, v6  }
0xb8: {  	v40 =	vmul.f32 v38, v36;
	v8 =	vmul.f32 v55, v54;
	v5 =	vadd.f32 v52, v5  }
0xb9: {  	v45 =	vbroadcast v3, $0x9;
	v46 =	vmul.f32 v12, v42;
	v6 =	vadd.f32 v7, v6  }
0xba: {  	v43 =	vshll.u32 v35, $0x10;
	v47 =	vshll.u32 v39, $0x10;
	v5 =	vadd.f32 v8, v5  }
0xbb: {  	v48 =	vld [tilespmem:s11+$0x130];
	v50 =	vand.u32 $0xFFFF0000, v39;
	v7 =	vmul.f32 v62, v57;
	v6 =	vadd.f32 v58, v6  }
0xbc: {  	v53 =	vld [tilespmem:s11+$0xFFFFF140];
	v10 =	vand.u32 $0xFFFF0000, v44;
	v8 =	vmul.f32 v16, v63;
	v5 =	vadd.f32 v61, v5  }
0xbd: {  	v39 =	vbroadcast v2, $0xB;
	v49 =	vmul.f32 v47, v45;
	v6 =	vadd.f32 v7, v6  }
0xbe: {  	v54 =	vbroadcast v1, $0x9;
	v55 =	vmul.f32 v10, v51;
	v5 =	vadd.f32 v8, v5  }
0xbf: {  	v52 =	vshll.u32 v44, $0x10;
	v7 =	vmul.f32 v23, v18;
	v6 =	vadd.f32 v19, v6  }
0xc0: {  	v57 =	vld [tilespmem:s11+$0xFFFFF150];
	v56 =	vshll.u32 v48, $0x10;
	v8 =	vmul.f32 v25, v24;
	v5 =	vadd.f32 v22, v5  }
0xc1: {  	v62 =	vld [tilespmem:s11+$0x140];
	v59 =	vand.u32 $0xFFFF0000, v48;
	v11 =	vand.u32 $0xFFFF0000, v53;
	v6 =	vadd.f32 v7, v6  }
0xc2: {  	v48 =	vbroadcast v4, $0xC;
	v58 =	vmul.f32 v56, v54;
	v5 =	vadd.f32 v8, v5  }
0xc3: {  	v63 =	vbroadcast v3, $0xA;
	v7 =	vmul.f32 v32, v27;
	v6 =	vadd.f32 v28, v6  }
0xc4: {  	v16 =	vmul.f32 v11, v60;
	v8 =	vmul.f32 v34, v33;
	v5 =	vadd.f32 v31, v5  }
0xc5: {  	v61 =	vshll.u32 v53, $0x10;
	v18 =	vld [tilespmem:s11+$0x150];
	v17 =	vshll.u32 v57, $0x10;
	v6 =	vadd.f32 v7, v6  }
0xc6: {  	v20 =	vand.u32 $0xFFFF0000, v57;
	v12 =	vand.u32 $0xFFFF0000, v62;
	v5 =	vadd.f32 v8, v5  }
0xc7: {  	v23 =	vld [tilespmem:s11+$0xFFFFF160];
	v57 =	vbroadcast v2, $0xC;
	v7 =	vmul.f32 v41, v36;
	v6 =	vadd.f32 v37, v6  }
0xc8: {  	v19 =	vmul.f32 v17, v63;
	v8 =	vmul.f32 v43, v42;
	v5 =	vadd.f32 v40, v5  }
0xc9: {  	v24 =	vbroadcast v1, $0xA;
	v25 =	vmul.f32 v12, v21;
	v6 =	vadd.f32 v7, v6  }
0xca: {  	v22 =	vshll.u32 v62, $0x10;
	v26 =	vshll.u32 v18, $0x10;
	v5 =	vadd.f32 v8, v5  }
0xcb: {  	v27 =	vld [tilespmem:s11+$0xFFFFF170];
	v29 =	vand.u32 $0xFFFF0000, v18;
	v7 =	vmul.f32 v50, v45;
	v6 =	vadd.f32 v46, v6  }
0xcc: {  	v32 =	vld [tilespmem:s11+$0x160];
	v10 =	vand.u32 $0xFFFF0000, v23;
	v8 =	vmul.f32 v52, v51;
	v5 =	vadd.f32 v49, v5  }
0xcd: {  	v18 =	vbroadcast v4, $0xD;
	v28 =	vmul.f32 v26, v24;
	v6 =	vadd.f32 v7, v6  }
0xce: {  	v33 =	vbroadcast v3, $0xB;
	v34 =	vmul.f32 v10, v30;
	v5 =	vadd.f32 v8, v5  }
0xcf: {  	v31 =	vshll.u32 v23, $0x10;
	v7 =	vmul.f32 v59, v54;
	v6 =	vadd.f32 v55, v6  }
0xd0: {  	v36 =	vld [tilespmem:s11+$0x170];
	v35 =	vshll.u32 v27, $0x10;
	v8 =	vmul.f32 v61, v60;
	v5 =	vadd.f32 v58, v5  }
0xd1: {  	v41 =	vld [tilespmem:s11+$0xFFFFF180];
	v38 =	vand.u32 $0xFFFF0000, v27;
	v11 =	vand.u32 $0xFFFF0000, v32;
	v6 =	vadd.f32 v7, v6  }
0xd2: {  	v27 =	vbroadcast v2, $0xD;
	v37 =	vmul.f32 v35, v33;
	v5 =	vadd.f32 v8, v5  }
0xd3: {  	v42 =	vbroadcast v1, $0xB;
	v7 =	vmul.f32 v20, v63;
	v6 =	vadd.f32 v16, v6  }
0xd4: {  	v43 =	vmul.f32 v11, v39;
	v8 =	vmul.f32 v22, v21;
	v5 =	vadd.f32 v19, v5  }
0xd5: {  	v40 =	vshll.u32 v32, $0x10;
	v44 =	vshll.u32 v36, $0x10;
	v6 =	vadd.f32 v7, v6  }
0xd6: {  	v45 =	vld [tilespmem:s11+$0xFFFFF190];
	v47 =	vand.u32 $0xFFFF0000, v36;
	v12 =	vand.u32 $0xFFFF0000, v41;
	v5 =	vadd.f32 v8, v5  }
0xd7: {  	v36 =	vbroadcast v4, $0xE;
	v7 =	vmul.f32 v29, v24;
	v6 =	vadd.f32 v25, v6  }
0xd8: {  	v50 =	vld [tilespmem:s11+$0x180];
	v4 =	vbroadcast v4, $0xF;
	v8 =	vmul.f32 v31, v30;
	v5 =	vadd.f32 v28, v5  }
0xd9: {  	v46 =	vmul.f32 v44, v42;
	v51 =	vbroadcast v3, $0xC;
	v6 =	vadd.f32 v7, v6  }
0xda: {  	v52 =	vmul.f32 v12, v48;
	v49 =	vshll.u32 v41, $0x10;
	v5 =	vadd.f32 v8, v5  }
0xdb: {  	v53 =	vshll.u32 v45, $0x10;
	v7 =	vmul.f32 v38, v33;
	v6 =	vadd.f32 v34, v6  }
0xdc: {  	v54 =	vld [tilespmem:s11+$0x190];
	v56 =	vand.u32 $0xFFFF0000, v45;
	v8 =	vmul.f32 v40, v39;
	v5 =	vadd.f32 v37, v5  }
0xdd: {  	v59 =	vld [tilespmem:s11+$0xFFFFF1A0];
	v10 =	vand.u32 $0xFFFF0000, v50;
	v45 =	vbroadcast v2, $0xE;
	v6 =	vadd.f32 v7, v6  }
0xde: {  	v2 =	vbroadcast v2, $0xF;
	v55 =	vmul.f32 v53, v51;
	v5 =	vadd.f32 v8, v5  }
0xdf: {  	v60 =	vbroadcast v1, $0xC;
	v7 =	vmul.f32 v47, v42;
	v6 =	vadd.f32 v43, v6  }
0xe0: {  	v61 =	vmul.f32 v10, v57;
	v8 =	vmul.f32 v49, v48;
	v5 =	vadd.f32 v46, v5  }
0xe1: {  	v58 =	vshll.u32 v50, $0x10;
	v63 =	vld [tilespmem:s11+$0xFFFFF1B0];
	v62 =	vshll.u32 v54, $0x10;
	v6 =	vadd.f32 v7, v6  }
0xe2: {  	v20 =	vld [tilespmem:s11+$0x1A0];
	v17 =	vand.u32 $0xFFFF0000, v54;
	v11 =	vand.u32 $0xFFFF0000, v59;
	v5 =	vadd.f32 v8, v5  }
0xe3: {  	v16 =	vmul.f32 v62, v60;
	v7 =	vmul.f32 v56, v51;
	v6 =	vadd.f32 v52, v6  }
0xe4: {  	v21 =	vbroadcast v3, $0xD;
	v8 =	vmul.f32 v58, v57;
	v5 =	vadd.f32 v55, v5  }
0xe5: {  	v22 =	vmul.f32 v11, v18;
	v19 =	vshll.u32 v59, $0x10;
	v24 =	vld [tilespmem:s11+$0x1B0];
	v6 =	vadd.f32 v7, v6  }
0xe6: {  	v23 =	vshll.u32 v63, $0x10;
	v26 =	vand.u32 $0xFFFF0000, v63;
	v5 =	vadd.f32 v8, v5  }
0xe7: {  	v29 =	vld [tilespmem:s11+$0xFFFFF1C0];
	v12 =	vand.u32 $0xFFFF0000, v20;
	v7 =	vmul.f32 v17, v60;
	v6 =	vadd.f32 v61, v6  }
0xe8: {  	v25 =	vmul.f32 v23, v21;
	v8 =	vmul.f32 v19, v18;
	v5 =	vadd.f32 v16, v5  }
0xe9: {  	v30 =	vbroadcast v1, $0xD;
	v31 =	vmul.f32 v12, v27;
	v6 =	vadd.f32 v7, v6  }
0xea: {  	v28 =	vshll.u32 v20, $0x10;
	v32 =	vshll.u32 v24, $0x10;
	v5 =	vadd.f32 v8, v5  }
0xeb: {  	v33 =	vld [tilespmem:s11+$0xFFFFF1D0];
	v35 =	vand.u32 $0xFFFF0000, v24;
	v7 =	vmul.f32 v26, v21;
	v6 =	vadd.f32 v22, v6  }
0xec: {  	v38 =	vld [tilespmem:s11+$0x1C0];
	v10 =	vand.u32 $0xFFFF0000, v29;
	v8 =	vmul.f32 v28, v27;
	v5 =	vadd.f32 v25, v5  }
0xed: {  	v34 =	vmul.f32 v32, v30;
	v39 =	vbroadcast v3, $0xE;
	v6 =	vadd.f32 v7, v6  }
0xee: {  	v40 =	vmul.f32 v10, v36;
	v3 =	vbroadcast v3, $0xF;
	v5 =	vadd.f32 v8, v5  }
0xef: {  	v37 =	vshll.u32 v29, $0x10;
	v7 =	vmul.f32 v35, v30;
	v6 =	vadd.f32 v31, v6  }
0xf0: {  	v42 =	vld [tilespmem:s11+$0x1D0];
	v41 =	vshll.u32 v33, $0x10;
	v8 =	vmul.f32 v37, v36;
	v5 =	vadd.f32 v34, v5  }
0xf1: {  	v44 =	vand.u32 $0xFFFF0000, v33;
	v11 =	vand.u32 $0xFFFF0000, v38;
	v6 =	vadd.f32 v7, v6  }
0xf2: {  	v47 =	vld [tilespmem:s11+$0xFFFFF1E0];
	v43 =	vmul.f32 v41, v39;
	v48 =	vbroadcast v1, $0xE;
	v5 =	vadd.f32 v8, v5  }
0xf3: {  	v46 =	vshll.u32 v38, $0x10;
	v7 =	vmul.f32 v44, v39;
	v6 =	vadd.f32 v40, v6  }
0xf4: {  	v49 =	vmul.f32 v11, v45;
	v51 =	vld [tilespmem:s11+$0xFFFFF1F0];
	v8 =	vmul.f32 v46, v45;
	v5 =	vadd.f32 v43, v5  }
0xf5: {  	v1 =	vbroadcast v1, $0xF;
	v50 =	vshll.u32 v42, $0x10;
	v6 =	vadd.f32 v7, v6  }
0xf6: {  	v53 =	vand.u32 $0xFFFF0000, v42;
	v52 =	vmul.f32 v50, v48;
	v55 =	vld [tilespmem:s11+$0x1E0];
	v5 =	vadd.f32 v8, v5  }
0xf7: {  	v54 =	vshll.u32 v47, $0x10;
	v7 =	vmul.f32 v53, v48;
	v6 =	vadd.f32 v49, v6  }
0xf8: {  	v56 =	vand.u32 $0xFFFF0000, v47;
	v58 =	vld [tilespmem:s11+$0x1F0];
	v8 =	vmul.f32 v54, v4;
	v5 =	vadd.f32 v52, v5  }
0xf9: {  	v57 =	vshll.u32 v51, $0x10;
	v4 =	vmul.f32 v56, v4;
	v6 =	vadd.f32 v7, v6  }
0xfa: {  	v59 =	vand.u32 $0xFFFF0000, v51;
	v7 =	vmul.f32 v57, v3;
	v5 =	vadd.f32 v8, v5  }
0xfb: {  	v60 =	vshll.u32 v55, $0x10;
	v3 =	vmul.f32 v59, v3;
	v4 =	vadd.f32 v4, v6  }
0xfc: {  	v61 =	vand.u32 $0xFFFF0000, v55;
	v6 =	vmul.f32 v60, v2;
	v5 =	vadd.f32 v7, v5  }
0xfd: {  	v62 =	vshll.u32 v58, $0x10;
	v2 =	vmul.f32 v61, v2;
	v3 =	vadd.f32 v3, v4  }
0xfe: {  	p2 =	sne.s32 s12, $0x1C0;
	v63 =	vand.u32 $0xFFFF0000, v58;
	v4 =	vmul.f32 v62, v1;
	v5 =	vadd.f32 v6, v5  }
.Ltmp0:
0xff: {  	v1 =	vmul.f32 v63, v1;
	v2 =	vadd.f32 v2, v3;
	(pc) =	sbr.rel @p2 .LBB2_3-.Ltmp0, $4  }
0x100: {  	v3 =	vadd.f32 v4, v5  }
0x101: {  	v1 =	vadd.f32 v1, v2  }
0x102: {  	[tilespmem:s9+$0xFFFFFFF0] =	vst v3  }
0x103: {  	s12 =	sadd.s32 $0x40, s12;
	s11 =	sadd.s32 $0x200, s11;
	[tilespmem:s9+$0x0] =	vst v1;
	s9 =	sadd.s32 $0x20, s9  }
0x104: {  	p2 =	seq.s32 s0, $0x0  }
0x105: {  	s9 =	simm.s32 @!p2 $0x3  }
0x106: {  	_ =	swait.ge @!p2 [sflag:s9], $0x100  }
0x107: {  	s0 =	sadd.s32 $0x1, s0;
	[sflag:s9] =	ssyncset.done @!p2 $0x0  }
0x108: {  	[sflag:s9] =	ssyncadd.s32 @!p2 $0xFFFFFF00;
	p2 =	sne.s32 s0, $0x154  }
.Ltmp1:
0x109: {  	_ = 	snop;
	(pc) =	sbr.rel @p2 .LBB2_2-.Ltmp1, $4  }
0x10a: {  	_ = 	snop  }
0x10b: {  	s11 =	sshll.u32 s21, $0x5;
	p1 =	por !p1, !p1;
	s31 =	sadd.s32 $0x1, s31  }
0x10c: {  	s30 =	sadd.s32 $0x2000, s30;
	s29 =	sadd.s32 $0x1, s29;
	s21 =	sadd.s32 s6, s11  }
0x10d: {  	[hbm4b:s21+s4] =	stream.linear.scatter [tilespmem:s10], [sflag:$0x3], $0x100, $0x38;
	[tilespmem:$0x1BE00] =	vst v63  }
0x10e: {  	s28 =	sadd.s32 $0x1, s28  }
0x10f: {  	p1 =	sne.s32 s28, s18  }
.Ltmp2:
0x110: {  	_ = 	snop;
	(pc) =	sbr.rel @p1 .LBB2_1-.Ltmp2, $4  }
0x111: {  	_ = 	snop  }
0x112: {  	_ =	swait.ge [sflag:s25], $0x100  }
0x113: {  	[sflag:s25] =	ssyncset.done $0x0  }
0x114: {  	[sflag:s25] =	ssyncadd.s32 $0xFFFFFF00  }
0x115: {  	_ =	sfence.sel $0x180000  }
0x116: {  	[bflag:$0x0] =	sbarrier.arrive $0xFFFF  }
0x117: {  	_ =	strace $0x90000047  }
0x118: {  	[bflag:$0x2] =	sbarrier.arrive $0xFFFF  }
0x119: {  	p0 =	sne.s32 s3, $0x0;
	s0 =	rddreg [dreg:$0x3]  }
0x11a: {  	s0 =	sadd.s32 @!p0 $0x100000, s0  }
0x11b: {  	[sflag:s0] =	ssyncadd.tile.s32 @!p0 $0x1;
	_ =	shalt  }
.Lfunc_end2:
_tile_overlayer_lowered:
.L_overlay_start_2:
0x11c: {  	(tag) =	ssettag $0x2  }
0x11d: {  	s0 =	rddreg [dreg:$0x0];
	s2 =	stileid.u32  }
0x11e: {  	s1 =	rddreg [dreg:$0x1];
	p0 =	sne.s32 s2, $0x0  }
0x11f: {  	s3 =	rddreg [dreg:$0x2];
	[bflag:$0x3] =	sbarrier.arrive $0xFFFF;
	s2 =	simm.s32 @!p0 $0x1C04  }
0x120: {  	[timem:s3], [sflag:s2] =	dma.local @!p0 [hbm:s0], s1  }
0x121: {  	s0 =	simm.s32 @!p0 $0x4  }
0x122: {  	_ =	swait.ge @!p0 [sflag:s0], s1  }
0x123: {  	s1 =	ssub.s32 @!p0 $0x0, s1;
	[sflag:s0] =	ssyncset.done @!p0 $0x0  }
0x124: {  	[sflag:s0] =	ssyncadd.s32 @!p0 s1  }
0x125: {  	[bflag:$0x3] =	sbarrier.arrive $0xFFFF  }
0x126: {  	_ =	shalt  }

</sc_bundles>
